<compile_context>
chip_gen: v7x
topology: tpu7x:2x2x1
jax: 0.10.2.dev20260603
libtpu: 0.0.44.dev20260713+nightly
codegen_flags: <defaults>
</compile_context>

<pallas_src>
import functools

import numpy as np
import jax
import jax.numpy as jnp
from jax import lax
from jax.experimental import pallas as pl
from jax.experimental.pallas import tpu as pltpu
from jax.experimental.pallas import tpu_sc as plsc

D = 128
NC = 2
NS = 16
CH = 128


_z = np.int32(0)


def _rup(x, m):
    return (x + m - 1) // m * m


@functools.cache
def _sc_segsum(K, R, n_src):
    mesh = plsc.VectorSubcoreMesh(core_axis_name="c", subcore_axis_name="s")
    rs = R // NS

    @functools.partial(
        pl.kernel,
        mesh=mesh,
        out_type=jax.ShapeDtypeStruct((NC, R, D), jnp.float32),
        scratch_types=[
            pltpu.VMEM((K, CH), jnp.int32),
            pltpu.VMEM((K, CH), jnp.int32),
            pltpu.VMEM((CH, D), jnp.float32),
            pltpu.VMEM_SHARED((R, D), jnp.float32),
            pltpu.SemaphoreType.DMA,
        ],
    )
    def k(m_hbm, src_hbm, dst_hbm, z_hbm, out_hbm, src_v, dst_v, rows_v, acc, sem):
        cid = lax.axis_index("c")
        sid = lax.axis_index("s")
        tid = cid * NS + sid
        pltpu.sync_copy(z_hbm, acc.at[pl.ds(sid * rs, rs)])
        pltpu.sync_copy(src_hbm.at[tid], src_v)
        pltpu.sync_copy(dst_hbm.at[tid], dst_v)
        plsc.subcore_barrier()

        def body(i, carry):
            pltpu.async_copy(m_hbm.at[src_v.at[i]], rows_v, sem).wait()
            pltpu.sync_copy(rows_v, acc.at[dst_v.at[i]], add=True)
            return carry

        lax.fori_loop(jnp.int32(0), jnp.int32(K), body, jnp.int32(0))
        plsc.subcore_barrier()
        pltpu.sync_copy(acc.at[pl.ds(sid * rs, rs)],
                        out_hbm.at[cid, pl.ds(sid * rs, rs)])

    return k


@functools.cache
def _sc_segsum_pipe(K, R, n_src):
    mesh = plsc.VectorSubcoreMesh(core_axis_name="c", subcore_axis_name="s")
    rs = R // NS
    K2 = K // 2

    @functools.partial(
        pl.kernel,
        mesh=mesh,
        out_type=jax.ShapeDtypeStruct((NC, R, D), jnp.float32),
        scratch_types=[
            pltpu.VMEM((K2, CH), jnp.int32),
            pltpu.VMEM((K2, CH), jnp.int32),
            [pltpu.VMEM((CH, D), jnp.float32)] * 2,
            pltpu.VMEM_SHARED((R, D), jnp.float32),
            [pltpu.SemaphoreType.DMA] * 2,
        ],
    )
    def k(m_hbm, src_hbm, dst_hbm, z_hbm, out_hbm, src_v, dst_v, rows_v, acc, sems):
        cid = lax.axis_index("c")
        sid = lax.axis_index("s")
        tid = cid * NS + sid
        pltpu.sync_copy(z_hbm, acc.at[pl.ds(sid * rs, rs)])
        plsc.subcore_barrier()
        for half in range(2):
            h0 = np.int32(half * K2)
            pltpu.sync_copy(src_hbm.at[tid, pl.ds(h0, K2)], src_v)
            pltpu.sync_copy(dst_hbm.at[tid, pl.ds(h0, K2)], dst_v)
            for j in range(2):
                pltpu.async_copy(m_hbm.at[src_v.at[np.int32(j)]], rows_v[j],
                                 sems[j])

            def body(q, carry):
                for j in range(2):
                    i = q * np.int32(2) + np.int32(j)
                    pltpu.make_async_copy(m_hbm.at[src_v.at[i]],
                                          rows_v[j], sems[j]).wait()
                    pltpu.sync_copy(rows_v[j], acc.at[dst_v.at[i]], add=True)
                    pltpu.async_copy(m_hbm.at[src_v.at[i + np.int32(2)]],
                                     rows_v[j], sems[j])
                return carry

            lax.fori_loop(jnp.int32(0), jnp.int32(K2 // 2 - 1), body,
                          jnp.int32(0))
            for j in range(2):
                i = np.int32(K2 - 2 + j)
                pltpu.make_async_copy(m_hbm.at[src_v.at[i]],
                                      rows_v[j], sems[j]).wait()
                pltpu.sync_copy(rows_v[j], acc.at[dst_v.at[i]], add=True)
        plsc.subcore_barrier()
        pltpu.sync_copy(acc.at[pl.ds(sid * rs, rs)],
                        out_hbm.at[cid, pl.ds(sid * rs, rs)])

    return k


def _segsum(m, src, dst, n_out):
    e = src.shape[0]
    n_src = m.shape[0]
    R = _rup(n_out + 1, 8 * NS)
    ep = _rup(e, NC * NS * CH)
    K = ep // (NC * NS * CH)
    pad = ep - e
    src_p = jnp.concatenate([src, jnp.zeros((pad,), jnp.int32)]).reshape(
        NC * NS, K, CH)
    dst_p = jnp.concatenate([dst, jnp.full((pad,), n_out, jnp.int32)]).reshape(
        NC * NS, K, CH)
    zrows = jnp.zeros((R // NS, D), jnp.float32)
    spmem_need = R * D + NS * (K * CH + 2 * CH * D) + 2 ** 16
    if K % 16 == 0 and spmem_need < 2 ** 21:
        return _sc_segsum_pipe(K, R, n_src)(m, src_p, dst_p, zrows)
    return _sc_segsum(K, R, n_src)(m, src_p, dst_p, zrows)


def _dot(a, b):
    return lax.dot_general(a, b, (((1,), (0,)), ((), ())),
                           precision=lax.Precision.HIGHEST,
                           preferred_element_type=jnp.float32)


def _ln(z):
    mu = jnp.mean(z, axis=-1, keepdims=True)
    var = jnp.mean((z - mu) ** 2, axis=-1, keepdims=True)
    return (z - mu) * lax.rsqrt(var + 1e-5)


def _ln_mm2_body(z_ref, wm_ref, ws_ref, m_ref, s_ref):
    h = _ln(z_ref[...])
    m_ref[...] = _dot(h, wm_ref[...])
    s_ref[...] = _dot(h, ws_ref[...])


@functools.cache
def _ln_mm2(n, bn):
    grid = n // bn
    w_spec = pl.BlockSpec((D, D), lambda i: (_z, _z))
    r_spec = pl.BlockSpec((bn, D), lambda i: (i, _z))
    return pl.pallas_call(
        _ln_mm2_body,
        grid=(grid,),
        in_specs=[r_spec, w_spec, w_spec],
        out_specs=[r_spec, r_spec],
        out_shape=[jax.ShapeDtypeStruct((n, D), jnp.float32)] * 2,
    )


def _combine1_body(s_ref, aggp_ref, wup_ref, keep_ref, h_ref, u_ref, *, n):
    hc = s_ref[...] + aggp_ref[0, :n, :] + aggp_ref[1, :n, :]
    h_ref[...] = hc
    u_ref[...] = _dot(keep_ref[...] * hc, wup_ref[...])


@functools.cache
def _combine1(n, R):
    spec = pl.BlockSpec((n, D), lambda: (_z, _z))
    return pl.pallas_call(
        functools.partial(_combine1_body, n=n),
        in_specs=[spec,
                  pl.BlockSpec((NC, R, D), lambda: (_z, _z, _z)),
                  pl.BlockSpec((D, D), lambda: (_z, _z)),
                  pl.BlockSpec((n, 1), lambda: (_z, _z))],
        out_specs=[spec, spec],
        out_shape=[jax.ShapeDtypeStruct((n, D), jnp.float32)] * 2,
    )


def _assemble0_body(s_ref, aggp_ref, inpp_ref, wup_ref, bup_ref, o_ref,
                    *, final_ln):
    hc = s_ref[...] + aggp_ref[0] + aggp_ref[1]
    z = hc + inpp_ref[0] + inpp_ref[1] + _dot(hc, wup_ref[...]) + bup_ref[...]
    o_ref[...] = _ln(z) if final_ln else z


@functools.cache
def _assemble0(n, bn, R, final_ln):
    grid = n // bn
    r_spec = pl.BlockSpec((bn, D), lambda i: (i, _z))
    p_spec = pl.BlockSpec((NC, bn, D), lambda i: (_z, i, _z))
    return pl.pallas_call(
        functools.partial(_assemble0_body, final_ln=final_ln),
        grid=(grid,),
        in_specs=[r_spec, p_spec, p_spec,
                  pl.BlockSpec((D, D), lambda i: (_z, _z)),
                  pl.BlockSpec((1, D), lambda i: (_z, _z))],
        out_specs=r_spec,
        out_shape=jax.ShapeDtypeStruct((n, D), jnp.float32),
    )


def _ln_only_body(z_ref, o_ref):
    o_ref[...] = _ln(z_ref[...])


@functools.cache
def _ln_only(n):
    spec = pl.BlockSpec((n, D), lambda: (_z, _z))
    return pl.pallas_call(
        _ln_only_body,
        in_specs=[spec],
        out_specs=spec,
        out_shape=jax.ShapeDtypeStruct((n, D), jnp.float32),
    )


def kernel(hn0, hn1, Wself, Wmsg, Wup, bup, edge_index0, edge_index1, idx1):
    n0, _ = hn0.shape
    n1, _ = hn1.shape
    L = Wself.shape[0]
    out_dt = jnp.result_type(hn0.dtype, Wself.dtype, Wup.dtype)
    src0 = edge_index0[0].astype(jnp.int32)
    dst0 = edge_index0[1].astype(jnp.int32)
    src1 = edge_index1[0].astype(jnp.int32)
    dst1 = edge_index1[1].astype(jnp.int32)
    idx1 = idx1.astype(jnp.int32)
    Wself = Wself.astype(jnp.float32)
    Wmsg = Wmsg.astype(jnp.float32)
    Wup = Wup.astype(jnp.float32)
    bup = bup.astype(jnp.float32)

    ar = jnp.arange(n1, dtype=jnp.int32)
    winner = jnp.full((n0,), -1, jnp.int32).at[idx1].max(ar,
                                                         mode='promise_in_bounds')
    keep = (winner[idx1] == ar).astype(jnp.float32)[:, None]

    bn0 = 1000
    R0 = _rup(n0 + 1, 8 * NS)
    R1 = _rup(n1 + 1, 8 * NS)

    z0, z1 = hn0.astype(jnp.float32), hn1.astype(jnp.float32)
    for l in range(L):
        m0, s0 = _ln_mm2(n0, bn0)(z0, Wmsg[l, 0], Wself[l, 0])
        m1, s1 = _ln_mm2(n1, n1)(z1, Wmsg[l, 1], Wself[l, 1])
        agg0p = _segsum(m0, src0, dst0, n0)
        agg1p = _segsum(m1, src1, dst1, n1)
        h1c, u1 = _combine1(n1, R1)(s1, agg1p, Wup[l, :D], keep)
        inpp = _segsum(u1, ar, idx1, n0)
        z0 = _assemble0(n0, bn0, R0, l == L - 1)(
            s0, agg0p, inpp, Wup[l, D:], bup[l][None, :])
        z1 = h1c
    return (z0.astype(out_dt), _ln_only(n1)(z1).astype(out_dt))

# --- scband reference (transcript-rebuilt; emitter-appended) ---
"""Pipeline reference for scband-latent-18013092840069 (READ-ONLY COPY).

The authoritative reference and input builder live on the scoring server;
editing this copy changes nothing except your own understanding.
"""

import jax, jax.numpy as jnp
import numpy as np
jax.config.update('jax_enable_x64', True)

D = 128
N0, N1 = 10000, 2500
E0, E1 = 320000, 80000
L = 2  # num_layers


def layer_norm(h):
    mu = jnp.mean(h, axis=-1, keepdims=True)
    var = jnp.var(h, axis=-1, keepdims=True)
    return (h - mu) / jnp.sqrt(var + 1e-5)


def conv(h, ei, Ws, Wm, n):
    src, dst = ei[0], ei[1]
    msg = jnp.take(h @ Wm, src, axis=0)
    agg = jax.ops.segment_sum(msg, dst, num_segments=n)
    return h @ Ws + agg


def setup_inputs(seed: int = 0):
    key = jax.random.key(seed)
    ks = jax.random.split(key, 10)
    hn0 = jax.random.normal(ks[0], (N0, D), dtype=jnp.float32)
    hn1 = jax.random.normal(ks[1], (N1, D), dtype=jnp.float32)
    edge_index0 = jax.random.randint(ks[2], (2, E0), 0, N0, dtype=jnp.int64)
    edge_index1 = jax.random.randint(ks[3], (2, E1), 0, N1, dtype=jnp.int64)
    idx1 = jax.random.randint(ks[4], (N1,), 0, N0, dtype=jnp.int64)
    s = 1.0 / np.sqrt(D)
    Wself = jax.random.normal(ks[5], (L, 2, D, D), dtype=jnp.float32) * s
    Wmsg = jax.random.normal(ks[6], (L, 2, D, D), dtype=jnp.float32) * s
    Wup = jax.random.normal(ks[7], (L, 2 * D, D), dtype=jnp.float32) * (1.0 / np.sqrt(2 * D))
    bup = jnp.zeros((L, D), dtype=jnp.float32)
    return {'hn0': hn0, 'hn1': hn1, 'Wself': Wself, 'Wmsg': Wmsg, 'Wup': Wup, 'bup': bup,
            'edge_index0': edge_index0, 'edge_index1': edge_index1, 'idx1': idx1}


def reference(hn0, hn1, Wself, Wmsg, Wup, bup, edge_index0, edge_index1, idx1):
    # Latent: vNormLayer, then num_layers x (vWrap, vNormLayer), num_levels=2
    h0 = layer_norm(hn0)
    h1 = layer_norm(hn1)
    for l in range(L):
        # vWrap: per-level message passing
        h0 = conv(h0, edge_index0, Wself[l, 0], Wmsg[l, 0], N0)
        h1 = conv(h1, edge_index1, Wself[l, 1], Wmsg[l, 1], N1)
        # upward pass: scatter coarse features into fine-level slots, concat, linear, residual add
        inp = jnp.zeros_like(h0).at[idx1].set(h1)
        h0 = h0 + jnp.concatenate([inp, h0], axis=1) @ Wup[l] + bup[l]
        # vNormLayer on every level
        h0 = layer_norm(h0)
        h1 = layer_norm(h1)
    return (h0, h1)

if __name__ == "__main__":
    import jax
    _d = setup_inputs()
    print(jax.jit(kernel)(*tuple(_d.values())))

</pallas_src>

<mosaic_0001>
#map = affine_map<(d0, d1) -> (0, 0)>
#map1 = affine_map<(d0, d1) -> (0, 0, 0)>
module attributes {stable_mosaic.version = 14 : i64} {
  func.func @k(%arg0: i32, %arg1: i32, %arg2: memref<2500x128xf32, #tpu.memory_space<hbm>>, %arg3: memref<32x20x128xi32, #tpu.memory_space<hbm>>, %arg4: memref<32x20x128xi32, #tpu.memory_space<hbm>>, %arg5: memref<160x128xf32, #tpu.memory_space<hbm>>, %arg6: memref<2x2560x128xf32, #tpu.memory_space<hbm>>, %arg7: memref<20x128xi32, #tpu.memory_space<vmem>>, %arg8: memref<20x128xi32, #tpu.memory_space<vmem>>, %arg9: memref<128x128xf32, #tpu.memory_space<vmem>>, %arg10: memref<2560x128xf32, #tpu.memory_space<vmem_shared>>, %arg11: memref<!tpu.dma_semaphore, #tpu.memory_space<semaphore_mem>>) attributes {dimension_semantics = [#tpu.dimension_semantics<core_parallel>, #tpu.dimension_semantics<subcore_parallel>], iteration_bounds = array<i64: 2, 16>, scalar_prefetch = 0 : i64, scratch_operands = 5 : i64, tpu.core_type = #tpu.core_type<sc_vector_subcore>, window_params = [{transform_indices = #map}, {transform_indices = #map1}, {transform_indices = #map1}, {transform_indices = #map}, {transform_indices = #map1}]} {
    %mul3A = arith.constant 16 : i32
    %mul3A_0 = arith.muli %arg0, %mul3A : i32
    %add3A = arith.addi %mul3A_0, %arg1 : i32
    %mul3A_1 = arith.constant 160 : i32
    %mul3A_2 = arith.muli %arg1, %mul3A_1 : i32
    "tpu.region"() ({
      %run_scoped3A = tpu.sem_alloc : memref<!tpu.dma_semaphore, #tpu.memory_space<semaphore_mem>>
      %dma_start3A = arith.constant 0 : i32
      %dma_start3A_18 = tpu.memref_slice %arg10[%mul3A_2, %dma_start3A] : memref<2560x128xf32, #tpu.memory_space<vmem_shared>> -> memref<160x128xf32, #tpu.memory_space<vmem_shared>>
      tpu.enqueue_dma source(%arg5 : memref<160x128xf32, #tpu.memory_space<hbm>>) target(%dma_start3A_18 : memref<160x128xf32, #tpu.memory_space<vmem_shared>>) target_semaphore(%run_scoped3A : memref<!tpu.dma_semaphore, #tpu.memory_space<semaphore_mem>>)
      %dma_wait3A = arith.constant 0 : i32
      %dma_wait3A_19 = tpu.memref_slice %arg10[%mul3A_2, %dma_wait3A] : memref<2560x128xf32, #tpu.memory_space<vmem_shared>> -> memref<160x128xf32, #tpu.memory_space<vmem_shared>>
      tpu.wait_dma2 semaphore(%run_scoped3A : memref<!tpu.dma_semaphore, #tpu.memory_space<semaphore_mem>>) src(%arg5 : memref<160x128xf32, #tpu.memory_space<hbm>>) dst(%dma_wait3A_19 : memref<160x128xf32, #tpu.memory_space<vmem_shared>>)
      tpu.yield
    }) : () -> ()
    "tpu.region"() ({
      %run_scoped3A = tpu.sem_alloc : memref<!tpu.dma_semaphore, #tpu.memory_space<semaphore_mem>>
      %dma_start3A = arith.constant 0 : i32
      %dma_start3A_18 = arith.constant 0 : i32
      %dma_start3A_19 = tpu.memref_slice %arg3[%add3A, %dma_start3A, %dma_start3A_18] : memref<32x20x128xi32, #tpu.memory_space<hbm>> -> memref<1x20x128xi32, #tpu.memory_space<hbm>>
      %dma_start3A_20 = tpu.memref_squeeze %dma_start3A_19 : memref<1x20x128xi32, #tpu.memory_space<hbm>> -> memref<20x128xi32, #tpu.memory_space<hbm>>
      %dma_start3A_21 = arith.constant 0 : i32
      %dma_start3A_22 = arith.constant 0 : i32
      %dma_start3A_23 = tpu.memref_slice %arg3[%add3A, %dma_start3A_21, %dma_start3A_22] : memref<32x20x128xi32, #tpu.memory_space<hbm>> -> memref<1x20x128xi32, #tpu.memory_space<hbm>>
      %dma_start3A_24 = tpu.memref_squeeze %dma_start3A_23 : memref<1x20x128xi32, #tpu.memory_space<hbm>> -> memref<20x128xi32, #tpu.memory_space<hbm>>
      tpu.enqueue_dma source(%dma_start3A_24 : memref<20x128xi32, #tpu.memory_space<hbm>>) target(%arg7 : memref<20x128xi32, #tpu.memory_space<vmem>>) target_semaphore(%run_scoped3A : memref<!tpu.dma_semaphore, #tpu.memory_space<semaphore_mem>>)
      %dma_wait3A = arith.constant 0 : i32
      %dma_wait3A_25 = arith.constant 0 : i32
      %dma_wait3A_26 = tpu.memref_slice %arg3[%add3A, %dma_wait3A, %dma_wait3A_25] : memref<32x20x128xi32, #tpu.memory_space<hbm>> -> memref<1x20x128xi32, #tpu.memory_space<hbm>>
      %dma_wait3A_27 = tpu.memref_squeeze %dma_wait3A_26 : memref<1x20x128xi32, #tpu.memory_space<hbm>> -> memref<20x128xi32, #tpu.memory_space<hbm>>
      %dma_wait3A_28 = arith.constant 0 : i32
      %dma_wait3A_29 = arith.constant 0 : i32
      %dma_wait3A_30 = tpu.memref_slice %arg3[%add3A, %dma_wait3A_28, %dma_wait3A_29] : memref<32x20x128xi32, #tpu.memory_space<hbm>> -> memref<1x20x128xi32, #tpu.memory_space<hbm>>
      %dma_wait3A_31 = tpu.memref_squeeze %dma_wait3A_30 : memref<1x20x128xi32, #tpu.memory_space<hbm>> -> memref<20x128xi32, #tpu.memory_space<hbm>>
      tpu.wait_dma2 semaphore(%run_scoped3A : memref<!tpu.dma_semaphore, #tpu.memory_space<semaphore_mem>>) src(%dma_wait3A_31 : memref<20x128xi32, #tpu.memory_space<hbm>>) dst(%arg7 : memref<20x128xi32, #tpu.memory_space<vmem>>)
      tpu.yield
    }) : () -> ()
    "tpu.region"() ({
      %run_scoped3A = tpu.sem_alloc : memref<!tpu.dma_semaphore, #tpu.memory_space<semaphore_mem>>
      %dma_start3A = arith.constant 0 : i32
      %dma_start3A_18 = arith.constant 0 : i32
      %dma_start3A_19 = tpu.memref_slice %arg4[%add3A, %dma_start3A, %dma_start3A_18] : memref<32x20x128xi32, #tpu.memory_space<hbm>> -> memref<1x20x128xi32, #tpu.memory_space<hbm>>
      %dma_start3A_20 = tpu.memref_squeeze %dma_start3A_19 : memref<1x20x128xi32, #tpu.memory_space<hbm>> -> memref<20x128xi32, #tpu.memory_space<hbm>>
      %dma_start3A_21 = arith.constant 0 : i32
      %dma_start3A_22 = arith.constant 0 : i32
      %dma_start3A_23 = tpu.memref_slice %arg4[%add3A, %dma_start3A_21, %dma_start3A_22] : memref<32x20x128xi32, #tpu.memory_space<hbm>> -> memref<1x20x128xi32, #tpu.memory_space<hbm>>
      %dma_start3A_24 = tpu.memref_squeeze %dma_start3A_23 : memref<1x20x128xi32, #tpu.memory_space<hbm>> -> memref<20x128xi32, #tpu.memory_space<hbm>>
      tpu.enqueue_dma source(%dma_start3A_24 : memref<20x128xi32, #tpu.memory_space<hbm>>) target(%arg8 : memref<20x128xi32, #tpu.memory_space<vmem>>) target_semaphore(%run_scoped3A : memref<!tpu.dma_semaphore, #tpu.memory_space<semaphore_mem>>)
      %dma_wait3A = arith.constant 0 : i32
      %dma_wait3A_25 = arith.constant 0 : i32
      %dma_wait3A_26 = tpu.memref_slice %arg4[%add3A, %dma_wait3A, %dma_wait3A_25] : memref<32x20x128xi32, #tpu.memory_space<hbm>> -> memref<1x20x128xi32, #tpu.memory_space<hbm>>
      %dma_wait3A_27 = tpu.memref_squeeze %dma_wait3A_26 : memref<1x20x128xi32, #tpu.memory_space<hbm>> -> memref<20x128xi32, #tpu.memory_space<hbm>>
      %dma_wait3A_28 = arith.constant 0 : i32
      %dma_wait3A_29 = arith.constant 0 : i32
      %dma_wait3A_30 = tpu.memref_slice %arg4[%add3A, %dma_wait3A_28, %dma_wait3A_29] : memref<32x20x128xi32, #tpu.memory_space<hbm>> -> memref<1x20x128xi32, #tpu.memory_space<hbm>>
      %dma_wait3A_31 = tpu.memref_squeeze %dma_wait3A_30 : memref<1x20x128xi32, #tpu.memory_space<hbm>> -> memref<20x128xi32, #tpu.memory_space<hbm>>
      tpu.wait_dma2 semaphore(%run_scoped3A : memref<!tpu.dma_semaphore, #tpu.memory_space<semaphore_mem>>) src(%dma_wait3A_31 : memref<20x128xi32, #tpu.memory_space<hbm>>) dst(%arg8 : memref<20x128xi32, #tpu.memory_space<vmem>>)
      tpu.yield
    }) : () -> ()
    %barrier3A = arith.constant 0 : index
    tpu.barrier barrier_id(%barrier3A)
    %while3A = arith.constant 0 : i32
    %while3A_3 = arith.constant 0 : i32
    %while3A_4 = arith.constant 20 : i32
    %while3A_5 = arith.subi %while3A_4, %while3A_3 : i32
    %while3A_6 = arith.addi %while3A_3, %while3A_5 : i32
    %while3A_7 = arith.constant 1 : i32
    %while3A_8 = arith.divsi %while3A_5, %while3A_7 : i32
    %while3A_9 = arith.muli %while3A_8, %while3A_7 : i32
    %while3A_10 = arith.addi %while3A_3, %while3A_9 : i32
    %while3A_11 = arith.constant 1 : i32
    scf.for %while3A_18 = %while3A_3 to %while3A_10 step %while3A_11  : i32 {
      %dma_start3A = arith.constant 0 : i32
      %dma_start3A_19 = tpu.memref_slice %arg7[%while3A_18, %dma_start3A] : memref<20x128xi32, #tpu.memory_space<vmem>> -> memref<1x128xi32, #tpu.memory_space<vmem>>
      %dma_start3A_20 = tpu.memref_squeeze %dma_start3A_19 : memref<1x128xi32, #tpu.memory_space<vmem>> -> memref<128xi32, #tpu.memory_space<vmem>>
      %dma_start3A_21 = arith.constant 0 : i32
      %dma_start3A_22 = arith.constant 0 : i32
      %dma_start3A_23 = tpu.memref_slice %arg2[%dma_start3A_21, %dma_start3A_22] : memref<2500x128xf32, #tpu.memory_space<hbm>> -> memref<2500x128xf32, #tpu.memory_space<hbm>>
      tpu.enqueue_indirect_dma source(%dma_start3A_23 : memref<2500x128xf32, #tpu.memory_space<hbm>>) target(%arg9 : memref<128x128xf32, #tpu.memory_space<vmem>>) offsets(%dma_start3A_20 : memref<128xi32, #tpu.memory_space<vmem>>) semaphore(%arg11 : memref<!tpu.dma_semaphore, #tpu.memory_space<semaphore_mem>>)
      %dma_wait3A = arith.constant 0 : i32
      %dma_wait3A_24 = tpu.memref_slice %arg7[%while3A_18, %dma_wait3A] : memref<20x128xi32, #tpu.memory_space<vmem>> -> memref<1x128xi32, #tpu.memory_space<vmem>>
      %dma_wait3A_25 = tpu.memref_squeeze %dma_wait3A_24 : memref<1x128xi32, #tpu.memory_space<vmem>> -> memref<128xi32, #tpu.memory_space<vmem>>
      %dma_wait3A_26 = arith.constant 0 : i32
      %dma_wait3A_27 = arith.constant 0 : i32
      %dma_wait3A_28 = tpu.memref_slice %arg2[%dma_wait3A_26, %dma_wait3A_27] : memref<2500x128xf32, #tpu.memory_space<hbm>> -> memref<2500x128xf32, #tpu.memory_space<hbm>>
      tpu.wait_indirect_dma semaphore(%arg11 : memref<!tpu.dma_semaphore, #tpu.memory_space<semaphore_mem>>) src(%dma_wait3A_28 : memref<2500x128xf32, #tpu.memory_space<hbm>>) dst(%arg9 : memref<128x128xf32, #tpu.memory_space<vmem>>)
      "tpu.region"() ({
        %run_scoped3A = tpu.sem_alloc : memref<!tpu.dma_semaphore, #tpu.memory_space<semaphore_mem>>
        %dma_start3A_29 = arith.constant 0 : i32
        %dma_start3A_30 = tpu.memref_slice %arg8[%while3A_18, %dma_start3A_29] : memref<20x128xi32, #tpu.memory_space<vmem>> -> memref<1x128xi32, #tpu.memory_space<vmem>>
        %dma_start3A_31 = tpu.memref_squeeze %dma_start3A_30 : memref<1x128xi32, #tpu.memory_space<vmem>> -> memref<128xi32, #tpu.memory_space<vmem>>
        %dma_start3A_32 = arith.constant 0 : i32
        %dma_start3A_33 = arith.constant 0 : i32
        %dma_start3A_34 = tpu.memref_slice %arg10[%dma_start3A_32, %dma_start3A_33] : memref<2560x128xf32, #tpu.memory_space<vmem_shared>> -> memref<2560x128xf32, #tpu.memory_space<vmem_shared>>
        tpu.enqueue_indirect_dma source(%arg9 : memref<128x128xf32, #tpu.memory_space<vmem>>) target(%dma_start3A_34 : memref<2560x128xf32, #tpu.memory_space<vmem_shared>>) offsets(%dma_start3A_31 : memref<128xi32, #tpu.memory_space<vmem>>) semaphore(%run_scoped3A : memref<!tpu.dma_semaphore, #tpu.memory_space<semaphore_mem>>) {add = true}
        %dma_wait3A_35 = arith.constant 0 : i32
        %dma_wait3A_36 = tpu.memref_slice %arg8[%while3A_18, %dma_wait3A_35] : memref<20x128xi32, #tpu.memory_space<vmem>> -> memref<1x128xi32, #tpu.memory_space<vmem>>
        %dma_wait3A_37 = tpu.memref_squeeze %dma_wait3A_36 : memref<1x128xi32, #tpu.memory_space<vmem>> -> memref<128xi32, #tpu.memory_space<vmem>>
        %dma_wait3A_38 = arith.constant 0 : i32
        %dma_wait3A_39 = arith.constant 0 : i32
        %dma_wait3A_40 = tpu.memref_slice %arg10[%dma_wait3A_38, %dma_wait3A_39] : memref<2560x128xf32, #tpu.memory_space<vmem_shared>> -> memref<2560x128xf32, #tpu.memory_space<vmem_shared>>
        tpu.wait_indirect_dma semaphore(%run_scoped3A : memref<!tpu.dma_semaphore, #tpu.memory_space<semaphore_mem>>) src(%arg9 : memref<128x128xf32, #tpu.memory_space<vmem>>) dst(%dma_wait3A_40 : memref<2560x128xf32, #tpu.memory_space<vmem_shared>>)
        tpu.yield
      }) : () -> ()
    }
    %while3A_12 = arith.constant 1 : i32
    scf.for %while3A_18 = %while3A_10 to %while3A_6 step %while3A_12  : i32 {
      %dma_start3A = arith.constant 0 : i32
      %dma_start3A_19 = tpu.memref_slice %arg7[%while3A_18, %dma_start3A] : memref<20x128xi32, #tpu.memory_space<vmem>> -> memref<1x128xi32, #tpu.memory_space<vmem>>
      %dma_start3A_20 = tpu.memref_squeeze %dma_start3A_19 : memref<1x128xi32, #tpu.memory_space<vmem>> -> memref<128xi32, #tpu.memory_space<vmem>>
      %dma_start3A_21 = arith.constant 0 : i32
      %dma_start3A_22 = arith.constant 0 : i32
      %dma_start3A_23 = tpu.memref_slice %arg2[%dma_start3A_21, %dma_start3A_22] : memref<2500x128xf32, #tpu.memory_space<hbm>> -> memref<2500x128xf32, #tpu.memory_space<hbm>>
      tpu.enqueue_indirect_dma source(%dma_start3A_23 : memref<2500x128xf32, #tpu.memory_space<hbm>>) target(%arg9 : memref<128x128xf32, #tpu.memory_space<vmem>>) offsets(%dma_start3A_20 : memref<128xi32, #tpu.memory_space<vmem>>) semaphore(%arg11 : memref<!tpu.dma_semaphore, #tpu.memory_space<semaphore_mem>>)
      %dma_wait3A = arith.constant 0 : i32
      %dma_wait3A_24 = tpu.memref_slice %arg7[%while3A_18, %dma_wait3A] : memref<20x128xi32, #tpu.memory_space<vmem>> -> memref<1x128xi32, #tpu.memory_space<vmem>>
      %dma_wait3A_25 = tpu.memref_squeeze %dma_wait3A_24 : memref<1x128xi32, #tpu.memory_space<vmem>> -> memref<128xi32, #tpu.memory_space<vmem>>
      %dma_wait3A_26 = arith.constant 0 : i32
      %dma_wait3A_27 = arith.constant 0 : i32
      %dma_wait3A_28 = tpu.memref_slice %arg2[%dma_wait3A_26, %dma_wait3A_27] : memref<2500x128xf32, #tpu.memory_space<hbm>> -> memref<2500x128xf32, #tpu.memory_space<hbm>>
      tpu.wait_indirect_dma semaphore(%arg11 : memref<!tpu.dma_semaphore, #tpu.memory_space<semaphore_mem>>) src(%dma_wait3A_28 : memref<2500x128xf32, #tpu.memory_space<hbm>>) dst(%arg9 : memref<128x128xf32, #tpu.memory_space<vmem>>)
      "tpu.region"() ({
        %run_scoped3A = tpu.sem_alloc : memref<!tpu.dma_semaphore, #tpu.memory_space<semaphore_mem>>
        %dma_start3A_29 = arith.constant 0 : i32
        %dma_start3A_30 = tpu.memref_slice %arg8[%while3A_18, %dma_start3A_29] : memref<20x128xi32, #tpu.memory_space<vmem>> -> memref<1x128xi32, #tpu.memory_space<vmem>>
        %dma_start3A_31 = tpu.memref_squeeze %dma_start3A_30 : memref<1x128xi32, #tpu.memory_space<vmem>> -> memref<128xi32, #tpu.memory_space<vmem>>
        %dma_start3A_32 = arith.constant 0 : i32
        %dma_start3A_33 = arith.constant 0 : i32
        %dma_start3A_34 = tpu.memref_slice %arg10[%dma_start3A_32, %dma_start3A_33] : memref<2560x128xf32, #tpu.memory_space<vmem_shared>> -> memref<2560x128xf32, #tpu.memory_space<vmem_shared>>
        tpu.enqueue_indirect_dma source(%arg9 : memref<128x128xf32, #tpu.memory_space<vmem>>) target(%dma_start3A_34 : memref<2560x128xf32, #tpu.memory_space<vmem_shared>>) offsets(%dma_start3A_31 : memref<128xi32, #tpu.memory_space<vmem>>) semaphore(%run_scoped3A : memref<!tpu.dma_semaphore, #tpu.memory_space<semaphore_mem>>) {add = true}
        %dma_wait3A_35 = arith.constant 0 : i32
        %dma_wait3A_36 = tpu.memref_slice %arg8[%while3A_18, %dma_wait3A_35] : memref<20x128xi32, #tpu.memory_space<vmem>> -> memref<1x128xi32, #tpu.memory_space<vmem>>
        %dma_wait3A_37 = tpu.memref_squeeze %dma_wait3A_36 : memref<1x128xi32, #tpu.memory_space<vmem>> -> memref<128xi32, #tpu.memory_space<vmem>>
        %dma_wait3A_38 = arith.constant 0 : i32
        %dma_wait3A_39 = arith.constant 0 : i32
        %dma_wait3A_40 = tpu.memref_slice %arg10[%dma_wait3A_38, %dma_wait3A_39] : memref<2560x128xf32, #tpu.memory_space<vmem_shared>> -> memref<2560x128xf32, #tpu.memory_space<vmem_shared>>
        tpu.wait_indirect_dma semaphore(%run_scoped3A : memref<!tpu.dma_semaphore, #tpu.memory_space<semaphore_mem>>) src(%arg9 : memref<128x128xf32, #tpu.memory_space<vmem>>) dst(%dma_wait3A_40 : memref<2560x128xf32, #tpu.memory_space<vmem_shared>>)
        tpu.yield
      }) : () -> ()
    }
    %barrier3A_13 = arith.constant 0 : index
    tpu.barrier barrier_id(%barrier3A_13)
    %mul3A_14 = arith.constant 160 : i32
    %mul3A_15 = arith.muli %arg1, %mul3A_14 : i32
    %mul3A_16 = arith.constant 160 : i32
    %mul3A_17 = arith.muli %arg1, %mul3A_16 : i32
    "tpu.region"() ({
      %run_scoped3A = tpu.sem_alloc : memref<!tpu.dma_semaphore, #tpu.memory_space<semaphore_mem>>
      %dma_start3A = arith.constant 0 : i32
      %dma_start3A_18 = tpu.memref_slice %arg6[%arg0, %mul3A_17, %dma_start3A] : memref<2x2560x128xf32, #tpu.memory_space<hbm>> -> memref<1x160x128xf32, #tpu.memory_space<hbm>>
      %dma_start3A_19 = tpu.memref_squeeze %dma_start3A_18 : memref<1x160x128xf32, #tpu.memory_space<hbm>> -> memref<160x128xf32, #tpu.memory_space<hbm>>
      %dma_start3A_20 = arith.constant 0 : i32
      %dma_start3A_21 = tpu.memref_slice %arg10[%mul3A_15, %dma_start3A_20] : memref<2560x128xf32, #tpu.memory_space<vmem_shared>> -> memref<160x128xf32, #tpu.memory_space<vmem_shared>>
      tpu.enqueue_dma source(%dma_start3A_21 : memref<160x128xf32, #tpu.memory_space<vmem_shared>>) target(%dma_start3A_19 : memref<160x128xf32, #tpu.memory_space<hbm>>) target_semaphore(%run_scoped3A : memref<!tpu.dma_semaphore, #tpu.memory_space<semaphore_mem>>)
      %dma_wait3A = arith.constant 0 : i32
      %dma_wait3A_22 = tpu.memref_slice %arg6[%arg0, %mul3A_17, %dma_wait3A] : memref<2x2560x128xf32, #tpu.memory_space<hbm>> -> memref<1x160x128xf32, #tpu.memory_space<hbm>>
      %dma_wait3A_23 = tpu.memref_squeeze %dma_wait3A_22 : memref<1x160x128xf32, #tpu.memory_space<hbm>> -> memref<160x128xf32, #tpu.memory_space<hbm>>
      %dma_wait3A_24 = arith.constant 0 : i32
      %dma_wait3A_25 = tpu.memref_slice %arg10[%mul3A_15, %dma_wait3A_24] : memref<2560x128xf32, #tpu.memory_space<vmem_shared>> -> memref<160x128xf32, #tpu.memory_space<vmem_shared>>
      tpu.wait_dma2 semaphore(%run_scoped3A : memref<!tpu.dma_semaphore, #tpu.memory_space<semaphore_mem>>) src(%dma_wait3A_25 : memref<160x128xf32, #tpu.memory_space<vmem_shared>>) dst(%dma_wait3A_23 : memref<160x128xf32, #tpu.memory_space<hbm>>)
      tpu.yield
    }) : () -> ()
    return
  }
}

#map = affine_map<(d0, d1) -> (0, 0)>
#map1 = affine_map<(d0, d1) -> (0, 0, 0)>
module attributes {stable_mosaic.version = 14 : i64} {
  func.func @k(%arg0: i32, %arg1: i32, %arg2: memref<10000x128xf32, #tpu.memory_space<hbm>>, %arg3: memref<32x79x128xi32, #tpu.memory_space<hbm>>, %arg4: memref<32x79x128xi32, #tpu.memory_space<hbm>>, %arg5: memref<632x128xf32, #tpu.memory_space<hbm>>, %arg6: memref<2x10112x128xf32, #tpu.memory_space<hbm>>, %arg7: memref<79x128xi32, #tpu.memory_space<vmem>>, %arg8: memref<79x128xi32, #tpu.memory_space<vmem>>, %arg9: memref<128x128xf32, #tpu.memory_space<vmem>>, %arg10: memref<10112x128xf32, #tpu.memory_space<vmem_shared>>, %arg11: memref<!tpu.dma_semaphore, #tpu.memory_space<semaphore_mem>>) attributes {dimension_semantics = [#tpu.dimension_semantics<core_parallel>, #tpu.dimension_semantics<subcore_parallel>], iteration_bounds = array<i64: 2, 16>, scalar_prefetch = 0 : i64, scratch_operands = 5 : i64, tpu.core_type = #tpu.core_type<sc_vector_subcore>, window_params = [{transform_indices = #map}, {transform_indices = #map1}, {transform_indices = #map1}, {transform_indices = #map}, {transform_indices = #map1}]} {
    %mul3A = arith.constant 16 : i32
    %mul3A_0 = arith.muli %arg0, %mul3A : i32
    %add3A = arith.addi %mul3A_0, %arg1 : i32
    %mul3A_1 = arith.constant 632 : i32
    %mul3A_2 = arith.muli %arg1, %mul3A_1 : i32
    "tpu.region"() ({
      %run_scoped3A = tpu.sem_alloc : memref<!tpu.dma_semaphore, #tpu.memory_space<semaphore_mem>>
      %dma_start3A = arith.constant 0 : i32
      %dma_start3A_18 = tpu.memref_slice %arg10[%mul3A_2, %dma_start3A] : memref<10112x128xf32, #tpu.memory_space<vmem_shared>> -> memref<632x128xf32, #tpu.memory_space<vmem_shared>>
      tpu.enqueue_dma source(%arg5 : memref<632x128xf32, #tpu.memory_space<hbm>>) target(%dma_start3A_18 : memref<632x128xf32, #tpu.memory_space<vmem_shared>>) target_semaphore(%run_scoped3A : memref<!tpu.dma_semaphore, #tpu.memory_space<semaphore_mem>>)
      %dma_wait3A = arith.constant 0 : i32
      %dma_wait3A_19 = tpu.memref_slice %arg10[%mul3A_2, %dma_wait3A] : memref<10112x128xf32, #tpu.memory_space<vmem_shared>> -> memref<632x128xf32, #tpu.memory_space<vmem_shared>>
      tpu.wait_dma2 semaphore(%run_scoped3A : memref<!tpu.dma_semaphore, #tpu.memory_space<semaphore_mem>>) src(%arg5 : memref<632x128xf32, #tpu.memory_space<hbm>>) dst(%dma_wait3A_19 : memref<632x128xf32, #tpu.memory_space<vmem_shared>>)
      tpu.yield
    }) : () -> ()
    "tpu.region"() ({
      %run_scoped3A = tpu.sem_alloc : memref<!tpu.dma_semaphore, #tpu.memory_space<semaphore_mem>>
      %dma_start3A = arith.constant 0 : i32
      %dma_start3A_18 = arith.constant 0 : i32
      %dma_start3A_19 = tpu.memref_slice %arg3[%add3A, %dma_start3A, %dma_start3A_18] : memref<32x79x128xi32, #tpu.memory_space<hbm>> -> memref<1x79x128xi32, #tpu.memory_space<hbm>>
      %dma_start3A_20 = tpu.memref_squeeze %dma_start3A_19 : memref<1x79x128xi32, #tpu.memory_space<hbm>> -> memref<79x128xi32, #tpu.memory_space<hbm>>
      %dma_start3A_21 = arith.constant 0 : i32
      %dma_start3A_22 = arith.constant 0 : i32
      %dma_start3A_23 = tpu.memref_slice %arg3[%add3A, %dma_start3A_21, %dma_start3A_22] : memref<32x79x128xi32, #tpu.memory_space<hbm>> -> memref<1x79x128xi32, #tpu.memory_space<hbm>>
      %dma_start3A_24 = tpu.memref_squeeze %dma_start3A_23 : memref<1x79x128xi32, #tpu.memory_space<hbm>> -> memref<79x128xi32, #tpu.memory_space<hbm>>
      tpu.enqueue_dma source(%dma_start3A_24 : memref<79x128xi32, #tpu.memory_space<hbm>>) target(%arg7 : memref<79x128xi32, #tpu.memory_space<vmem>>) target_semaphore(%run_scoped3A : memref<!tpu.dma_semaphore, #tpu.memory_space<semaphore_mem>>)
      %dma_wait3A = arith.constant 0 : i32
      %dma_wait3A_25 = arith.constant 0 : i32
      %dma_wait3A_26 = tpu.memref_slice %arg3[%add3A, %dma_wait3A, %dma_wait3A_25] : memref<32x79x128xi32, #tpu.memory_space<hbm>> -> memref<1x79x128xi32, #tpu.memory_space<hbm>>
      %dma_wait3A_27 = tpu.memref_squeeze %dma_wait3A_26 : memref<1x79x128xi32, #tpu.memory_space<hbm>> -> memref<79x128xi32, #tpu.memory_space<hbm>>
      %dma_wait3A_28 = arith.constant 0 : i32
      %dma_wait3A_29 = arith.constant 0 : i32
      %dma_wait3A_30 = tpu.memref_slice %arg3[%add3A, %dma_wait3A_28, %dma_wait3A_29] : memref<32x79x128xi32, #tpu.memory_space<hbm>> -> memref<1x79x128xi32, #tpu.memory_space<hbm>>
      %dma_wait3A_31 = tpu.memref_squeeze %dma_wait3A_30 : memref<1x79x128xi32, #tpu.memory_space<hbm>> -> memref<79x128xi32, #tpu.memory_space<hbm>>
      tpu.wait_dma2 semaphore(%run_scoped3A : memref<!tpu.dma_semaphore, #tpu.memory_space<semaphore_mem>>) src(%dma_wait3A_31 : memref<79x128xi32, #tpu.memory_space<hbm>>) dst(%arg7 : memref<79x128xi32, #tpu.memory_space<vmem>>)
      tpu.yield
    }) : () -> ()
    "tpu.region"() ({
      %run_scoped3A = tpu.sem_alloc : memref<!tpu.dma_semaphore, #tpu.memory_space<semaphore_mem>>
      %dma_start3A = arith.constant 0 : i32
      %dma_start3A_18 = arith.constant 0 : i32
      %dma_start3A_19 = tpu.memref_slice %arg4[%add3A, %dma_start3A, %dma_start3A_18] : memref<32x79x128xi32, #tpu.memory_space<hbm>> -> memref<1x79x128xi32, #tpu.memory_space<hbm>>
      %dma_start3A_20 = tpu.memref_squeeze %dma_start3A_19 : memref<1x79x128xi32, #tpu.memory_space<hbm>> -> memref<79x128xi32, #tpu.memory_space<hbm>>
      %dma_start3A_21 = arith.constant 0 : i32
      %dma_start3A_22 = arith.constant 0 : i32
      %dma_start3A_23 = tpu.memref_slice %arg4[%add3A, %dma_start3A_21, %dma_start3A_22] : memref<32x79x128xi32, #tpu.memory_space<hbm>> -> memref<1x79x128xi32, #tpu.memory_space<hbm>>
      %dma_start3A_24 = tpu.memref_squeeze %dma_start3A_23 : memref<1x79x128xi32, #tpu.memory_space<hbm>> -> memref<79x128xi32, #tpu.memory_space<hbm>>
      tpu.enqueue_dma source(%dma_start3A_24 : memref<79x128xi32, #tpu.memory_space<hbm>>) target(%arg8 : memref<79x128xi32, #tpu.memory_space<vmem>>) target_semaphore(%run_scoped3A : memref<!tpu.dma_semaphore, #tpu.memory_space<semaphore_mem>>)
      %dma_wait3A = arith.constant 0 : i32
      %dma_wait3A_25 = arith.constant 0 : i32
      %dma_wait3A_26 = tpu.memref_slice %arg4[%add3A, %dma_wait3A, %dma_wait3A_25] : memref<32x79x128xi32, #tpu.memory_space<hbm>> -> memref<1x79x128xi32, #tpu.memory_space<hbm>>
      %dma_wait3A_27 = tpu.memref_squeeze %dma_wait3A_26 : memref<1x79x128xi32, #tpu.memory_space<hbm>> -> memref<79x128xi32, #tpu.memory_space<hbm>>
      %dma_wait3A_28 = arith.constant 0 : i32
      %dma_wait3A_29 = arith.constant 0 : i32
      %dma_wait3A_30 = tpu.memref_slice %arg4[%add3A, %dma_wait3A_28, %dma_wait3A_29] : memref<32x79x128xi32, #tpu.memory_space<hbm>> -> memref<1x79x128xi32, #tpu.memory_space<hbm>>
      %dma_wait3A_31 = tpu.memref_squeeze %dma_wait3A_30 : memref<1x79x128xi32, #tpu.memory_space<hbm>> -> memref<79x128xi32, #tpu.memory_space<hbm>>
      tpu.wait_dma2 semaphore(%run_scoped3A : memref<!tpu.dma_semaphore, #tpu.memory_space<semaphore_mem>>) src(%dma_wait3A_31 : memref<79x128xi32, #tpu.memory_space<hbm>>) dst(%arg8 : memref<79x128xi32, #tpu.memory_space<vmem>>)
      tpu.yield
    }) : () -> ()
    %barrier3A = arith.constant 0 : index
    tpu.barrier barrier_id(%barrier3A)
    %while3A = arith.constant 0 : i32
    %while3A_3 = arith.constant 0 : i32
    %while3A_4 = arith.constant 79 : i32
    %while3A_5 = arith.subi %while3A_4, %while3A_3 : i32
    %while3A_6 = arith.addi %while3A_3, %while3A_5 : i32
    %while3A_7 = arith.constant 1 : i32
    %while3A_8 = arith.divsi %while3A_5, %while3A_7 : i32
    %while3A_9 = arith.muli %while3A_8, %while3A_7 : i32
    %while3A_10 = arith.addi %while3A_3, %while3A_9 : i32
    %while3A_11 = arith.constant 1 : i32
    scf.for %while3A_18 = %while3A_3 to %while3A_10 step %while3A_11  : i32 {
      %dma_start3A = arith.constant 0 : i32
      %dma_start3A_19 = tpu.memref_slice %arg7[%while3A_18, %dma_start3A] : memref<79x128xi32, #tpu.memory_space<vmem>> -> memref<1x128xi32, #tpu.memory_space<vmem>>
      %dma_start3A_20 = tpu.memref_squeeze %dma_start3A_19 : memref<1x128xi32, #tpu.memory_space<vmem>> -> memref<128xi32, #tpu.memory_space<vmem>>
      %dma_start3A_21 = arith.constant 0 : i32
      %dma_start3A_22 = arith.constant 0 : i32
      %dma_start3A_23 = tpu.memref_slice %arg2[%dma_start3A_21, %dma_start3A_22] : memref<10000x128xf32, #tpu.memory_space<hbm>> -> memref<10000x128xf32, #tpu.memory_space<hbm>>
      tpu.enqueue_indirect_dma source(%dma_start3A_23 : memref<10000x128xf32, #tpu.memory_space<hbm>>) target(%arg9 : memref<128x128xf32, #tpu.memory_space<vmem>>) offsets(%dma_start3A_20 : memref<128xi32, #tpu.memory_space<vmem>>) semaphore(%arg11 : memref<!tpu.dma_semaphore, #tpu.memory_space<semaphore_mem>>)
      %dma_wait3A = arith.constant 0 : i32
      %dma_wait3A_24 = tpu.memref_slice %arg7[%while3A_18, %dma_wait3A] : memref<79x128xi32, #tpu.memory_space<vmem>> -> memref<1x128xi32, #tpu.memory_space<vmem>>
      %dma_wait3A_25 = tpu.memref_squeeze %dma_wait3A_24 : memref<1x128xi32, #tpu.memory_space<vmem>> -> memref<128xi32, #tpu.memory_space<vmem>>
      %dma_wait3A_26 = arith.constant 0 : i32
      %dma_wait3A_27 = arith.constant 0 : i32
      %dma_wait3A_28 = tpu.memref_slice %arg2[%dma_wait3A_26, %dma_wait3A_27] : memref<10000x128xf32, #tpu.memory_space<hbm>> -> memref<10000x128xf32, #tpu.memory_space<hbm>>
      tpu.wait_indirect_dma semaphore(%arg11 : memref<!tpu.dma_semaphore, #tpu.memory_space<semaphore_mem>>) src(%dma_wait3A_28 : memref<10000x128xf32, #tpu.memory_space<hbm>>) dst(%arg9 : memref<128x128xf32, #tpu.memory_space<vmem>>)
      "tpu.region"() ({
        %run_scoped3A = tpu.sem_alloc : memref<!tpu.dma_semaphore, #tpu.memory_space<semaphore_mem>>
        %dma_start3A_29 = arith.constant 0 : i32
        %dma_start3A_30 = tpu.memref_slice %arg8[%while3A_18, %dma_start3A_29] : memref<79x128xi32, #tpu.memory_space<vmem>> -> memref<1x128xi32, #tpu.memory_space<vmem>>
        %dma_start3A_31 = tpu.memref_squeeze %dma_start3A_30 : memref<1x128xi32, #tpu.memory_space<vmem>> -> memref<128xi32, #tpu.memory_space<vmem>>
        %dma_start3A_32 = arith.constant 0 : i32
        %dma_start3A_33 = arith.constant 0 : i32
        %dma_start3A_34 = tpu.memref_slice %arg10[%dma_start3A_32, %dma_start3A_33] : memref<10112x128xf32, #tpu.memory_space<vmem_shared>> -> memref<10112x128xf32, #tpu.memory_space<vmem_shared>>
        tpu.enqueue_indirect_dma source(%arg9 : memref<128x128xf32, #tpu.memory_space<vmem>>) target(%dma_start3A_34 : memref<10112x128xf32, #tpu.memory_space<vmem_shared>>) offsets(%dma_start3A_31 : memref<128xi32, #tpu.memory_space<vmem>>) semaphore(%run_scoped3A : memref<!tpu.dma_semaphore, #tpu.memory_space<semaphore_mem>>) {add = true}
        %dma_wait3A_35 = arith.constant 0 : i32
        %dma_wait3A_36 = tpu.memref_slice %arg8[%while3A_18, %dma_wait3A_35] : memref<79x128xi32, #tpu.memory_space<vmem>> -> memref<1x128xi32, #tpu.memory_space<vmem>>
        %dma_wait3A_37 = tpu.memref_squeeze %dma_wait3A_36 : memref<1x128xi32, #tpu.memory_space<vmem>> -> memref<128xi32, #tpu.memory_space<vmem>>
        %dma_wait3A_38 = arith.constant 0 : i32
        %dma_wait3A_39 = arith.constant 0 : i32
        %dma_wait3A_40 = tpu.memref_slice %arg10[%dma_wait3A_38, %dma_wait3A_39] : memref<10112x128xf32, #tpu.memory_space<vmem_shared>> -> memref<10112x128xf32, #tpu.memory_space<vmem_shared>>
        tpu.wait_indirect_dma semaphore(%run_scoped3A : memref<!tpu.dma_semaphore, #tpu.memory_space<semaphore_mem>>) src(%arg9 : memref<128x128xf32, #tpu.memory_space<vmem>>) dst(%dma_wait3A_40 : memref<10112x128xf32, #tpu.memory_space<vmem_shared>>)
        tpu.yield
      }) : () -> ()
    }
    %while3A_12 = arith.constant 1 : i32
    scf.for %while3A_18 = %while3A_10 to %while3A_6 step %while3A_12  : i32 {
      %dma_start3A = arith.constant 0 : i32
      %dma_start3A_19 = tpu.memref_slice %arg7[%while3A_18, %dma_start3A] : memref<79x128xi32, #tpu.memory_space<vmem>> -> memref<1x128xi32, #tpu.memory_space<vmem>>
      %dma_start3A_20 = tpu.memref_squeeze %dma_start3A_19 : memref<1x128xi32, #tpu.memory_space<vmem>> -> memref<128xi32, #tpu.memory_space<vmem>>
      %dma_start3A_21 = arith.constant 0 : i32
      %dma_start3A_22 = arith.constant 0 : i32
      %dma_start3A_23 = tpu.memref_slice %arg2[%dma_start3A_21, %dma_start3A_22] : memref<10000x128xf32, #tpu.memory_space<hbm>> -> memref<10000x128xf32, #tpu.memory_space<hbm>>
      tpu.enqueue_indirect_dma source(%dma_start3A_23 : memref<10000x128xf32, #tpu.memory_space<hbm>>) target(%arg9 : memref<128x128xf32, #tpu.memory_space<vmem>>) offsets(%dma_start3A_20 : memref<128xi32, #tpu.memory_space<vmem>>) semaphore(%arg11 : memref<!tpu.dma_semaphore, #tpu.memory_space<semaphore_mem>>)
      %dma_wait3A = arith.constant 0 : i32
      %dma_wait3A_24 = tpu.memref_slice %arg7[%while3A_18, %dma_wait3A] : memref<79x128xi32, #tpu.memory_space<vmem>> -> memref<1x128xi32, #tpu.memory_space<vmem>>
      %dma_wait3A_25 = tpu.memref_squeeze %dma_wait3A_24 : memref<1x128xi32, #tpu.memory_space<vmem>> -> memref<128xi32, #tpu.memory_space<vmem>>
      %dma_wait3A_26 = arith.constant 0 : i32
      %dma_wait3A_27 = arith.constant 0 : i32
      %dma_wait3A_28 = tpu.memref_slice %arg2[%dma_wait3A_26, %dma_wait3A_27] : memref<10000x128xf32, #tpu.memory_space<hbm>> -> memref<10000x128xf32, #tpu.memory_space<hbm>>
      tpu.wait_indirect_dma semaphore(%arg11 : memref<!tpu.dma_semaphore, #tpu.memory_space<semaphore_mem>>) src(%dma_wait3A_28 : memref<10000x128xf32, #tpu.memory_space<hbm>>) dst(%arg9 : memref<128x128xf32, #tpu.memory_space<vmem>>)
      "tpu.region"() ({
        %run_scoped3A = tpu.sem_alloc : memref<!tpu.dma_semaphore, #tpu.memory_space<semaphore_mem>>
        %dma_start3A_29 = arith.constant 0 : i32
        %dma_start3A_30 = tpu.memref_slice %arg8[%while3A_18, %dma_start3A_29] : memref<79x128xi32, #tpu.memory_space<vmem>> -> memref<1x128xi32, #tpu.memory_space<vmem>>
        %dma_start3A_31 = tpu.memref_squeeze %dma_start3A_30 : memref<1x128xi32, #tpu.memory_space<vmem>> -> memref<128xi32, #tpu.memory_space<vmem>>
        %dma_start3A_32 = arith.constant 0 : i32
        %dma_start3A_33 = arith.constant 0 : i32
        %dma_start3A_34 = tpu.memref_slice %arg10[%dma_start3A_32, %dma_start3A_33] : memref<10112x128xf32, #tpu.memory_space<vmem_shared>> -> memref<10112x128xf32, #tpu.memory_space<vmem_shared>>
        tpu.enqueue_indirect_dma source(%arg9 : memref<128x128xf32, #tpu.memory_space<vmem>>) target(%dma_start3A_34 : memref<10112x128xf32, #tpu.memory_space<vmem_shared>>) offsets(%dma_start3A_31 : memref<128xi32, #tpu.memory_space<vmem>>) semaphore(%run_scoped3A : memref<!tpu.dma_semaphore, #tpu.memory_space<semaphore_mem>>) {add = true}
        %dma_wait3A_35 = arith.constant 0 : i32
        %dma_wait3A_36 = tpu.memref_slice %arg8[%while3A_18, %dma_wait3A_35] : memref<79x128xi32, #tpu.memory_space<vmem>> -> memref<1x128xi32, #tpu.memory_space<vmem>>
        %dma_wait3A_37 = tpu.memref_squeeze %dma_wait3A_36 : memref<1x128xi32, #tpu.memory_space<vmem>> -> memref<128xi32, #tpu.memory_space<vmem>>
        %dma_wait3A_38 = arith.constant 0 : i32
        %dma_wait3A_39 = arith.constant 0 : i32
        %dma_wait3A_40 = tpu.memref_slice %arg10[%dma_wait3A_38, %dma_wait3A_39] : memref<10112x128xf32, #tpu.memory_space<vmem_shared>> -> memref<10112x128xf32, #tpu.memory_space<vmem_shared>>
        tpu.wait_indirect_dma semaphore(%run_scoped3A : memref<!tpu.dma_semaphore, #tpu.memory_space<semaphore_mem>>) src(%arg9 : memref<128x128xf32, #tpu.memory_space<vmem>>) dst(%dma_wait3A_40 : memref<10112x128xf32, #tpu.memory_space<vmem_shared>>)
        tpu.yield
      }) : () -> ()
    }
    %barrier3A_13 = arith.constant 0 : index
    tpu.barrier barrier_id(%barrier3A_13)
    %mul3A_14 = arith.constant 632 : i32
    %mul3A_15 = arith.muli %arg1, %mul3A_14 : i32
    %mul3A_16 = arith.constant 632 : i32
    %mul3A_17 = arith.muli %arg1, %mul3A_16 : i32
    "tpu.region"() ({
      %run_scoped3A = tpu.sem_alloc : memref<!tpu.dma_semaphore, #tpu.memory_space<semaphore_mem>>
      %dma_start3A = arith.constant 0 : i32
      %dma_start3A_18 = tpu.memref_slice %arg6[%arg0, %mul3A_17, %dma_start3A] : memref<2x10112x128xf32, #tpu.memory_space<hbm>> -> memref<1x632x128xf32, #tpu.memory_space<hbm>>
      %dma_start3A_19 = tpu.memref_squeeze %dma_start3A_18 : memref<1x632x128xf32, #tpu.memory_space<hbm>> -> memref<632x128xf32, #tpu.memory_space<hbm>>
      %dma_start3A_20 = arith.constant 0 : i32
      %dma_start3A_21 = tpu.memref_slice %arg10[%mul3A_15, %dma_start3A_20] : memref<10112x128xf32, #tpu.memory_space<vmem_shared>> -> memref<632x128xf32, #tpu.memory_space<vmem_shared>>
      tpu.enqueue_dma source(%dma_start3A_21 : memref<632x128xf32, #tpu.memory_space<vmem_shared>>) target(%dma_start3A_19 : memref<632x128xf32, #tpu.memory_space<hbm>>) target_semaphore(%run_scoped3A : memref<!tpu.dma_semaphore, #tpu.memory_space<semaphore_mem>>)
      %dma_wait3A = arith.constant 0 : i32
      %dma_wait3A_22 = tpu.memref_slice %arg6[%arg0, %mul3A_17, %dma_wait3A] : memref<2x10112x128xf32, #tpu.memory_space<hbm>> -> memref<1x632x128xf32, #tpu.memory_space<hbm>>
      %dma_wait3A_23 = tpu.memref_squeeze %dma_wait3A_22 : memref<1x632x128xf32, #tpu.memory_space<hbm>> -> memref<632x128xf32, #tpu.memory_space<hbm>>
      %dma_wait3A_24 = arith.constant 0 : i32
      %dma_wait3A_25 = tpu.memref_slice %arg10[%mul3A_15, %dma_wait3A_24] : memref<10112x128xf32, #tpu.memory_space<vmem_shared>> -> memref<632x128xf32, #tpu.memory_space<vmem_shared>>
      tpu.wait_dma2 semaphore(%run_scoped3A : memref<!tpu.dma_semaphore, #tpu.memory_space<semaphore_mem>>) src(%dma_wait3A_25 : memref<632x128xf32, #tpu.memory_space<vmem_shared>>) dst(%dma_wait3A_23 : memref<632x128xf32, #tpu.memory_space<hbm>>)
      tpu.yield
    }) : () -> ()
    return
  }
}

#map = affine_map<(d0, d1) -> (0, 0)>
#map1 = affine_map<(d0, d1) -> (0, 0, 0)>
module attributes {stable_mosaic.version = 14 : i64} {
  func.func @k(%arg0: i32, %arg1: i32, %arg2: memref<2500x128xf32, #tpu.memory_space<hbm>>, %arg3: memref<32x20x128xi32, #tpu.memory_space<hbm>>, %arg4: memref<32x20x128xi32, #tpu.memory_space<hbm>>, %arg5: memref<160x128xf32, #tpu.memory_space<hbm>>, %arg6: memref<2x2560x128xf32, #tpu.memory_space<hbm>>, %arg7: memref<20x128xi32, #tpu.memory_space<vmem>>, %arg8: memref<20x128xi32, #tpu.memory_space<vmem>>, %arg9: memref<128x128xf32, #tpu.memory_space<vmem>>, %arg10: memref<2560x128xf32, #tpu.memory_space<vmem_shared>>, %arg11: memref<!tpu.dma_semaphore, #tpu.memory_space<semaphore_mem>>) attributes {dimension_semantics = [#tpu.dimension_semantics<core_parallel>, #tpu.dimension_semantics<subcore_parallel>], iteration_bounds = array<i64: 2, 16>, scalar_prefetch = 0 : i64, scratch_operands = 5 : i64, tpu.core_type = #tpu.core_type<sc_vector_subcore>, window_params = [{transform_indices = #map}, {transform_indices = #map1}, {transform_indices = #map1}, {transform_indices = #map}, {transform_indices = #map1}]} {
    %mul3A = arith.constant 16 : i32
    %mul3A_0 = arith.muli %arg0, %mul3A : i32
    %add3A = arith.addi %mul3A_0, %arg1 : i32
    %mul3A_1 = arith.constant 160 : i32
    %mul3A_2 = arith.muli %arg1, %mul3A_1 : i32
    "tpu.region"() ({
      %run_scoped3A = tpu.sem_alloc : memref<!tpu.dma_semaphore, #tpu.memory_space<semaphore_mem>>
      %dma_start3A = arith.constant 0 : i32
      %dma_start3A_18 = tpu.memref_slice %arg10[%mul3A_2, %dma_start3A] : memref<2560x128xf32, #tpu.memory_space<vmem_shared>> -> memref<160x128xf32, #tpu.memory_space<vmem_shared>>
      tpu.enqueue_dma source(%arg5 : memref<160x128xf32, #tpu.memory_space<hbm>>) target(%dma_start3A_18 : memref<160x128xf32, #tpu.memory_space<vmem_shared>>) target_semaphore(%run_scoped3A : memref<!tpu.dma_semaphore, #tpu.memory_space<semaphore_mem>>)
      %dma_wait3A = arith.constant 0 : i32
      %dma_wait3A_19 = tpu.memref_slice %arg10[%mul3A_2, %dma_wait3A] : memref<2560x128xf32, #tpu.memory_space<vmem_shared>> -> memref<160x128xf32, #tpu.memory_space<vmem_shared>>
      tpu.wait_dma2 semaphore(%run_scoped3A : memref<!tpu.dma_semaphore, #tpu.memory_space<semaphore_mem>>) src(%arg5 : memref<160x128xf32, #tpu.memory_space<hbm>>) dst(%dma_wait3A_19 : memref<160x128xf32, #tpu.memory_space<vmem_shared>>)
      tpu.yield
    }) : () -> ()
    "tpu.region"() ({
      %run_scoped3A = tpu.sem_alloc : memref<!tpu.dma_semaphore, #tpu.memory_space<semaphore_mem>>
      %dma_start3A = arith.constant 0 : i32
      %dma_start3A_18 = arith.constant 0 : i32
      %dma_start3A_19 = tpu.memref_slice %arg3[%add3A, %dma_start3A, %dma_start3A_18] : memref<32x20x128xi32, #tpu.memory_space<hbm>> -> memref<1x20x128xi32, #tpu.memory_space<hbm>>
      %dma_start3A_20 = tpu.memref_squeeze %dma_start3A_19 : memref<1x20x128xi32, #tpu.memory_space<hbm>> -> memref<20x128xi32, #tpu.memory_space<hbm>>
      %dma_start3A_21 = arith.constant 0 : i32
      %dma_start3A_22 = arith.constant 0 : i32
      %dma_start3A_23 = tpu.memref_slice %arg3[%add3A, %dma_start3A_21, %dma_start3A_22] : memref<32x20x128xi32, #tpu.memory_space<hbm>> -> memref<1x20x128xi32, #tpu.memory_space<hbm>>
      %dma_start3A_24 = tpu.memref_squeeze %dma_start3A_23 : memref<1x20x128xi32, #tpu.memory_space<hbm>> -> memref<20x128xi32, #tpu.memory_space<hbm>>
      tpu.enqueue_dma source(%dma_start3A_24 : memref<20x128xi32, #tpu.memory_space<hbm>>) target(%arg7 : memref<20x128xi32, #tpu.memory_space<vmem>>) target_semaphore(%run_scoped3A : memref<!tpu.dma_semaphore, #tpu.memory_space<semaphore_mem>>)
      %dma_wait3A = arith.constant 0 : i32
      %dma_wait3A_25 = arith.constant 0 : i32
      %dma_wait3A_26 = tpu.memref_slice %arg3[%add3A, %dma_wait3A, %dma_wait3A_25] : memref<32x20x128xi32, #tpu.memory_space<hbm>> -> memref<1x20x128xi32, #tpu.memory_space<hbm>>
      %dma_wait3A_27 = tpu.memref_squeeze %dma_wait3A_26 : memref<1x20x128xi32, #tpu.memory_space<hbm>> -> memref<20x128xi32, #tpu.memory_space<hbm>>
      %dma_wait3A_28 = arith.constant 0 : i32
      %dma_wait3A_29 = arith.constant 0 : i32
      %dma_wait3A_30 = tpu.memref_slice %arg3[%add3A, %dma_wait3A_28, %dma_wait3A_29] : memref<32x20x128xi32, #tpu.memory_space<hbm>> -> memref<1x20x128xi32, #tpu.memory_space<hbm>>
      %dma_wait3A_31 = tpu.memref_squeeze %dma_wait3A_30 : memref<1x20x128xi32, #tpu.memory_space<hbm>> -> memref<20x128xi32, #tpu.memory_space<hbm>>
      tpu.wait_dma2 semaphore(%run_scoped3A : memref<!tpu.dma_semaphore, #tpu.memory_space<semaphore_mem>>) src(%dma_wait3A_31 : memref<20x128xi32, #tpu.memory_space<hbm>>) dst(%arg7 : memref<20x128xi32, #tpu.memory_space<vmem>>)
      tpu.yield
    }) : () -> ()
    "tpu.region"() ({
      %run_scoped3A = tpu.sem_alloc : memref<!tpu.dma_semaphore, #tpu.memory_space<semaphore_mem>>
      %dma_start3A = arith.constant 0 : i32
      %dma_start3A_18 = arith.constant 0 : i32
      %dma_start3A_19 = tpu.memref_slice %arg4[%add3A, %dma_start3A, %dma_start3A_18] : memref<32x20x128xi32, #tpu.memory_space<hbm>> -> memref<1x20x128xi32, #tpu.memory_space<hbm>>
      %dma_start3A_20 = tpu.memref_squeeze %dma_start3A_19 : memref<1x20x128xi32, #tpu.memory_space<hbm>> -> memref<20x128xi32, #tpu.memory_space<hbm>>
      %dma_start3A_21 = arith.constant 0 : i32
      %dma_start3A_22 = arith.constant 0 : i32
      %dma_start3A_23 = tpu.memref_slice %arg4[%add3A, %dma_start3A_21, %dma_start3A_22] : memref<32x20x128xi32, #tpu.memory_space<hbm>> -> memref<1x20x128xi32, #tpu.memory_space<hbm>>
      %dma_start3A_24 = tpu.memref_squeeze %dma_start3A_23 : memref<1x20x128xi32, #tpu.memory_space<hbm>> -> memref<20x128xi32, #tpu.memory_space<hbm>>
      tpu.enqueue_dma source(%dma_start3A_24 : memref<20x128xi32, #tpu.memory_space<hbm>>) target(%arg8 : memref<20x128xi32, #tpu.memory_space<vmem>>) target_semaphore(%run_scoped3A : memref<!tpu.dma_semaphore, #tpu.memory_space<semaphore_mem>>)
      %dma_wait3A = arith.constant 0 : i32
      %dma_wait3A_25 = arith.constant 0 : i32
      %dma_wait3A_26 = tpu.memref_slice %arg4[%add3A, %dma_wait3A, %dma_wait3A_25] : memref<32x20x128xi32, #tpu.memory_space<hbm>> -> memref<1x20x128xi32, #tpu.memory_space<hbm>>
      %dma_wait3A_27 = tpu.memref_squeeze %dma_wait3A_26 : memref<1x20x128xi32, #tpu.memory_space<hbm>> -> memref<20x128xi32, #tpu.memory_space<hbm>>
      %dma_wait3A_28 = arith.constant 0 : i32
      %dma_wait3A_29 = arith.constant 0 : i32
      %dma_wait3A_30 = tpu.memref_slice %arg4[%add3A, %dma_wait3A_28, %dma_wait3A_29] : memref<32x20x128xi32, #tpu.memory_space<hbm>> -> memref<1x20x128xi32, #tpu.memory_space<hbm>>
      %dma_wait3A_31 = tpu.memref_squeeze %dma_wait3A_30 : memref<1x20x128xi32, #tpu.memory_space<hbm>> -> memref<20x128xi32, #tpu.memory_space<hbm>>
      tpu.wait_dma2 semaphore(%run_scoped3A : memref<!tpu.dma_semaphore, #tpu.memory_space<semaphore_mem>>) src(%dma_wait3A_31 : memref<20x128xi32, #tpu.memory_space<hbm>>) dst(%arg8 : memref<20x128xi32, #tpu.memory_space<vmem>>)
      tpu.yield
    }) : () -> ()
    %barrier3A = arith.constant 0 : index
    tpu.barrier barrier_id(%barrier3A)
    %while3A = arith.constant 0 : i32
    %while3A_3 = arith.constant 0 : i32
    %while3A_4 = arith.constant 20 : i32
    %while3A_5 = arith.subi %while3A_4, %while3A_3 : i32
    %while3A_6 = arith.addi %while3A_3, %while3A_5 : i32
    %while3A_7 = arith.constant 1 : i32
    %while3A_8 = arith.divsi %while3A_5, %while3A_7 : i32
    %while3A_9 = arith.muli %while3A_8, %while3A_7 : i32
    %while3A_10 = arith.addi %while3A_3, %while3A_9 : i32
    %while3A_11 = arith.constant 1 : i32
    scf.for %while3A_18 = %while3A_3 to %while3A_10 step %while3A_11  : i32 {
      %dma_start3A = arith.constant 0 : i32
      %dma_start3A_19 = tpu.memref_slice %arg7[%while3A_18, %dma_start3A] : memref<20x128xi32, #tpu.memory_space<vmem>> -> memref<1x128xi32, #tpu.memory_space<vmem>>
      %dma_start3A_20 = tpu.memref_squeeze %dma_start3A_19 : memref<1x128xi32, #tpu.memory_space<vmem>> -> memref<128xi32, #tpu.memory_space<vmem>>
      %dma_start3A_21 = arith.constant 0 : i32
      %dma_start3A_22 = arith.constant 0 : i32
      %dma_start3A_23 = tpu.memref_slice %arg2[%dma_start3A_21, %dma_start3A_22] : memref<2500x128xf32, #tpu.memory_space<hbm>> -> memref<2500x128xf32, #tpu.memory_space<hbm>>
      tpu.enqueue_indirect_dma source(%dma_start3A_23 : memref<2500x128xf32, #tpu.memory_space<hbm>>) target(%arg9 : memref<128x128xf32, #tpu.memory_space<vmem>>) offsets(%dma_start3A_20 : memref<128xi32, #tpu.memory_space<vmem>>) semaphore(%arg11 : memref<!tpu.dma_semaphore, #tpu.memory_space<semaphore_mem>>)
      %dma_wait3A = arith.constant 0 : i32
      %dma_wait3A_24 = tpu.memref_slice %arg7[%while3A_18, %dma_wait3A] : memref<20x128xi32, #tpu.memory_space<vmem>> -> memref<1x128xi32, #tpu.memory_space<vmem>>
      %dma_wait3A_25 = tpu.memref_squeeze %dma_wait3A_24 : memref<1x128xi32, #tpu.memory_space<vmem>> -> memref<128xi32, #tpu.memory_space<vmem>>
      %dma_wait3A_26 = arith.constant 0 : i32
      %dma_wait3A_27 = arith.constant 0 : i32
      %dma_wait3A_28 = tpu.memref_slice %arg2[%dma_wait3A_26, %dma_wait3A_27] : memref<2500x128xf32, #tpu.memory_space<hbm>> -> memref<2500x128xf32, #tpu.memory_space<hbm>>
      tpu.wait_indirect_dma semaphore(%arg11 : memref<!tpu.dma_semaphore, #tpu.memory_space<semaphore_mem>>) src(%dma_wait3A_28 : memref<2500x128xf32, #tpu.memory_space<hbm>>) dst(%arg9 : memref<128x128xf32, #tpu.memory_space<vmem>>)
      "tpu.region"() ({
        %run_scoped3A = tpu.sem_alloc : memref<!tpu.dma_semaphore, #tpu.memory_space<semaphore_mem>>
        %dma_start3A_29 = arith.constant 0 : i32
        %dma_start3A_30 = tpu.memref_slice %arg8[%while3A_18, %dma_start3A_29] : memref<20x128xi32, #tpu.memory_space<vmem>> -> memref<1x128xi32, #tpu.memory_space<vmem>>
        %dma_start3A_31 = tpu.memref_squeeze %dma_start3A_30 : memref<1x128xi32, #tpu.memory_space<vmem>> -> memref<128xi32, #tpu.memory_space<vmem>>
        %dma_start3A_32 = arith.constant 0 : i32
        %dma_start3A_33 = arith.constant 0 : i32
        %dma_start3A_34 = tpu.memref_slice %arg10[%dma_start3A_32, %dma_start3A_33] : memref<2560x128xf32, #tpu.memory_space<vmem_shared>> -> memref<2560x128xf32, #tpu.memory_space<vmem_shared>>
        tpu.enqueue_indirect_dma source(%arg9 : memref<128x128xf32, #tpu.memory_space<vmem>>) target(%dma_start3A_34 : memref<2560x128xf32, #tpu.memory_space<vmem_shared>>) offsets(%dma_start3A_31 : memref<128xi32, #tpu.memory_space<vmem>>) semaphore(%run_scoped3A : memref<!tpu.dma_semaphore, #tpu.memory_space<semaphore_mem>>) {add = true}
        %dma_wait3A_35 = arith.constant 0 : i32
        %dma_wait3A_36 = tpu.memref_slice %arg8[%while3A_18, %dma_wait3A_35] : memref<20x128xi32, #tpu.memory_space<vmem>> -> memref<1x128xi32, #tpu.memory_space<vmem>>
        %dma_wait3A_37 = tpu.memref_squeeze %dma_wait3A_36 : memref<1x128xi32, #tpu.memory_space<vmem>> -> memref<128xi32, #tpu.memory_space<vmem>>
        %dma_wait3A_38 = arith.constant 0 : i32
        %dma_wait3A_39 = arith.constant 0 : i32
        %dma_wait3A_40 = tpu.memref_slice %arg10[%dma_wait3A_38, %dma_wait3A_39] : memref<2560x128xf32, #tpu.memory_space<vmem_shared>> -> memref<2560x128xf32, #tpu.memory_space<vmem_shared>>
        tpu.wait_indirect_dma semaphore(%run_scoped3A : memref<!tpu.dma_semaphore, #tpu.memory_space<semaphore_mem>>) src(%arg9 : memref<128x128xf32, #tpu.memory_space<vmem>>) dst(%dma_wait3A_40 : memref<2560x128xf32, #tpu.memory_space<vmem_shared>>)
        tpu.yield
      }) : () -> ()
    }
    %while3A_12 = arith.constant 1 : i32
    scf.for %while3A_18 = %while3A_10 to %while3A_6 step %while3A_12  : i32 {
      %dma_start3A = arith.constant 0 : i32
      %dma_start3A_19 = tpu.memref_slice %arg7[%while3A_18, %dma_start3A] : memref<20x128xi32, #tpu.memory_space<vmem>> -> memref<1x128xi32, #tpu.memory_space<vmem>>
      %dma_start3A_20 = tpu.memref_squeeze %dma_start3A_19 : memref<1x128xi32, #tpu.memory_space<vmem>> -> memref<128xi32, #tpu.memory_space<vmem>>
      %dma_start3A_21 = arith.constant 0 : i32
      %dma_start3A_22 = arith.constant 0 : i32
      %dma_start3A_23 = tpu.memref_slice %arg2[%dma_start3A_21, %dma_start3A_22] : memref<2500x128xf32, #tpu.memory_space<hbm>> -> memref<2500x128xf32, #tpu.memory_space<hbm>>
      tpu.enqueue_indirect_dma source(%dma_start3A_23 : memref<2500x128xf32, #tpu.memory_space<hbm>>) target(%arg9 : memref<128x128xf32, #tpu.memory_space<vmem>>) offsets(%dma_start3A_20 : memref<128xi32, #tpu.memory_space<vmem>>) semaphore(%arg11 : memref<!tpu.dma_semaphore, #tpu.memory_space<semaphore_mem>>)
      %dma_wait3A = arith.constant 0 : i32
      %dma_wait3A_24 = tpu.memref_slice %arg7[%while3A_18, %dma_wait3A] : memref<20x128xi32, #tpu.memory_space<vmem>> -> memref<1x128xi32, #tpu.memory_space<vmem>>
      %dma_wait3A_25 = tpu.memref_squeeze %dma_wait3A_24 : memref<1x128xi32, #tpu.memory_space<vmem>> -> memref<128xi32, #tpu.memory_space<vmem>>
      %dma_wait3A_26 = arith.constant 0 : i32
      %dma_wait3A_27 = arith.constant 0 : i32
      %dma_wait3A_28 = tpu.memref_slice %arg2[%dma_wait3A_26, %dma_wait3A_27] : memref<2500x128xf32, #tpu.memory_space<hbm>> -> memref<2500x128xf32, #tpu.memory_space<hbm>>
      tpu.wait_indirect_dma semaphore(%arg11 : memref<!tpu.dma_semaphore, #tpu.memory_space<semaphore_mem>>) src(%dma_wait3A_28 : memref<2500x128xf32, #tpu.memory_space<hbm>>) dst(%arg9 : memref<128x128xf32, #tpu.memory_space<vmem>>)
      "tpu.region"() ({
        %run_scoped3A = tpu.sem_alloc : memref<!tpu.dma_semaphore, #tpu.memory_space<semaphore_mem>>
        %dma_start3A_29 = arith.constant 0 : i32
        %dma_start3A_30 = tpu.memref_slice %arg8[%while3A_18, %dma_start3A_29] : memref<20x128xi32, #tpu.memory_space<vmem>> -> memref<1x128xi32, #tpu.memory_space<vmem>>
        %dma_start3A_31 = tpu.memref_squeeze %dma_start3A_30 : memref<1x128xi32, #tpu.memory_space<vmem>> -> memref<128xi32, #tpu.memory_space<vmem>>
        %dma_start3A_32 = arith.constant 0 : i32
        %dma_start3A_33 = arith.constant 0 : i32
        %dma_start3A_34 = tpu.memref_slice %arg10[%dma_start3A_32, %dma_start3A_33] : memref<2560x128xf32, #tpu.memory_space<vmem_shared>> -> memref<2560x128xf32, #tpu.memory_space<vmem_shared>>
        tpu.enqueue_indirect_dma source(%arg9 : memref<128x128xf32, #tpu.memory_space<vmem>>) target(%dma_start3A_34 : memref<2560x128xf32, #tpu.memory_space<vmem_shared>>) offsets(%dma_start3A_31 : memref<128xi32, #tpu.memory_space<vmem>>) semaphore(%run_scoped3A : memref<!tpu.dma_semaphore, #tpu.memory_space<semaphore_mem>>) {add = true}
        %dma_wait3A_35 = arith.constant 0 : i32
        %dma_wait3A_36 = tpu.memref_slice %arg8[%while3A_18, %dma_wait3A_35] : memref<20x128xi32, #tpu.memory_space<vmem>> -> memref<1x128xi32, #tpu.memory_space<vmem>>
        %dma_wait3A_37 = tpu.memref_squeeze %dma_wait3A_36 : memref<1x128xi32, #tpu.memory_space<vmem>> -> memref<128xi32, #tpu.memory_space<vmem>>
        %dma_wait3A_38 = arith.constant 0 : i32
        %dma_wait3A_39 = arith.constant 0 : i32
        %dma_wait3A_40 = tpu.memref_slice %arg10[%dma_wait3A_38, %dma_wait3A_39] : memref<2560x128xf32, #tpu.memory_space<vmem_shared>> -> memref<2560x128xf32, #tpu.memory_space<vmem_shared>>
        tpu.wait_indirect_dma semaphore(%run_scoped3A : memref<!tpu.dma_semaphore, #tpu.memory_space<semaphore_mem>>) src(%arg9 : memref<128x128xf32, #tpu.memory_space<vmem>>) dst(%dma_wait3A_40 : memref<2560x128xf32, #tpu.memory_space<vmem_shared>>)
        tpu.yield
      }) : () -> ()
    }
    %barrier3A_13 = arith.constant 0 : index
    tpu.barrier barrier_id(%barrier3A_13)
    %mul3A_14 = arith.constant 160 : i32
    %mul3A_15 = arith.muli %arg1, %mul3A_14 : i32
    %mul3A_16 = arith.constant 160 : i32
    %mul3A_17 = arith.muli %arg1, %mul3A_16 : i32
    "tpu.region"() ({
      %run_scoped3A = tpu.sem_alloc : memref<!tpu.dma_semaphore, #tpu.memory_space<semaphore_mem>>
      %dma_start3A = arith.constant 0 : i32
      %dma_start3A_18 = tpu.memref_slice %arg6[%arg0, %mul3A_17, %dma_start3A] : memref<2x2560x128xf32, #tpu.memory_space<hbm>> -> memref<1x160x128xf32, #tpu.memory_space<hbm>>
      %dma_start3A_19 = tpu.memref_squeeze %dma_start3A_18 : memref<1x160x128xf32, #tpu.memory_space<hbm>> -> memref<160x128xf32, #tpu.memory_space<hbm>>
      %dma_start3A_20 = arith.constant 0 : i32
      %dma_start3A_21 = tpu.memref_slice %arg10[%mul3A_15, %dma_start3A_20] : memref<2560x128xf32, #tpu.memory_space<vmem_shared>> -> memref<160x128xf32, #tpu.memory_space<vmem_shared>>
      tpu.enqueue_dma source(%dma_start3A_21 : memref<160x128xf32, #tpu.memory_space<vmem_shared>>) target(%dma_start3A_19 : memref<160x128xf32, #tpu.memory_space<hbm>>) target_semaphore(%run_scoped3A : memref<!tpu.dma_semaphore, #tpu.memory_space<semaphore_mem>>)
      %dma_wait3A = arith.constant 0 : i32
      %dma_wait3A_22 = tpu.memref_slice %arg6[%arg0, %mul3A_17, %dma_wait3A] : memref<2x2560x128xf32, #tpu.memory_space<hbm>> -> memref<1x160x128xf32, #tpu.memory_space<hbm>>
      %dma_wait3A_23 = tpu.memref_squeeze %dma_wait3A_22 : memref<1x160x128xf32, #tpu.memory_space<hbm>> -> memref<160x128xf32, #tpu.memory_space<hbm>>
      %dma_wait3A_24 = arith.constant 0 : i32
      %dma_wait3A_25 = tpu.memref_slice %arg10[%mul3A_15, %dma_wait3A_24] : memref<2560x128xf32, #tpu.memory_space<vmem_shared>> -> memref<160x128xf32, #tpu.memory_space<vmem_shared>>
      tpu.wait_dma2 semaphore(%run_scoped3A : memref<!tpu.dma_semaphore, #tpu.memory_space<semaphore_mem>>) src(%dma_wait3A_25 : memref<160x128xf32, #tpu.memory_space<vmem_shared>>) dst(%dma_wait3A_23 : memref<160x128xf32, #tpu.memory_space<hbm>>)
      tpu.yield
    }) : () -> ()
    return
  }
}

#map = affine_map<(d0, d1) -> (0, 0)>
#map1 = affine_map<(d0, d1) -> (0, 0, 0)>
module attributes {stable_mosaic.version = 14 : i64} {
  func.func @k(%arg0: i32, %arg1: i32, %arg2: memref<2500x128xf32, #tpu.memory_space<hbm>>, %arg3: memref<32x1x128xi32, #tpu.memory_space<hbm>>, %arg4: memref<32x1x128xi32, #tpu.memory_space<hbm>>, %arg5: memref<632x128xf32, #tpu.memory_space<hbm>>, %arg6: memref<2x10112x128xf32, #tpu.memory_space<hbm>>, %arg7: memref<1x128xi32, #tpu.memory_space<vmem>>, %arg8: memref<1x128xi32, #tpu.memory_space<vmem>>, %arg9: memref<128x128xf32, #tpu.memory_space<vmem>>, %arg10: memref<10112x128xf32, #tpu.memory_space<vmem_shared>>, %arg11: memref<!tpu.dma_semaphore, #tpu.memory_space<semaphore_mem>>) attributes {dimension_semantics = [#tpu.dimension_semantics<core_parallel>, #tpu.dimension_semantics<subcore_parallel>], iteration_bounds = array<i64: 2, 16>, scalar_prefetch = 0 : i64, scratch_operands = 5 : i64, tpu.core_type = #tpu.core_type<sc_vector_subcore>, window_params = [{transform_indices = #map}, {transform_indices = #map1}, {transform_indices = #map1}, {transform_indices = #map}, {transform_indices = #map1}]} {
    %mul3A = arith.constant 16 : i32
    %mul3A_0 = arith.muli %arg0, %mul3A : i32
    %add3A = arith.addi %mul3A_0, %arg1 : i32
    %mul3A_1 = arith.constant 632 : i32
    %mul3A_2 = arith.muli %arg1, %mul3A_1 : i32
    "tpu.region"() ({
      %run_scoped3A = tpu.sem_alloc : memref<!tpu.dma_semaphore, #tpu.memory_space<semaphore_mem>>
      %dma_start3A = arith.constant 0 : i32
      %dma_start3A_18 = tpu.memref_slice %arg10[%mul3A_2, %dma_start3A] : memref<10112x128xf32, #tpu.memory_space<vmem_shared>> -> memref<632x128xf32, #tpu.memory_space<vmem_shared>>
      tpu.enqueue_dma source(%arg5 : memref<632x128xf32, #tpu.memory_space<hbm>>) target(%dma_start3A_18 : memref<632x128xf32, #tpu.memory_space<vmem_shared>>) target_semaphore(%run_scoped3A : memref<!tpu.dma_semaphore, #tpu.memory_space<semaphore_mem>>)
      %dma_wait3A = arith.constant 0 : i32
      %dma_wait3A_19 = tpu.memref_slice %arg10[%mul3A_2, %dma_wait3A] : memref<10112x128xf32, #tpu.memory_space<vmem_shared>> -> memref<632x128xf32, #tpu.memory_space<vmem_shared>>
      tpu.wait_dma2 semaphore(%run_scoped3A : memref<!tpu.dma_semaphore, #tpu.memory_space<semaphore_mem>>) src(%arg5 : memref<632x128xf32, #tpu.memory_space<hbm>>) dst(%dma_wait3A_19 : memref<632x128xf32, #tpu.memory_space<vmem_shared>>)
      tpu.yield
    }) : () -> ()
    "tpu.region"() ({
      %run_scoped3A = tpu.sem_alloc : memref<!tpu.dma_semaphore, #tpu.memory_space<semaphore_mem>>
      %dma_start3A = arith.constant 0 : i32
      %dma_start3A_18 = arith.constant 0 : i32
      %dma_start3A_19 = tpu.memref_slice %arg3[%add3A, %dma_start3A, %dma_start3A_18] : memref<32x1x128xi32, #tpu.memory_space<hbm>> -> memref<1x1x128xi32, #tpu.memory_space<hbm>>
      %dma_start3A_20 = tpu.memref_squeeze %dma_start3A_19 : memref<1x1x128xi32, #tpu.memory_space<hbm>> -> memref<1x128xi32, #tpu.memory_space<hbm>>
      %dma_start3A_21 = arith.constant 0 : i32
      %dma_start3A_22 = arith.constant 0 : i32
      %dma_start3A_23 = tpu.memref_slice %arg3[%add3A, %dma_start3A_21, %dma_start3A_22] : memref<32x1x128xi32, #tpu.memory_space<hbm>> -> memref<1x1x128xi32, #tpu.memory_space<hbm>>
      %dma_start3A_24 = tpu.memref_squeeze %dma_start3A_23 : memref<1x1x128xi32, #tpu.memory_space<hbm>> -> memref<1x128xi32, #tpu.memory_space<hbm>>
      tpu.enqueue_dma source(%dma_start3A_24 : memref<1x128xi32, #tpu.memory_space<hbm>>) target(%arg7 : memref<1x128xi32, #tpu.memory_space<vmem>>) target_semaphore(%run_scoped3A : memref<!tpu.dma_semaphore, #tpu.memory_space<semaphore_mem>>)
      %dma_wait3A = arith.constant 0 : i32
      %dma_wait3A_25 = arith.constant 0 : i32
      %dma_wait3A_26 = tpu.memref_slice %arg3[%add3A, %dma_wait3A, %dma_wait3A_25] : memref<32x1x128xi32, #tpu.memory_space<hbm>> -> memref<1x1x128xi32, #tpu.memory_space<hbm>>
      %dma_wait3A_27 = tpu.memref_squeeze %dma_wait3A_26 : memref<1x1x128xi32, #tpu.memory_space<hbm>> -> memref<1x128xi32, #tpu.memory_space<hbm>>
      %dma_wait3A_28 = arith.constant 0 : i32
      %dma_wait3A_29 = arith.constant 0 : i32
      %dma_wait3A_30 = tpu.memref_slice %arg3[%add3A, %dma_wait3A_28, %dma_wait3A_29] : memref<32x1x128xi32, #tpu.memory_space<hbm>> -> memref<1x1x128xi32, #tpu.memory_space<hbm>>
      %dma_wait3A_31 = tpu.memref_squeeze %dma_wait3A_30 : memref<1x1x128xi32, #tpu.memory_space<hbm>> -> memref<1x128xi32, #tpu.memory_space<hbm>>
      tpu.wait_dma2 semaphore(%run_scoped3A : memref<!tpu.dma_semaphore, #tpu.memory_space<semaphore_mem>>) src(%dma_wait3A_31 : memref<1x128xi32, #tpu.memory_space<hbm>>) dst(%arg7 : memref<1x128xi32, #tpu.memory_space<vmem>>)
      tpu.yield
    }) : () -> ()
    "tpu.region"() ({
      %run_scoped3A = tpu.sem_alloc : memref<!tpu.dma_semaphore, #tpu.memory_space<semaphore_mem>>
      %dma_start3A = arith.constant 0 : i32
      %dma_start3A_18 = arith.constant 0 : i32
      %dma_start3A_19 = tpu.memref_slice %arg4[%add3A, %dma_start3A, %dma_start3A_18] : memref<32x1x128xi32, #tpu.memory_space<hbm>> -> memref<1x1x128xi32, #tpu.memory_space<hbm>>
      %dma_start3A_20 = tpu.memref_squeeze %dma_start3A_19 : memref<1x1x128xi32, #tpu.memory_space<hbm>> -> memref<1x128xi32, #tpu.memory_space<hbm>>
      %dma_start3A_21 = arith.constant 0 : i32
      %dma_start3A_22 = arith.constant 0 : i32
      %dma_start3A_23 = tpu.memref_slice %arg4[%add3A, %dma_start3A_21, %dma_start3A_22] : memref<32x1x128xi32, #tpu.memory_space<hbm>> -> memref<1x1x128xi32, #tpu.memory_space<hbm>>
      %dma_start3A_24 = tpu.memref_squeeze %dma_start3A_23 : memref<1x1x128xi32, #tpu.memory_space<hbm>> -> memref<1x128xi32, #tpu.memory_space<hbm>>
      tpu.enqueue_dma source(%dma_start3A_24 : memref<1x128xi32, #tpu.memory_space<hbm>>) target(%arg8 : memref<1x128xi32, #tpu.memory_space<vmem>>) target_semaphore(%run_scoped3A : memref<!tpu.dma_semaphore, #tpu.memory_space<semaphore_mem>>)
      %dma_wait3A = arith.constant 0 : i32
      %dma_wait3A_25 = arith.constant 0 : i32
      %dma_wait3A_26 = tpu.memref_slice %arg4[%add3A, %dma_wait3A, %dma_wait3A_25] : memref<32x1x128xi32, #tpu.memory_space<hbm>> -> memref<1x1x128xi32, #tpu.memory_space<hbm>>
      %dma_wait3A_27 = tpu.memref_squeeze %dma_wait3A_26 : memref<1x1x128xi32, #tpu.memory_space<hbm>> -> memref<1x128xi32, #tpu.memory_space<hbm>>
      %dma_wait3A_28 = arith.constant 0 : i32
      %dma_wait3A_29 = arith.constant 0 : i32
      %dma_wait3A_30 = tpu.memref_slice %arg4[%add3A, %dma_wait3A_28, %dma_wait3A_29] : memref<32x1x128xi32, #tpu.memory_space<hbm>> -> memref<1x1x128xi32, #tpu.memory_space<hbm>>
      %dma_wait3A_31 = tpu.memref_squeeze %dma_wait3A_30 : memref<1x1x128xi32, #tpu.memory_space<hbm>> -> memref<1x128xi32, #tpu.memory_space<hbm>>
      tpu.wait_dma2 semaphore(%run_scoped3A : memref<!tpu.dma_semaphore, #tpu.memory_space<semaphore_mem>>) src(%dma_wait3A_31 : memref<1x128xi32, #tpu.memory_space<hbm>>) dst(%arg8 : memref<1x128xi32, #tpu.memory_space<vmem>>)
      tpu.yield
    }) : () -> ()
    %barrier3A = arith.constant 0 : index
    tpu.barrier barrier_id(%barrier3A)
    %while3A = arith.constant 0 : i32
    %while3A_3 = arith.constant 0 : i32
    %while3A_4 = arith.constant 1 : i32
    %while3A_5 = arith.subi %while3A_4, %while3A_3 : i32
    %while3A_6 = arith.addi %while3A_3, %while3A_5 : i32
    %while3A_7 = arith.constant 1 : i32
    %while3A_8 = arith.divsi %while3A_5, %while3A_7 : i32
    %while3A_9 = arith.muli %while3A_8, %while3A_7 : i32
    %while3A_10 = arith.addi %while3A_3, %while3A_9 : i32
    %while3A_11 = arith.constant 1 : i32
    scf.for %while3A_18 = %while3A_3 to %while3A_10 step %while3A_11  : i32 {
      %dma_start3A = arith.constant 0 : i32
      %dma_start3A_19 = tpu.memref_slice %arg7[%while3A_18, %dma_start3A] : memref<1x128xi32, #tpu.memory_space<vmem>> -> memref<1x128xi32, #tpu.memory_space<vmem>>
      %dma_start3A_20 = tpu.memref_squeeze %dma_start3A_19 : memref<1x128xi32, #tpu.memory_space<vmem>> -> memref<128xi32, #tpu.memory_space<vmem>>
      %dma_start3A_21 = arith.constant 0 : i32
      %dma_start3A_22 = arith.constant 0 : i32
      %dma_start3A_23 = tpu.memref_slice %arg2[%dma_start3A_21, %dma_start3A_22] : memref<2500x128xf32, #tpu.memory_space<hbm>> -> memref<2500x128xf32, #tpu.memory_space<hbm>>
      tpu.enqueue_indirect_dma source(%dma_start3A_23 : memref<2500x128xf32, #tpu.memory_space<hbm>>) target(%arg9 : memref<128x128xf32, #tpu.memory_space<vmem>>) offsets(%dma_start3A_20 : memref<128xi32, #tpu.memory_space<vmem>>) semaphore(%arg11 : memref<!tpu.dma_semaphore, #tpu.memory_space<semaphore_mem>>)
      %dma_wait3A = arith.constant 0 : i32
      %dma_wait3A_24 = tpu.memref_slice %arg7[%while3A_18, %dma_wait3A] : memref<1x128xi32, #tpu.memory_space<vmem>> -> memref<1x128xi32, #tpu.memory_space<vmem>>
      %dma_wait3A_25 = tpu.memref_squeeze %dma_wait3A_24 : memref<1x128xi32, #tpu.memory_space<vmem>> -> memref<128xi32, #tpu.memory_space<vmem>>
      %dma_wait3A_26 = arith.constant 0 : i32
      %dma_wait3A_27 = arith.constant 0 : i32
      %dma_wait3A_28 = tpu.memref_slice %arg2[%dma_wait3A_26, %dma_wait3A_27] : memref<2500x128xf32, #tpu.memory_space<hbm>> -> memref<2500x128xf32, #tpu.memory_space<hbm>>
      tpu.wait_indirect_dma semaphore(%arg11 : memref<!tpu.dma_semaphore, #tpu.memory_space<semaphore_mem>>) src(%dma_wait3A_28 : memref<2500x128xf32, #tpu.memory_space<hbm>>) dst(%arg9 : memref<128x128xf32, #tpu.memory_space<vmem>>)
      "tpu.region"() ({
        %run_scoped3A = tpu.sem_alloc : memref<!tpu.dma_semaphore, #tpu.memory_space<semaphore_mem>>
        %dma_start3A_29 = arith.constant 0 : i32
        %dma_start3A_30 = tpu.memref_slice %arg8[%while3A_18, %dma_start3A_29] : memref<1x128xi32, #tpu.memory_space<vmem>> -> memref<1x128xi32, #tpu.memory_space<vmem>>
        %dma_start3A_31 = tpu.memref_squeeze %dma_start3A_30 : memref<1x128xi32, #tpu.memory_space<vmem>> -> memref<128xi32, #tpu.memory_space<vmem>>
        %dma_start3A_32 = arith.constant 0 : i32
        %dma_start3A_33 = arith.constant 0 : i32
        %dma_start3A_34 = tpu.memref_slice %arg10[%dma_start3A_32, %dma_start3A_33] : memref<10112x128xf32, #tpu.memory_space<vmem_shared>> -> memref<10112x128xf32, #tpu.memory_space<vmem_shared>>
        tpu.enqueue_indirect_dma source(%arg9 : memref<128x128xf32, #tpu.memory_space<vmem>>) target(%dma_start3A_34 : memref<10112x128xf32, #tpu.memory_space<vmem_shared>>) offsets(%dma_start3A_31 : memref<128xi32, #tpu.memory_space<vmem>>) semaphore(%run_scoped3A : memref<!tpu.dma_semaphore, #tpu.memory_space<semaphore_mem>>) {add = true}
        %dma_wait3A_35 = arith.constant 0 : i32
        %dma_wait3A_36 = tpu.memref_slice %arg8[%while3A_18, %dma_wait3A_35] : memref<1x128xi32, #tpu.memory_space<vmem>> -> memref<1x128xi32, #tpu.memory_space<vmem>>
        %dma_wait3A_37 = tpu.memref_squeeze %dma_wait3A_36 : memref<1x128xi32, #tpu.memory_space<vmem>> -> memref<128xi32, #tpu.memory_space<vmem>>
        %dma_wait3A_38 = arith.constant 0 : i32
        %dma_wait3A_39 = arith.constant 0 : i32
        %dma_wait3A_40 = tpu.memref_slice %arg10[%dma_wait3A_38, %dma_wait3A_39] : memref<10112x128xf32, #tpu.memory_space<vmem_shared>> -> memref<10112x128xf32, #tpu.memory_space<vmem_shared>>
        tpu.wait_indirect_dma semaphore(%run_scoped3A : memref<!tpu.dma_semaphore, #tpu.memory_space<semaphore_mem>>) src(%arg9 : memref<128x128xf32, #tpu.memory_space<vmem>>) dst(%dma_wait3A_40 : memref<10112x128xf32, #tpu.memory_space<vmem_shared>>)
        tpu.yield
      }) : () -> ()
    }
    %while3A_12 = arith.constant 1 : i32
    scf.for %while3A_18 = %while3A_10 to %while3A_6 step %while3A_12  : i32 {
      %dma_start3A = arith.constant 0 : i32
      %dma_start3A_19 = tpu.memref_slice %arg7[%while3A_18, %dma_start3A] : memref<1x128xi32, #tpu.memory_space<vmem>> -> memref<1x128xi32, #tpu.memory_space<vmem>>
      %dma_start3A_20 = tpu.memref_squeeze %dma_start3A_19 : memref<1x128xi32, #tpu.memory_space<vmem>> -> memref<128xi32, #tpu.memory_space<vmem>>
      %dma_start3A_21 = arith.constant 0 : i32
      %dma_start3A_22 = arith.constant 0 : i32
      %dma_start3A_23 = tpu.memref_slice %arg2[%dma_start3A_21, %dma_start3A_22] : memref<2500x128xf32, #tpu.memory_space<hbm>> -> memref<2500x128xf32, #tpu.memory_space<hbm>>
      tpu.enqueue_indirect_dma source(%dma_start3A_23 : memref<2500x128xf32, #tpu.memory_space<hbm>>) target(%arg9 : memref<128x128xf32, #tpu.memory_space<vmem>>) offsets(%dma_start3A_20 : memref<128xi32, #tpu.memory_space<vmem>>) semaphore(%arg11 : memref<!tpu.dma_semaphore, #tpu.memory_space<semaphore_mem>>)
      %dma_wait3A = arith.constant 0 : i32
      %dma_wait3A_24 = tpu.memref_slice %arg7[%while3A_18, %dma_wait3A] : memref<1x128xi32, #tpu.memory_space<vmem>> -> memref<1x128xi32, #tpu.memory_space<vmem>>
      %dma_wait3A_25 = tpu.memref_squeeze %dma_wait3A_24 : memref<1x128xi32, #tpu.memory_space<vmem>> -> memref<128xi32, #tpu.memory_space<vmem>>
      %dma_wait3A_26 = arith.constant 0 : i32
      %dma_wait3A_27 = arith.constant 0 : i32
      %dma_wait3A_28 = tpu.memref_slice %arg2[%dma_wait3A_26, %dma_wait3A_27] : memref<2500x128xf32, #tpu.memory_space<hbm>> -> memref<2500x128xf32, #tpu.memory_space<hbm>>
      tpu.wait_indirect_dma semaphore(%arg11 : memref<!tpu.dma_semaphore, #tpu.memory_space<semaphore_mem>>) src(%dma_wait3A_28 : memref<2500x128xf32, #tpu.memory_space<hbm>>) dst(%arg9 : memref<128x128xf32, #tpu.memory_space<vmem>>)
      "tpu.region"() ({
        %run_scoped3A = tpu.sem_alloc : memref<!tpu.dma_semaphore, #tpu.memory_space<semaphore_mem>>
        %dma_start3A_29 = arith.constant 0 : i32
        %dma_start3A_30 = tpu.memref_slice %arg8[%while3A_18, %dma_start3A_29] : memref<1x128xi32, #tpu.memory_space<vmem>> -> memref<1x128xi32, #tpu.memory_space<vmem>>
        %dma_start3A_31 = tpu.memref_squeeze %dma_start3A_30 : memref<1x128xi32, #tpu.memory_space<vmem>> -> memref<128xi32, #tpu.memory_space<vmem>>
        %dma_start3A_32 = arith.constant 0 : i32
        %dma_start3A_33 = arith.constant 0 : i32
        %dma_start3A_34 = tpu.memref_slice %arg10[%dma_start3A_32, %dma_start3A_33] : memref<10112x128xf32, #tpu.memory_space<vmem_shared>> -> memref<10112x128xf32, #tpu.memory_space<vmem_shared>>
        tpu.enqueue_indirect_dma source(%arg9 : memref<128x128xf32, #tpu.memory_space<vmem>>) target(%dma_start3A_34 : memref<10112x128xf32, #tpu.memory_space<vmem_shared>>) offsets(%dma_start3A_31 : memref<128xi32, #tpu.memory_space<vmem>>) semaphore(%run_scoped3A : memref<!tpu.dma_semaphore, #tpu.memory_space<semaphore_mem>>) {add = true}
        %dma_wait3A_35 = arith.constant 0 : i32
        %dma_wait3A_36 = tpu.memref_slice %arg8[%while3A_18, %dma_wait3A_35] : memref<1x128xi32, #tpu.memory_space<vmem>> -> memref<1x128xi32, #tpu.memory_space<vmem>>
        %dma_wait3A_37 = tpu.memref_squeeze %dma_wait3A_36 : memref<1x128xi32, #tpu.memory_space<vmem>> -> memref<128xi32, #tpu.memory_space<vmem>>
        %dma_wait3A_38 = arith.constant 0 : i32
        %dma_wait3A_39 = arith.constant 0 : i32
        %dma_wait3A_40 = tpu.memref_slice %arg10[%dma_wait3A_38, %dma_wait3A_39] : memref<10112x128xf32, #tpu.memory_space<vmem_shared>> -> memref<10112x128xf32, #tpu.memory_space<vmem_shared>>
        tpu.wait_indirect_dma semaphore(%run_scoped3A : memref<!tpu.dma_semaphore, #tpu.memory_space<semaphore_mem>>) src(%arg9 : memref<128x128xf32, #tpu.memory_space<vmem>>) dst(%dma_wait3A_40 : memref<10112x128xf32, #tpu.memory_space<vmem_shared>>)
        tpu.yield
      }) : () -> ()
    }
    %barrier3A_13 = arith.constant 0 : index
    tpu.barrier barrier_id(%barrier3A_13)
    %mul3A_14 = arith.constant 632 : i32
    %mul3A_15 = arith.muli %arg1, %mul3A_14 : i32
    %mul3A_16 = arith.constant 632 : i32
    %mul3A_17 = arith.muli %arg1, %mul3A_16 : i32
    "tpu.region"() ({
      %run_scoped3A = tpu.sem_alloc : memref<!tpu.dma_semaphore, #tpu.memory_space<semaphore_mem>>
      %dma_start3A = arith.constant 0 : i32
      %dma_start3A_18 = tpu.memref_slice %arg6[%arg0, %mul3A_17, %dma_start3A] : memref<2x10112x128xf32, #tpu.memory_space<hbm>> -> memref<1x632x128xf32, #tpu.memory_space<hbm>>
      %dma_start3A_19 = tpu.memref_squeeze %dma_start3A_18 : memref<1x632x128xf32, #tpu.memory_space<hbm>> -> memref<632x128xf32, #tpu.memory_space<hbm>>
      %dma_start3A_20 = arith.constant 0 : i32
      %dma_start3A_21 = tpu.memref_slice %arg10[%mul3A_15, %dma_start3A_20] : memref<10112x128xf32, #tpu.memory_space<vmem_shared>> -> memref<632x128xf32, #tpu.memory_space<vmem_shared>>
      tpu.enqueue_dma source(%dma_start3A_21 : memref<632x128xf32, #tpu.memory_space<vmem_shared>>) target(%dma_start3A_19 : memref<632x128xf32, #tpu.memory_space<hbm>>) target_semaphore(%run_scoped3A : memref<!tpu.dma_semaphore, #tpu.memory_space<semaphore_mem>>)
      %dma_wait3A = arith.constant 0 : i32
      %dma_wait3A_22 = tpu.memref_slice %arg6[%arg0, %mul3A_17, %dma_wait3A] : memref<2x10112x128xf32, #tpu.memory_space<hbm>> -> memref<1x632x128xf32, #tpu.memory_space<hbm>>
      %dma_wait3A_23 = tpu.memref_squeeze %dma_wait3A_22 : memref<1x632x128xf32, #tpu.memory_space<hbm>> -> memref<632x128xf32, #tpu.memory_space<hbm>>
      %dma_wait3A_24 = arith.constant 0 : i32
      %dma_wait3A_25 = tpu.memref_slice %arg10[%mul3A_15, %dma_wait3A_24] : memref<10112x128xf32, #tpu.memory_space<vmem_shared>> -> memref<632x128xf32, #tpu.memory_space<vmem_shared>>
      tpu.wait_dma2 semaphore(%run_scoped3A : memref<!tpu.dma_semaphore, #tpu.memory_space<semaphore_mem>>) src(%dma_wait3A_25 : memref<632x128xf32, #tpu.memory_space<vmem_shared>>) dst(%dma_wait3A_23 : memref<632x128xf32, #tpu.memory_space<hbm>>)
      tpu.yield
    }) : () -> ()
    return
  }
}

#map = affine_map<(d0, d1) -> (0, 0)>
#map1 = affine_map<(d0, d1) -> (0, 0, 0)>
module attributes {stable_mosaic.version = 14 : i64} {
  func.func @k(%arg0: i32, %arg1: i32, %arg2: memref<10000x128xf32, #tpu.memory_space<hbm>>, %arg3: memref<32x79x128xi32, #tpu.memory_space<hbm>>, %arg4: memref<32x79x128xi32, #tpu.memory_space<hbm>>, %arg5: memref<632x128xf32, #tpu.memory_space<hbm>>, %arg6: memref<2x10112x128xf32, #tpu.memory_space<hbm>>, %arg7: memref<79x128xi32, #tpu.memory_space<vmem>>, %arg8: memref<79x128xi32, #tpu.memory_space<vmem>>, %arg9: memref<128x128xf32, #tpu.memory_space<vmem>>, %arg10: memref<10112x128xf32, #tpu.memory_space<vmem_shared>>, %arg11: memref<!tpu.dma_semaphore, #tpu.memory_space<semaphore_mem>>) attributes {dimension_semantics = [#tpu.dimension_semantics<core_parallel>, #tpu.dimension_semantics<subcore_parallel>], iteration_bounds = array<i64: 2, 16>, scalar_prefetch = 0 : i64, scratch_operands = 5 : i64, tpu.core_type = #tpu.core_type<sc_vector_subcore>, window_params = [{transform_indices = #map}, {transform_indices = #map1}, {transform_indices = #map1}, {transform_indices = #map}, {transform_indices = #map1}]} {
    %mul3A = arith.constant 16 : i32
    %mul3A_0 = arith.muli %arg0, %mul3A : i32
    %add3A = arith.addi %mul3A_0, %arg1 : i32
    %mul3A_1 = arith.constant 632 : i32
    %mul3A_2 = arith.muli %arg1, %mul3A_1 : i32
    "tpu.region"() ({
      %run_scoped3A = tpu.sem_alloc : memref<!tpu.dma_semaphore, #tpu.memory_space<semaphore_mem>>
      %dma_start3A = arith.constant 0 : i32
      %dma_start3A_18 = tpu.memref_slice %arg10[%mul3A_2, %dma_start3A] : memref<10112x128xf32, #tpu.memory_space<vmem_shared>> -> memref<632x128xf32, #tpu.memory_space<vmem_shared>>
      tpu.enqueue_dma source(%arg5 : memref<632x128xf32, #tpu.memory_space<hbm>>) target(%dma_start3A_18 : memref<632x128xf32, #tpu.memory_space<vmem_shared>>) target_semaphore(%run_scoped3A : memref<!tpu.dma_semaphore, #tpu.memory_space<semaphore_mem>>)
      %dma_wait3A = arith.constant 0 : i32
      %dma_wait3A_19 = tpu.memref_slice %arg10[%mul3A_2, %dma_wait3A] : memref<10112x128xf32, #tpu.memory_space<vmem_shared>> -> memref<632x128xf32, #tpu.memory_space<vmem_shared>>
      tpu.wait_dma2 semaphore(%run_scoped3A : memref<!tpu.dma_semaphore, #tpu.memory_space<semaphore_mem>>) src(%arg5 : memref<632x128xf32, #tpu.memory_space<hbm>>) dst(%dma_wait3A_19 : memref<632x128xf32, #tpu.memory_space<vmem_shared>>)
      tpu.yield
    }) : () -> ()
    "tpu.region"() ({
      %run_scoped3A = tpu.sem_alloc : memref<!tpu.dma_semaphore, #tpu.memory_space<semaphore_mem>>
      %dma_start3A = arith.constant 0 : i32
      %dma_start3A_18 = arith.constant 0 : i32
      %dma_start3A_19 = tpu.memref_slice %arg3[%add3A, %dma_start3A, %dma_start3A_18] : memref<32x79x128xi32, #tpu.memory_space<hbm>> -> memref<1x79x128xi32, #tpu.memory_space<hbm>>
      %dma_start3A_20 = tpu.memref_squeeze %dma_start3A_19 : memref<1x79x128xi32, #tpu.memory_space<hbm>> -> memref<79x128xi32, #tpu.memory_space<hbm>>
      %dma_start3A_21 = arith.constant 0 : i32
      %dma_start3A_22 = arith.constant 0 : i32
      %dma_start3A_23 = tpu.memref_slice %arg3[%add3A, %dma_start3A_21, %dma_start3A_22] : memref<32x79x128xi32, #tpu.memory_space<hbm>> -> memref<1x79x128xi32, #tpu.memory_space<hbm>>
      %dma_start3A_24 = tpu.memref_squeeze %dma_start3A_23 : memref<1x79x128xi32, #tpu.memory_space<hbm>> -> memref<79x128xi32, #tpu.memory_space<hbm>>
      tpu.enqueue_dma source(%dma_start3A_24 : memref<79x128xi32, #tpu.memory_space<hbm>>) target(%arg7 : memref<79x128xi32, #tpu.memory_space<vmem>>) target_semaphore(%run_scoped3A : memref<!tpu.dma_semaphore, #tpu.memory_space<semaphore_mem>>)
      %dma_wait3A = arith.constant 0 : i32
      %dma_wait3A_25 = arith.constant 0 : i32
      %dma_wait3A_26 = tpu.memref_slice %arg3[%add3A, %dma_wait3A, %dma_wait3A_25] : memref<32x79x128xi32, #tpu.memory_space<hbm>> -> memref<1x79x128xi32, #tpu.memory_space<hbm>>
      %dma_wait3A_27 = tpu.memref_squeeze %dma_wait3A_26 : memref<1x79x128xi32, #tpu.memory_space<hbm>> -> memref<79x128xi32, #tpu.memory_space<hbm>>
      %dma_wait3A_28 = arith.constant 0 : i32
      %dma_wait3A_29 = arith.constant 0 : i32
      %dma_wait3A_30 = tpu.memref_slice %arg3[%add3A, %dma_wait3A_28, %dma_wait3A_29] : memref<32x79x128xi32, #tpu.memory_space<hbm>> -> memref<1x79x128xi32, #tpu.memory_space<hbm>>
      %dma_wait3A_31 = tpu.memref_squeeze %dma_wait3A_30 : memref<1x79x128xi32, #tpu.memory_space<hbm>> -> memref<79x128xi32, #tpu.memory_space<hbm>>
      tpu.wait_dma2 semaphore(%run_scoped3A : memref<!tpu.dma_semaphore, #tpu.memory_space<semaphore_mem>>) src(%dma_wait3A_31 : memref<79x128xi32, #tpu.memory_space<hbm>>) dst(%arg7 : memref<79x128xi32, #tpu.memory_space<vmem>>)
      tpu.yield
    }) : () -> ()
    "tpu.region"() ({
      %run_scoped3A = tpu.sem_alloc : memref<!tpu.dma_semaphore, #tpu.memory_space<semaphore_mem>>
      %dma_start3A = arith.constant 0 : i32
      %dma_start3A_18 = arith.constant 0 : i32
      %dma_start3A_19 = tpu.memref_slice %arg4[%add3A, %dma_start3A, %dma_start3A_18] : memref<32x79x128xi32, #tpu.memory_space<hbm>> -> memref<1x79x128xi32, #tpu.memory_space<hbm>>
      %dma_start3A_20 = tpu.memref_squeeze %dma_start3A_19 : memref<1x79x128xi32, #tpu.memory_space<hbm>> -> memref<79x128xi32, #tpu.memory_space<hbm>>
      %dma_start3A_21 = arith.constant 0 : i32
      %dma_start3A_22 = arith.constant 0 : i32
      %dma_start3A_23 = tpu.memref_slice %arg4[%add3A, %dma_start3A_21, %dma_start3A_22] : memref<32x79x128xi32, #tpu.memory_space<hbm>> -> memref<1x79x128xi32, #tpu.memory_space<hbm>>
      %dma_start3A_24 = tpu.memref_squeeze %dma_start3A_23 : memref<1x79x128xi32, #tpu.memory_space<hbm>> -> memref<79x128xi32, #tpu.memory_space<hbm>>
      tpu.enqueue_dma source(%dma_start3A_24 : memref<79x128xi32, #tpu.memory_space<hbm>>) target(%arg8 : memref<79x128xi32, #tpu.memory_space<vmem>>) target_semaphore(%run_scoped3A : memref<!tpu.dma_semaphore, #tpu.memory_space<semaphore_mem>>)
      %dma_wait3A = arith.constant 0 : i32
      %dma_wait3A_25 = arith.constant 0 : i32
      %dma_wait3A_26 = tpu.memref_slice %arg4[%add3A, %dma_wait3A, %dma_wait3A_25] : memref<32x79x128xi32, #tpu.memory_space<hbm>> -> memref<1x79x128xi32, #tpu.memory_space<hbm>>
      %dma_wait3A_27 = tpu.memref_squeeze %dma_wait3A_26 : memref<1x79x128xi32, #tpu.memory_space<hbm>> -> memref<79x128xi32, #tpu.memory_space<hbm>>
      %dma_wait3A_28 = arith.constant 0 : i32
      %dma_wait3A_29 = arith.constant 0 : i32
      %dma_wait3A_30 = tpu.memref_slice %arg4[%add3A, %dma_wait3A_28, %dma_wait3A_29] : memref<32x79x128xi32, #tpu.memory_space<hbm>> -> memref<1x79x128xi32, #tpu.memory_space<hbm>>
      %dma_wait3A_31 = tpu.memref_squeeze %dma_wait3A_30 : memref<1x79x128xi32, #tpu.memory_space<hbm>> -> memref<79x128xi32, #tpu.memory_space<hbm>>
      tpu.wait_dma2 semaphore(%run_scoped3A : memref<!tpu.dma_semaphore, #tpu.memory_space<semaphore_mem>>) src(%dma_wait3A_31 : memref<79x128xi32, #tpu.memory_space<hbm>>) dst(%arg8 : memref<79x128xi32, #tpu.memory_space<vmem>>)
      tpu.yield
    }) : () -> ()
    %barrier3A = arith.constant 0 : index
    tpu.barrier barrier_id(%barrier3A)
    %while3A = arith.constant 0 : i32
    %while3A_3 = arith.constant 0 : i32
    %while3A_4 = arith.constant 79 : i32
    %while3A_5 = arith.subi %while3A_4, %while3A_3 : i32
    %while3A_6 = arith.addi %while3A_3, %while3A_5 : i32
    %while3A_7 = arith.constant 1 : i32
    %while3A_8 = arith.divsi %while3A_5, %while3A_7 : i32
    %while3A_9 = arith.muli %while3A_8, %while3A_7 : i32
    %while3A_10 = arith.addi %while3A_3, %while3A_9 : i32
    %while3A_11 = arith.constant 1 : i32
    scf.for %while3A_18 = %while3A_3 to %while3A_10 step %while3A_11  : i32 {
      %dma_start3A = arith.constant 0 : i32
      %dma_start3A_19 = tpu.memref_slice %arg7[%while3A_18, %dma_start3A] : memref<79x128xi32, #tpu.memory_space<vmem>> -> memref<1x128xi32, #tpu.memory_space<vmem>>
      %dma_start3A_20 = tpu.memref_squeeze %dma_start3A_19 : memref<1x128xi32, #tpu.memory_space<vmem>> -> memref<128xi32, #tpu.memory_space<vmem>>
      %dma_start3A_21 = arith.constant 0 : i32
      %dma_start3A_22 = arith.constant 0 : i32
      %dma_start3A_23 = tpu.memref_slice %arg2[%dma_start3A_21, %dma_start3A_22] : memref<10000x128xf32, #tpu.memory_space<hbm>> -> memref<10000x128xf32, #tpu.memory_space<hbm>>
      tpu.enqueue_indirect_dma source(%dma_start3A_23 : memref<10000x128xf32, #tpu.memory_space<hbm>>) target(%arg9 : memref<128x128xf32, #tpu.memory_space<vmem>>) offsets(%dma_start3A_20 : memref<128xi32, #tpu.memory_space<vmem>>) semaphore(%arg11 : memref<!tpu.dma_semaphore, #tpu.memory_space<semaphore_mem>>)
      %dma_wait3A = arith.constant 0 : i32
      %dma_wait3A_24 = tpu.memref_slice %arg7[%while3A_18, %dma_wait3A] : memref<79x128xi32, #tpu.memory_space<vmem>> -> memref<1x128xi32, #tpu.memory_space<vmem>>
      %dma_wait3A_25 = tpu.memref_squeeze %dma_wait3A_24 : memref<1x128xi32, #tpu.memory_space<vmem>> -> memref<128xi32, #tpu.memory_space<vmem>>
      %dma_wait3A_26 = arith.constant 0 : i32
      %dma_wait3A_27 = arith.constant 0 : i32
      %dma_wait3A_28 = tpu.memref_slice %arg2[%dma_wait3A_26, %dma_wait3A_27] : memref<10000x128xf32, #tpu.memory_space<hbm>> -> memref<10000x128xf32, #tpu.memory_space<hbm>>
      tpu.wait_indirect_dma semaphore(%arg11 : memref<!tpu.dma_semaphore, #tpu.memory_space<semaphore_mem>>) src(%dma_wait3A_28 : memref<10000x128xf32, #tpu.memory_space<hbm>>) dst(%arg9 : memref<128x128xf32, #tpu.memory_space<vmem>>)
      "tpu.region"() ({
        %run_scoped3A = tpu.sem_alloc : memref<!tpu.dma_semaphore, #tpu.memory_space<semaphore_mem>>
        %dma_start3A_29 = arith.constant 0 : i32
        %dma_start3A_30 = tpu.memref_slice %arg8[%while3A_18, %dma_start3A_29] : memref<79x128xi32, #tpu.memory_space<vmem>> -> memref<1x128xi32, #tpu.memory_space<vmem>>
        %dma_start3A_31 = tpu.memref_squeeze %dma_start3A_30 : memref<1x128xi32, #tpu.memory_space<vmem>> -> memref<128xi32, #tpu.memory_space<vmem>>
        %dma_start3A_32 = arith.constant 0 : i32
        %dma_start3A_33 = arith.constant 0 : i32
        %dma_start3A_34 = tpu.memref_slice %arg10[%dma_start3A_32, %dma_start3A_33] : memref<10112x128xf32, #tpu.memory_space<vmem_shared>> -> memref<10112x128xf32, #tpu.memory_space<vmem_shared>>
        tpu.enqueue_indirect_dma source(%arg9 : memref<128x128xf32, #tpu.memory_space<vmem>>) target(%dma_start3A_34 : memref<10112x128xf32, #tpu.memory_space<vmem_shared>>) offsets(%dma_start3A_31 : memref<128xi32, #tpu.memory_space<vmem>>) semaphore(%run_scoped3A : memref<!tpu.dma_semaphore, #tpu.memory_space<semaphore_mem>>) {add = true}
        %dma_wait3A_35 = arith.constant 0 : i32
        %dma_wait3A_36 = tpu.memref_slice %arg8[%while3A_18, %dma_wait3A_35] : memref<79x128xi32, #tpu.memory_space<vmem>> -> memref<1x128xi32, #tpu.memory_space<vmem>>
        %dma_wait3A_37 = tpu.memref_squeeze %dma_wait3A_36 : memref<1x128xi32, #tpu.memory_space<vmem>> -> memref<128xi32, #tpu.memory_space<vmem>>
        %dma_wait3A_38 = arith.constant 0 : i32
        %dma_wait3A_39 = arith.constant 0 : i32
        %dma_wait3A_40 = tpu.memref_slice %arg10[%dma_wait3A_38, %dma_wait3A_39] : memref<10112x128xf32, #tpu.memory_space<vmem_shared>> -> memref<10112x128xf32, #tpu.memory_space<vmem_shared>>
        tpu.wait_indirect_dma semaphore(%run_scoped3A : memref<!tpu.dma_semaphore, #tpu.memory_space<semaphore_mem>>) src(%arg9 : memref<128x128xf32, #tpu.memory_space<vmem>>) dst(%dma_wait3A_40 : memref<10112x128xf32, #tpu.memory_space<vmem_shared>>)
        tpu.yield
      }) : () -> ()
    }
    %while3A_12 = arith.constant 1 : i32
    scf.for %while3A_18 = %while3A_10 to %while3A_6 step %while3A_12  : i32 {
      %dma_start3A = arith.constant 0 : i32
      %dma_start3A_19 = tpu.memref_slice %arg7[%while3A_18, %dma_start3A] : memref<79x128xi32, #tpu.memory_space<vmem>> -> memref<1x128xi32, #tpu.memory_space<vmem>>
      %dma_start3A_20 = tpu.memref_squeeze %dma_start3A_19 : memref<1x128xi32, #tpu.memory_space<vmem>> -> memref<128xi32, #tpu.memory_space<vmem>>
      %dma_start3A_21 = arith.constant 0 : i32
      %dma_start3A_22 = arith.constant 0 : i32
      %dma_start3A_23 = tpu.memref_slice %arg2[%dma_start3A_21, %dma_start3A_22] : memref<10000x128xf32, #tpu.memory_space<hbm>> -> memref<10000x128xf32, #tpu.memory_space<hbm>>
      tpu.enqueue_indirect_dma source(%dma_start3A_23 : memref<10000x128xf32, #tpu.memory_space<hbm>>) target(%arg9 : memref<128x128xf32, #tpu.memory_space<vmem>>) offsets(%dma_start3A_20 : memref<128xi32, #tpu.memory_space<vmem>>) semaphore(%arg11 : memref<!tpu.dma_semaphore, #tpu.memory_space<semaphore_mem>>)
      %dma_wait3A = arith.constant 0 : i32
      %dma_wait3A_24 = tpu.memref_slice %arg7[%while3A_18, %dma_wait3A] : memref<79x128xi32, #tpu.memory_space<vmem>> -> memref<1x128xi32, #tpu.memory_space<vmem>>
      %dma_wait3A_25 = tpu.memref_squeeze %dma_wait3A_24 : memref<1x128xi32, #tpu.memory_space<vmem>> -> memref<128xi32, #tpu.memory_space<vmem>>
      %dma_wait3A_26 = arith.constant 0 : i32
      %dma_wait3A_27 = arith.constant 0 : i32
      %dma_wait3A_28 = tpu.memref_slice %arg2[%dma_wait3A_26, %dma_wait3A_27] : memref<10000x128xf32, #tpu.memory_space<hbm>> -> memref<10000x128xf32, #tpu.memory_space<hbm>>
      tpu.wait_indirect_dma semaphore(%arg11 : memref<!tpu.dma_semaphore, #tpu.memory_space<semaphore_mem>>) src(%dma_wait3A_28 : memref<10000x128xf32, #tpu.memory_space<hbm>>) dst(%arg9 : memref<128x128xf32, #tpu.memory_space<vmem>>)
      "tpu.region"() ({
        %run_scoped3A = tpu.sem_alloc : memref<!tpu.dma_semaphore, #tpu.memory_space<semaphore_mem>>
        %dma_start3A_29 = arith.constant 0 : i32
        %dma_start3A_30 = tpu.memref_slice %arg8[%while3A_18, %dma_start3A_29] : memref<79x128xi32, #tpu.memory_space<vmem>> -> memref<1x128xi32, #tpu.memory_space<vmem>>
        %dma_start3A_31 = tpu.memref_squeeze %dma_start3A_30 : memref<1x128xi32, #tpu.memory_space<vmem>> -> memref<128xi32, #tpu.memory_space<vmem>>
        %dma_start3A_32 = arith.constant 0 : i32
        %dma_start3A_33 = arith.constant 0 : i32
        %dma_start3A_34 = tpu.memref_slice %arg10[%dma_start3A_32, %dma_start3A_33] : memref<10112x128xf32, #tpu.memory_space<vmem_shared>> -> memref<10112x128xf32, #tpu.memory_space<vmem_shared>>
        tpu.enqueue_indirect_dma source(%arg9 : memref<128x128xf32, #tpu.memory_space<vmem>>) target(%dma_start3A_34 : memref<10112x128xf32, #tpu.memory_space<vmem_shared>>) offsets(%dma_start3A_31 : memref<128xi32, #tpu.memory_space<vmem>>) semaphore(%run_scoped3A : memref<!tpu.dma_semaphore, #tpu.memory_space<semaphore_mem>>) {add = true}
        %dma_wait3A_35 = arith.constant 0 : i32
        %dma_wait3A_36 = tpu.memref_slice %arg8[%while3A_18, %dma_wait3A_35] : memref<79x128xi32, #tpu.memory_space<vmem>> -> memref<1x128xi32, #tpu.memory_space<vmem>>
        %dma_wait3A_37 = tpu.memref_squeeze %dma_wait3A_36 : memref<1x128xi32, #tpu.memory_space<vmem>> -> memref<128xi32, #tpu.memory_space<vmem>>
        %dma_wait3A_38 = arith.constant 0 : i32
        %dma_wait3A_39 = arith.constant 0 : i32
        %dma_wait3A_40 = tpu.memref_slice %arg10[%dma_wait3A_38, %dma_wait3A_39] : memref<10112x128xf32, #tpu.memory_space<vmem_shared>> -> memref<10112x128xf32, #tpu.memory_space<vmem_shared>>
        tpu.wait_indirect_dma semaphore(%run_scoped3A : memref<!tpu.dma_semaphore, #tpu.memory_space<semaphore_mem>>) src(%arg9 : memref<128x128xf32, #tpu.memory_space<vmem>>) dst(%dma_wait3A_40 : memref<10112x128xf32, #tpu.memory_space<vmem_shared>>)
        tpu.yield
      }) : () -> ()
    }
    %barrier3A_13 = arith.constant 0 : index
    tpu.barrier barrier_id(%barrier3A_13)
    %mul3A_14 = arith.constant 632 : i32
    %mul3A_15 = arith.muli %arg1, %mul3A_14 : i32
    %mul3A_16 = arith.constant 632 : i32
    %mul3A_17 = arith.muli %arg1, %mul3A_16 : i32
    "tpu.region"() ({
      %run_scoped3A = tpu.sem_alloc : memref<!tpu.dma_semaphore, #tpu.memory_space<semaphore_mem>>
      %dma_start3A = arith.constant 0 : i32
      %dma_start3A_18 = tpu.memref_slice %arg6[%arg0, %mul3A_17, %dma_start3A] : memref<2x10112x128xf32, #tpu.memory_space<hbm>> -> memref<1x632x128xf32, #tpu.memory_space<hbm>>
      %dma_start3A_19 = tpu.memref_squeeze %dma_start3A_18 : memref<1x632x128xf32, #tpu.memory_space<hbm>> -> memref<632x128xf32, #tpu.memory_space<hbm>>
      %dma_start3A_20 = arith.constant 0 : i32
      %dma_start3A_21 = tpu.memref_slice %arg10[%mul3A_15, %dma_start3A_20] : memref<10112x128xf32, #tpu.memory_space<vmem_shared>> -> memref<632x128xf32, #tpu.memory_space<vmem_shared>>
      tpu.enqueue_dma source(%dma_start3A_21 : memref<632x128xf32, #tpu.memory_space<vmem_shared>>) target(%dma_start3A_19 : memref<632x128xf32, #tpu.memory_space<hbm>>) target_semaphore(%run_scoped3A : memref<!tpu.dma_semaphore, #tpu.memory_space<semaphore_mem>>)
      %dma_wait3A = arith.constant 0 : i32
      %dma_wait3A_22 = tpu.memref_slice %arg6[%arg0, %mul3A_17, %dma_wait3A] : memref<2x10112x128xf32, #tpu.memory_space<hbm>> -> memref<1x632x128xf32, #tpu.memory_space<hbm>>
      %dma_wait3A_23 = tpu.memref_squeeze %dma_wait3A_22 : memref<1x632x128xf32, #tpu.memory_space<hbm>> -> memref<632x128xf32, #tpu.memory_space<hbm>>
      %dma_wait3A_24 = arith.constant 0 : i32
      %dma_wait3A_25 = tpu.memref_slice %arg10[%mul3A_15, %dma_wait3A_24] : memref<10112x128xf32, #tpu.memory_space<vmem_shared>> -> memref<632x128xf32, #tpu.memory_space<vmem_shared>>
      tpu.wait_dma2 semaphore(%run_scoped3A : memref<!tpu.dma_semaphore, #tpu.memory_space<semaphore_mem>>) src(%dma_wait3A_25 : memref<632x128xf32, #tpu.memory_space<vmem_shared>>) dst(%dma_wait3A_23 : memref<632x128xf32, #tpu.memory_space<hbm>>)
      tpu.yield
    }) : () -> ()
    return
  }
}

#map = affine_map<(d0, d1) -> (0, 0)>
#map1 = affine_map<(d0, d1) -> (0, 0, 0)>
module attributes {stable_mosaic.version = 14 : i64} {
  func.func @k(%arg0: i32, %arg1: i32, %arg2: memref<2500x128xf32, #tpu.memory_space<hbm>>, %arg3: memref<32x1x128xi32, #tpu.memory_space<hbm>>, %arg4: memref<32x1x128xi32, #tpu.memory_space<hbm>>, %arg5: memref<632x128xf32, #tpu.memory_space<hbm>>, %arg6: memref<2x10112x128xf32, #tpu.memory_space<hbm>>, %arg7: memref<1x128xi32, #tpu.memory_space<vmem>>, %arg8: memref<1x128xi32, #tpu.memory_space<vmem>>, %arg9: memref<128x128xf32, #tpu.memory_space<vmem>>, %arg10: memref<10112x128xf32, #tpu.memory_space<vmem_shared>>, %arg11: memref<!tpu.dma_semaphore, #tpu.memory_space<semaphore_mem>>) attributes {dimension_semantics = [#tpu.dimension_semantics<core_parallel>, #tpu.dimension_semantics<subcore_parallel>], iteration_bounds = array<i64: 2, 16>, scalar_prefetch = 0 : i64, scratch_operands = 5 : i64, tpu.core_type = #tpu.core_type<sc_vector_subcore>, window_params = [{transform_indices = #map}, {transform_indices = #map1}, {transform_indices = #map1}, {transform_indices = #map}, {transform_indices = #map1}]} {
    %mul3A = arith.constant 16 : i32
    %mul3A_0 = arith.muli %arg0, %mul3A : i32
    %add3A = arith.addi %mul3A_0, %arg1 : i32
    %mul3A_1 = arith.constant 632 : i32
    %mul3A_2 = arith.muli %arg1, %mul3A_1 : i32
    "tpu.region"() ({
      %run_scoped3A = tpu.sem_alloc : memref<!tpu.dma_semaphore, #tpu.memory_space<semaphore_mem>>
      %dma_start3A = arith.constant 0 : i32
      %dma_start3A_18 = tpu.memref_slice %arg10[%mul3A_2, %dma_start3A] : memref<10112x128xf32, #tpu.memory_space<vmem_shared>> -> memref<632x128xf32, #tpu.memory_space<vmem_shared>>
      tpu.enqueue_dma source(%arg5 : memref<632x128xf32, #tpu.memory_space<hbm>>) target(%dma_start3A_18 : memref<632x128xf32, #tpu.memory_space<vmem_shared>>) target_semaphore(%run_scoped3A : memref<!tpu.dma_semaphore, #tpu.memory_space<semaphore_mem>>)
      %dma_wait3A = arith.constant 0 : i32
      %dma_wait3A_19 = tpu.memref_slice %arg10[%mul3A_2, %dma_wait3A] : memref<10112x128xf32, #tpu.memory_space<vmem_shared>> -> memref<632x128xf32, #tpu.memory_space<vmem_shared>>
      tpu.wait_dma2 semaphore(%run_scoped3A : memref<!tpu.dma_semaphore, #tpu.memory_space<semaphore_mem>>) src(%arg5 : memref<632x128xf32, #tpu.memory_space<hbm>>) dst(%dma_wait3A_19 : memref<632x128xf32, #tpu.memory_space<vmem_shared>>)
      tpu.yield
    }) : () -> ()
    "tpu.region"() ({
      %run_scoped3A = tpu.sem_alloc : memref<!tpu.dma_semaphore, #tpu.memory_space<semaphore_mem>>
      %dma_start3A = arith.constant 0 : i32
      %dma_start3A_18 = arith.constant 0 : i32
      %dma_start3A_19 = tpu.memref_slice %arg3[%add3A, %dma_start3A, %dma_start3A_18] : memref<32x1x128xi32, #tpu.memory_space<hbm>> -> memref<1x1x128xi32, #tpu.memory_space<hbm>>
      %dma_start3A_20 = tpu.memref_squeeze %dma_start3A_19 : memref<1x1x128xi32, #tpu.memory_space<hbm>> -> memref<1x128xi32, #tpu.memory_space<hbm>>
      %dma_start3A_21 = arith.constant 0 : i32
      %dma_start3A_22 = arith.constant 0 : i32
      %dma_start3A_23 = tpu.memref_slice %arg3[%add3A, %dma_start3A_21, %dma_start3A_22] : memref<32x1x128xi32, #tpu.memory_space<hbm>> -> memref<1x1x128xi32, #tpu.memory_space<hbm>>
      %dma_start3A_24 = tpu.memref_squeeze %dma_start3A_23 : memref<1x1x128xi32, #tpu.memory_space<hbm>> -> memref<1x128xi32, #tpu.memory_space<hbm>>
      tpu.enqueue_dma source(%dma_start3A_24 : memref<1x128xi32, #tpu.memory_space<hbm>>) target(%arg7 : memref<1x128xi32, #tpu.memory_space<vmem>>) target_semaphore(%run_scoped3A : memref<!tpu.dma_semaphore, #tpu.memory_space<semaphore_mem>>)
      %dma_wait3A = arith.constant 0 : i32
      %dma_wait3A_25 = arith.constant 0 : i32
      %dma_wait3A_26 = tpu.memref_slice %arg3[%add3A, %dma_wait3A, %dma_wait3A_25] : memref<32x1x128xi32, #tpu.memory_space<hbm>> -> memref<1x1x128xi32, #tpu.memory_space<hbm>>
      %dma_wait3A_27 = tpu.memref_squeeze %dma_wait3A_26 : memref<1x1x128xi32, #tpu.memory_space<hbm>> -> memref<1x128xi32, #tpu.memory_space<hbm>>
      %dma_wait3A_28 = arith.constant 0 : i32
      %dma_wait3A_29 = arith.constant 0 : i32
      %dma_wait3A_30 = tpu.memref_slice %arg3[%add3A, %dma_wait3A_28, %dma_wait3A_29] : memref<32x1x128xi32, #tpu.memory_space<hbm>> -> memref<1x1x128xi32, #tpu.memory_space<hbm>>
      %dma_wait3A_31 = tpu.memref_squeeze %dma_wait3A_30 : memref<1x1x128xi32, #tpu.memory_space<hbm>> -> memref<1x128xi32, #tpu.memory_space<hbm>>
      tpu.wait_dma2 semaphore(%run_scoped3A : memref<!tpu.dma_semaphore, #tpu.memory_space<semaphore_mem>>) src(%dma_wait3A_31 : memref<1x128xi32, #tpu.memory_space<hbm>>) dst(%arg7 : memref<1x128xi32, #tpu.memory_space<vmem>>)
      tpu.yield
    }) : () -> ()
    "tpu.region"() ({
      %run_scoped3A = tpu.sem_alloc : memref<!tpu.dma_semaphore, #tpu.memory_space<semaphore_mem>>
      %dma_start3A = arith.constant 0 : i32
      %dma_start3A_18 = arith.constant 0 : i32
      %dma_start3A_19 = tpu.memref_slice %arg4[%add3A, %dma_start3A, %dma_start3A_18] : memref<32x1x128xi32, #tpu.memory_space<hbm>> -> memref<1x1x128xi32, #tpu.memory_space<hbm>>
      %dma_start3A_20 = tpu.memref_squeeze %dma_start3A_19 : memref<1x1x128xi32, #tpu.memory_space<hbm>> -> memref<1x128xi32, #tpu.memory_space<hbm>>
      %dma_start3A_21 = arith.constant 0 : i32
      %dma_start3A_22 = arith.constant 0 : i32
      %dma_start3A_23 = tpu.memref_slice %arg4[%add3A, %dma_start3A_21, %dma_start3A_22] : memref<32x1x128xi32, #tpu.memory_space<hbm>> -> memref<1x1x128xi32, #tpu.memory_space<hbm>>
      %dma_start3A_24 = tpu.memref_squeeze %dma_start3A_23 : memref<1x1x128xi32, #tpu.memory_space<hbm>> -> memref<1x128xi32, #tpu.memory_space<hbm>>
      tpu.enqueue_dma source(%dma_start3A_24 : memref<1x128xi32, #tpu.memory_space<hbm>>) target(%arg8 : memref<1x128xi32, #tpu.memory_space<vmem>>) target_semaphore(%run_scoped3A : memref<!tpu.dma_semaphore, #tpu.memory_space<semaphore_mem>>)
      %dma_wait3A = arith.constant 0 : i32
      %dma_wait3A_25 = arith.constant 0 : i32
      %dma_wait3A_26 = tpu.memref_slice %arg4[%add3A, %dma_wait3A, %dma_wait3A_25] : memref<32x1x128xi32, #tpu.memory_space<hbm>> -> memref<1x1x128xi32, #tpu.memory_space<hbm>>
      %dma_wait3A_27 = tpu.memref_squeeze %dma_wait3A_26 : memref<1x1x128xi32, #tpu.memory_space<hbm>> -> memref<1x128xi32, #tpu.memory_space<hbm>>
      %dma_wait3A_28 = arith.constant 0 : i32
      %dma_wait3A_29 = arith.constant 0 : i32
      %dma_wait3A_30 = tpu.memref_slice %arg4[%add3A, %dma_wait3A_28, %dma_wait3A_29] : memref<32x1x128xi32, #tpu.memory_space<hbm>> -> memref<1x1x128xi32, #tpu.memory_space<hbm>>
      %dma_wait3A_31 = tpu.memref_squeeze %dma_wait3A_30 : memref<1x1x128xi32, #tpu.memory_space<hbm>> -> memref<1x128xi32, #tpu.memory_space<hbm>>
      tpu.wait_dma2 semaphore(%run_scoped3A : memref<!tpu.dma_semaphore, #tpu.memory_space<semaphore_mem>>) src(%dma_wait3A_31 : memref<1x128xi32, #tpu.memory_space<hbm>>) dst(%arg8 : memref<1x128xi32, #tpu.memory_space<vmem>>)
      tpu.yield
    }) : () -> ()
    %barrier3A = arith.constant 0 : index
    tpu.barrier barrier_id(%barrier3A)
    %while3A = arith.constant 0 : i32
    %while3A_3 = arith.constant 0 : i32
    %while3A_4 = arith.constant 1 : i32
    %while3A_5 = arith.subi %while3A_4, %while3A_3 : i32
    %while3A_6 = arith.addi %while3A_3, %while3A_5 : i32
    %while3A_7 = arith.constant 1 : i32
    %while3A_8 = arith.divsi %while3A_5, %while3A_7 : i32
    %while3A_9 = arith.muli %while3A_8, %while3A_7 : i32
    %while3A_10 = arith.addi %while3A_3, %while3A_9 : i32
    %while3A_11 = arith.constant 1 : i32
    scf.for %while3A_18 = %while3A_3 to %while3A_10 step %while3A_11  : i32 {
      %dma_start3A = arith.constant 0 : i32
      %dma_start3A_19 = tpu.memref_slice %arg7[%while3A_18, %dma_start3A] : memref<1x128xi32, #tpu.memory_space<vmem>> -> memref<1x128xi32, #tpu.memory_space<vmem>>
      %dma_start3A_20 = tpu.memref_squeeze %dma_start3A_19 : memref<1x128xi32, #tpu.memory_space<vmem>> -> memref<128xi32, #tpu.memory_space<vmem>>
      %dma_start3A_21 = arith.constant 0 : i32
      %dma_start3A_22 = arith.constant 0 : i32
      %dma_start3A_23 = tpu.memref_slice %arg2[%dma_start3A_21, %dma_start3A_22] : memref<2500x128xf32, #tpu.memory_space<hbm>> -> memref<2500x128xf32, #tpu.memory_space<hbm>>
      tpu.enqueue_indirect_dma source(%dma_start3A_23 : memref<2500x128xf32, #tpu.memory_space<hbm>>) target(%arg9 : memref<128x128xf32, #tpu.memory_space<vmem>>) offsets(%dma_start3A_20 : memref<128xi32, #tpu.memory_space<vmem>>) semaphore(%arg11 : memref<!tpu.dma_semaphore, #tpu.memory_space<semaphore_mem>>)
      %dma_wait3A = arith.constant 0 : i32
      %dma_wait3A_24 = tpu.memref_slice %arg7[%while3A_18, %dma_wait3A] : memref<1x128xi32, #tpu.memory_space<vmem>> -> memref<1x128xi32, #tpu.memory_space<vmem>>
      %dma_wait3A_25 = tpu.memref_squeeze %dma_wait3A_24 : memref<1x128xi32, #tpu.memory_space<vmem>> -> memref<128xi32, #tpu.memory_space<vmem>>
      %dma_wait3A_26 = arith.constant 0 : i32
      %dma_wait3A_27 = arith.constant 0 : i32
      %dma_wait3A_28 = tpu.memref_slice %arg2[%dma_wait3A_26, %dma_wait3A_27] : memref<2500x128xf32, #tpu.memory_space<hbm>> -> memref<2500x128xf32, #tpu.memory_space<hbm>>
      tpu.wait_indirect_dma semaphore(%arg11 : memref<!tpu.dma_semaphore, #tpu.memory_space<semaphore_mem>>) src(%dma_wait3A_28 : memref<2500x128xf32, #tpu.memory_space<hbm>>) dst(%arg9 : memref<128x128xf32, #tpu.memory_space<vmem>>)
      "tpu.region"() ({
        %run_scoped3A = tpu.sem_alloc : memref<!tpu.dma_semaphore, #tpu.memory_space<semaphore_mem>>
        %dma_start3A_29 = arith.constant 0 : i32
        %dma_start3A_30 = tpu.memref_slice %arg8[%while3A_18, %dma_start3A_29] : memref<1x128xi32, #tpu.memory_space<vmem>> -> memref<1x128xi32, #tpu.memory_space<vmem>>
        %dma_start3A_31 = tpu.memref_squeeze %dma_start3A_30 : memref<1x128xi32, #tpu.memory_space<vmem>> -> memref<128xi32, #tpu.memory_space<vmem>>
        %dma_start3A_32 = arith.constant 0 : i32
        %dma_start3A_33 = arith.constant 0 : i32
        %dma_start3A_34 = tpu.memref_slice %arg10[%dma_start3A_32, %dma_start3A_33] : memref<10112x128xf32, #tpu.memory_space<vmem_shared>> -> memref<10112x128xf32, #tpu.memory_space<vmem_shared>>
        tpu.enqueue_indirect_dma source(%arg9 : memref<128x128xf32, #tpu.memory_space<vmem>>) target(%dma_start3A_34 : memref<10112x128xf32, #tpu.memory_space<vmem_shared>>) offsets(%dma_start3A_31 : memref<128xi32, #tpu.memory_space<vmem>>) semaphore(%run_scoped3A : memref<!tpu.dma_semaphore, #tpu.memory_space<semaphore_mem>>) {add = true}
        %dma_wait3A_35 = arith.constant 0 : i32
        %dma_wait3A_36 = tpu.memref_slice %arg8[%while3A_18, %dma_wait3A_35] : memref<1x128xi32, #tpu.memory_space<vmem>> -> memref<1x128xi32, #tpu.memory_space<vmem>>
        %dma_wait3A_37 = tpu.memref_squeeze %dma_wait3A_36 : memref<1x128xi32, #tpu.memory_space<vmem>> -> memref<128xi32, #tpu.memory_space<vmem>>
        %dma_wait3A_38 = arith.constant 0 : i32
        %dma_wait3A_39 = arith.constant 0 : i32
        %dma_wait3A_40 = tpu.memref_slice %arg10[%dma_wait3A_38, %dma_wait3A_39] : memref<10112x128xf32, #tpu.memory_space<vmem_shared>> -> memref<10112x128xf32, #tpu.memory_space<vmem_shared>>
        tpu.wait_indirect_dma semaphore(%run_scoped3A : memref<!tpu.dma_semaphore, #tpu.memory_space<semaphore_mem>>) src(%arg9 : memref<128x128xf32, #tpu.memory_space<vmem>>) dst(%dma_wait3A_40 : memref<10112x128xf32, #tpu.memory_space<vmem_shared>>)
        tpu.yield
      }) : () -> ()
    }
    %while3A_12 = arith.constant 1 : i32
    scf.for %while3A_18 = %while3A_10 to %while3A_6 step %while3A_12  : i32 {
      %dma_start3A = arith.constant 0 : i32
      %dma_start3A_19 = tpu.memref_slice %arg7[%while3A_18, %dma_start3A] : memref<1x128xi32, #tpu.memory_space<vmem>> -> memref<1x128xi32, #tpu.memory_space<vmem>>
      %dma_start3A_20 = tpu.memref_squeeze %dma_start3A_19 : memref<1x128xi32, #tpu.memory_space<vmem>> -> memref<128xi32, #tpu.memory_space<vmem>>
      %dma_start3A_21 = arith.constant 0 : i32
      %dma_start3A_22 = arith.constant 0 : i32
      %dma_start3A_23 = tpu.memref_slice %arg2[%dma_start3A_21, %dma_start3A_22] : memref<2500x128xf32, #tpu.memory_space<hbm>> -> memref<2500x128xf32, #tpu.memory_space<hbm>>
      tpu.enqueue_indirect_dma source(%dma_start3A_23 : memref<2500x128xf32, #tpu.memory_space<hbm>>) target(%arg9 : memref<128x128xf32, #tpu.memory_space<vmem>>) offsets(%dma_start3A_20 : memref<128xi32, #tpu.memory_space<vmem>>) semaphore(%arg11 : memref<!tpu.dma_semaphore, #tpu.memory_space<semaphore_mem>>)
      %dma_wait3A = arith.constant 0 : i32
      %dma_wait3A_24 = tpu.memref_slice %arg7[%while3A_18, %dma_wait3A] : memref<1x128xi32, #tpu.memory_space<vmem>> -> memref<1x128xi32, #tpu.memory_space<vmem>>
      %dma_wait3A_25 = tpu.memref_squeeze %dma_wait3A_24 : memref<1x128xi32, #tpu.memory_space<vmem>> -> memref<128xi32, #tpu.memory_space<vmem>>
      %dma_wait3A_26 = arith.constant 0 : i32
      %dma_wait3A_27 = arith.constant 0 : i32
      %dma_wait3A_28 = tpu.memref_slice %arg2[%dma_wait3A_26, %dma_wait3A_27] : memref<2500x128xf32, #tpu.memory_space<hbm>> -> memref<2500x128xf32, #tpu.memory_space<hbm>>
      tpu.wait_indirect_dma semaphore(%arg11 : memref<!tpu.dma_semaphore, #tpu.memory_space<semaphore_mem>>) src(%dma_wait3A_28 : memref<2500x128xf32, #tpu.memory_space<hbm>>) dst(%arg9 : memref<128x128xf32, #tpu.memory_space<vmem>>)
      "tpu.region"() ({
        %run_scoped3A = tpu.sem_alloc : memref<!tpu.dma_semaphore, #tpu.memory_space<semaphore_mem>>
        %dma_start3A_29 = arith.constant 0 : i32
        %dma_start3A_30 = tpu.memref_slice %arg8[%while3A_18, %dma_start3A_29] : memref<1x128xi32, #tpu.memory_space<vmem>> -> memref<1x128xi32, #tpu.memory_space<vmem>>
        %dma_start3A_31 = tpu.memref_squeeze %dma_start3A_30 : memref<1x128xi32, #tpu.memory_space<vmem>> -> memref<128xi32, #tpu.memory_space<vmem>>
        %dma_start3A_32 = arith.constant 0 : i32
        %dma_start3A_33 = arith.constant 0 : i32
        %dma_start3A_34 = tpu.memref_slice %arg10[%dma_start3A_32, %dma_start3A_33] : memref<10112x128xf32, #tpu.memory_space<vmem_shared>> -> memref<10112x128xf32, #tpu.memory_space<vmem_shared>>
        tpu.enqueue_indirect_dma source(%arg9 : memref<128x128xf32, #tpu.memory_space<vmem>>) target(%dma_start3A_34 : memref<10112x128xf32, #tpu.memory_space<vmem_shared>>) offsets(%dma_start3A_31 : memref<128xi32, #tpu.memory_space<vmem>>) semaphore(%run_scoped3A : memref<!tpu.dma_semaphore, #tpu.memory_space<semaphore_mem>>) {add = true}
        %dma_wait3A_35 = arith.constant 0 : i32
        %dma_wait3A_36 = tpu.memref_slice %arg8[%while3A_18, %dma_wait3A_35] : memref<1x128xi32, #tpu.memory_space<vmem>> -> memref<1x128xi32, #tpu.memory_space<vmem>>
        %dma_wait3A_37 = tpu.memref_squeeze %dma_wait3A_36 : memref<1x128xi32, #tpu.memory_space<vmem>> -> memref<128xi32, #tpu.memory_space<vmem>>
        %dma_wait3A_38 = arith.constant 0 : i32
        %dma_wait3A_39 = arith.constant 0 : i32
        %dma_wait3A_40 = tpu.memref_slice %arg10[%dma_wait3A_38, %dma_wait3A_39] : memref<10112x128xf32, #tpu.memory_space<vmem_shared>> -> memref<10112x128xf32, #tpu.memory_space<vmem_shared>>
        tpu.wait_indirect_dma semaphore(%run_scoped3A : memref<!tpu.dma_semaphore, #tpu.memory_space<semaphore_mem>>) src(%arg9 : memref<128x128xf32, #tpu.memory_space<vmem>>) dst(%dma_wait3A_40 : memref<10112x128xf32, #tpu.memory_space<vmem_shared>>)
        tpu.yield
      }) : () -> ()
    }
    %barrier3A_13 = arith.constant 0 : index
    tpu.barrier barrier_id(%barrier3A_13)
    %mul3A_14 = arith.constant 632 : i32
    %mul3A_15 = arith.muli %arg1, %mul3A_14 : i32
    %mul3A_16 = arith.constant 632 : i32
    %mul3A_17 = arith.muli %arg1, %mul3A_16 : i32
    "tpu.region"() ({
      %run_scoped3A = tpu.sem_alloc : memref<!tpu.dma_semaphore, #tpu.memory_space<semaphore_mem>>
      %dma_start3A = arith.constant 0 : i32
      %dma_start3A_18 = tpu.memref_slice %arg6[%arg0, %mul3A_17, %dma_start3A] : memref<2x10112x128xf32, #tpu.memory_space<hbm>> -> memref<1x632x128xf32, #tpu.memory_space<hbm>>
      %dma_start3A_19 = tpu.memref_squeeze %dma_start3A_18 : memref<1x632x128xf32, #tpu.memory_space<hbm>> -> memref<632x128xf32, #tpu.memory_space<hbm>>
      %dma_start3A_20 = arith.constant 0 : i32
      %dma_start3A_21 = tpu.memref_slice %arg10[%mul3A_15, %dma_start3A_20] : memref<10112x128xf32, #tpu.memory_space<vmem_shared>> -> memref<632x128xf32, #tpu.memory_space<vmem_shared>>
      tpu.enqueue_dma source(%dma_start3A_21 : memref<632x128xf32, #tpu.memory_space<vmem_shared>>) target(%dma_start3A_19 : memref<632x128xf32, #tpu.memory_space<hbm>>) target_semaphore(%run_scoped3A : memref<!tpu.dma_semaphore, #tpu.memory_space<semaphore_mem>>)
      %dma_wait3A = arith.constant 0 : i32
      %dma_wait3A_22 = tpu.memref_slice %arg6[%arg0, %mul3A_17, %dma_wait3A] : memref<2x10112x128xf32, #tpu.memory_space<hbm>> -> memref<1x632x128xf32, #tpu.memory_space<hbm>>
      %dma_wait3A_23 = tpu.memref_squeeze %dma_wait3A_22 : memref<1x632x128xf32, #tpu.memory_space<hbm>> -> memref<632x128xf32, #tpu.memory_space<hbm>>
      %dma_wait3A_24 = arith.constant 0 : i32
      %dma_wait3A_25 = tpu.memref_slice %arg10[%mul3A_15, %dma_wait3A_24] : memref<10112x128xf32, #tpu.memory_space<vmem_shared>> -> memref<632x128xf32, #tpu.memory_space<vmem_shared>>
      tpu.wait_dma2 semaphore(%run_scoped3A : memref<!tpu.dma_semaphore, #tpu.memory_space<semaphore_mem>>) src(%dma_wait3A_25 : memref<632x128xf32, #tpu.memory_space<vmem_shared>>) dst(%dma_wait3A_23 : memref<632x128xf32, #tpu.memory_space<hbm>>)
      tpu.yield
    }) : () -> ()
    return
  }
}

module attributes {stable_mosaic.version = 14 : i64} {
  func.func @_ln_mm2_body(%arg0: i32, %arg1: memref<2500x128xf32, #tpu.memory_space<vmem>>, %arg2: memref<128x128xf32, #tpu.memory_space<vmem>>, %arg3: memref<128x128xf32, #tpu.memory_space<vmem>>, %arg4: memref<2500x128xf32, #tpu.memory_space<vmem>>, %arg5: memref<2500x128xf32, #tpu.memory_space<vmem>>) attributes {dimension_semantics = [#tpu.dimension_semantics<arbitrary>], iteration_bounds = array<i64: 1>, scalar_prefetch = 0 : i64, scratch_operands = 0 : i64, tpu.core_type = #tpu.core_type<tc>, window_params = [{transform_indices = @transform_0, window_bounds = array<i64: 2500, 128>}, {pipeline_mode = #tpu.pipeline_mode<synchronous>, transform_indices = @transform_1, window_bounds = array<i64: 128, 128>}, {pipeline_mode = #tpu.pipeline_mode<synchronous>, transform_indices = @transform_2, window_bounds = array<i64: 128, 128>}, {transform_indices = @transform_3, window_bounds = array<i64: 2500, 128>}, {transform_indices = @transform_4, window_bounds = array<i64: 2500, 128>}]} {
    %get3A = arith.constant 0 : index
    %get3A_0 = arith.constant 0 : index
    %get3A_1 = vector.load %arg1[%get3A, %get3A_0] : memref<2500x128xf32, #tpu.memory_space<vmem>>, vector<2500x128xf32>
    %reduce_sum3A = arith.constant dense<0.000000e+00> : vector<2500xf32>
    %reduce_sum3A_2 = vector.multi_reduction <add>, %get3A_1, %reduce_sum3A [1] : vector<2500x128xf32> to vector<2500xf32>
    %broadcast_in_dim3A = vector.shape_cast %reduce_sum3A_2 : vector<2500xf32> to vector<2500x1xf32>
    %div3A = arith.constant 1.280000e+02 : f32
    %div3A_3 = vector.broadcast %div3A : f32 to vector<2500x1xf32>
    %div3A_4 = arith.divf %broadcast_in_dim3A, %div3A_3 : vector<2500x1xf32>
    %sub3A = vector.broadcast %div3A_4 : vector<2500x1xf32> to vector<2500x128xf32>
    %sub3A_5 = arith.subf %get3A_1, %sub3A : vector<2500x128xf32>
    %integer_pow3A = arith.mulf %sub3A_5, %sub3A_5 : vector<2500x128xf32>
    %reduce_sum3A_6 = arith.constant dense<0.000000e+00> : vector<2500xf32>
    %reduce_sum3A_7 = vector.multi_reduction <add>, %integer_pow3A, %reduce_sum3A_6 [1] : vector<2500x128xf32> to vector<2500xf32>
    %broadcast_in_dim3A_8 = vector.shape_cast %reduce_sum3A_7 : vector<2500xf32> to vector<2500x1xf32>
    %div3A_9 = arith.constant 1.280000e+02 : f32
    %div3A_10 = vector.broadcast %div3A_9 : f32 to vector<2500x1xf32>
    %div3A_11 = arith.divf %broadcast_in_dim3A_8, %div3A_10 : vector<2500x1xf32>
    %sub3A_12 = vector.broadcast %div3A_4 : vector<2500x1xf32> to vector<2500x128xf32>
    %sub3A_13 = arith.subf %get3A_1, %sub3A_12 : vector<2500x128xf32>
    %add3A = arith.constant 9.99999974E-6 : f32
    %add3A_14 = vector.broadcast %add3A : f32 to vector<2500x1xf32>
    %add3A_15 = arith.addf %div3A_11, %add3A_14 : vector<2500x1xf32>
    %rsqrt3A = math.rsqrt %add3A_15 : vector<2500x1xf32>
    %mul3A = vector.broadcast %rsqrt3A : vector<2500x1xf32> to vector<2500x128xf32>
    %mul3A_16 = arith.mulf %sub3A_13, %mul3A : vector<2500x128xf32>
    %get3A_17 = arith.constant 0 : index
    %get3A_18 = arith.constant 0 : index
    %get3A_19 = vector.load %arg2[%get3A_17, %get3A_18] : memref<128x128xf32, #tpu.memory_space<vmem>>, vector<128x128xf32>
    %dot_general3A = arith.constant dense<0.000000e+00> : vector<2500x128xf32>
    %dot_general3A_20 = tpu.matmul %mul3A_16, %get3A_19, %dot_general3A {dimension_numbers = #tpu.dot_dimension_numbers<[1], [0], [0], [1], [0, 0, 1, 1], [], []>, precision = #tpu.contract_precision<fp32>, transpose_lhs_hint = false} : vector<2500x128xf32>, vector<128x128xf32>, vector<2500x128xf32> -> vector<2500x128xf32>
    %swap3A = arith.constant 0 : index
    %swap3A_21 = arith.constant 0 : index
    %swap3A_22 = vector.load %arg4[%swap3A, %swap3A_21] : memref<2500x128xf32, #tpu.memory_space<vmem>>, vector<2500x128xf32>
    tpu.vector_store %arg4[%swap3A, %swap3A_21], %dot_general3A_20 {strides = array<i32>} : memref<2500x128xf32, #tpu.memory_space<vmem>>, vector<2500x128xf32>,
    %get3A_23 = arith.constant 0 : index
    %get3A_24 = arith.constant 0 : index
    %get3A_25 = vector.load %arg3[%get3A_23, %get3A_24] : memref<128x128xf32, #tpu.memory_space<vmem>>, vector<128x128xf32>
    %dot_general3A_26 = arith.constant dense<0.000000e+00> : vector<2500x128xf32>
    %dot_general3A_27 = tpu.matmul %mul3A_16, %get3A_25, %dot_general3A_26 {dimension_numbers = #tpu.dot_dimension_numbers<[1], [0], [0], [1], [0, 0, 1, 1], [], []>, precision = #tpu.contract_precision<fp32>, transpose_lhs_hint = false} : vector<2500x128xf32>, vector<128x128xf32>, vector<2500x128xf32> -> vector<2500x128xf32>
    %swap3A_28 = arith.constant 0 : index
    %swap3A_29 = arith.constant 0 : index
    %swap3A_30 = vector.load %arg5[%swap3A_28, %swap3A_29] : memref<2500x128xf32, #tpu.memory_space<vmem>>, vector<2500x128xf32>
    tpu.vector_store %arg5[%swap3A_28, %swap3A_29], %dot_general3A_27 {strides = array<i32>} : memref<2500x128xf32, #tpu.memory_space<vmem>>, vector<2500x128xf32>,
    return
  }
  func.func @transform_0(%arg0: i32) -> (i32, i32) {
    %c0_i32 = arith.constant 0 : i32
    %c0_i32_0 = arith.constant 0 : i32
    return %arg0, %c0_i32 : i32, i32
  }
  func.func @transform_1(%arg0: i32) -> (i32, i32) {
    %c0_i32 = arith.constant 0 : i32
    %c0_i32_0 = arith.constant 0 : i32
    %c0_i32_1 = arith.constant 0 : i32
    return %c0_i32, %c0_i32_0 : i32, i32
  }
  func.func @transform_2(%arg0: i32) -> (i32, i32) {
    %c0_i32 = arith.constant 0 : i32
    %c0_i32_0 = arith.constant 0 : i32
    %c0_i32_1 = arith.constant 0 : i32
    return %c0_i32, %c0_i32_0 : i32, i32
  }
  func.func @transform_3(%arg0: i32) -> (i32, i32) {
    %c0_i32 = arith.constant 0 : i32
    %c0_i32_0 = arith.constant 0 : i32
    return %arg0, %c0_i32 : i32, i32
  }
  func.func @transform_4(%arg0: i32) -> (i32, i32) {
    %c0_i32 = arith.constant 0 : i32
    %c0_i32_0 = arith.constant 0 : i32
    return %arg0, %c0_i32 : i32, i32
  }
}

module attributes {stable_mosaic.version = 14 : i64} {
  func.func @_ln_mm2_body(%arg0: i32, %arg1: memref<1000x128xf32, #tpu.memory_space<vmem>>, %arg2: memref<128x128xf32, #tpu.memory_space<vmem>>, %arg3: memref<128x128xf32, #tpu.memory_space<vmem>>, %arg4: memref<1000x128xf32, #tpu.memory_space<vmem>>, %arg5: memref<1000x128xf32, #tpu.memory_space<vmem>>) attributes {dimension_semantics = [#tpu.dimension_semantics<arbitrary>], iteration_bounds = array<i64: 10>, scalar_prefetch = 0 : i64, scratch_operands = 0 : i64, tpu.core_type = #tpu.core_type<tc>, window_params = [{transform_indices = @transform_0, window_bounds = array<i64: 1000, 128>}, {pipeline_mode = #tpu.pipeline_mode<synchronous>, transform_indices = @transform_1, window_bounds = array<i64: 128, 128>}, {pipeline_mode = #tpu.pipeline_mode<synchronous>, transform_indices = @transform_2, window_bounds = array<i64: 128, 128>}, {transform_indices = @transform_3, window_bounds = array<i64: 1000, 128>}, {transform_indices = @transform_4, window_bounds = array<i64: 1000, 128>}]} {
    %get3A = arith.constant 0 : index
    %get3A_0 = arith.constant 0 : index
    %get3A_1 = vector.load %arg1[%get3A, %get3A_0] : memref<1000x128xf32, #tpu.memory_space<vmem>>, vector<1000x128xf32>
    %reduce_sum3A = arith.constant dense<0.000000e+00> : vector<1000xf32>
    %reduce_sum3A_2 = vector.multi_reduction <add>, %get3A_1, %reduce_sum3A [1] : vector<1000x128xf32> to vector<1000xf32>
    %broadcast_in_dim3A = vector.shape_cast %reduce_sum3A_2 : vector<1000xf32> to vector<1000x1xf32>
    %div3A = arith.constant 1.280000e+02 : f32
    %div3A_3 = vector.broadcast %div3A : f32 to vector<1000x1xf32>
    %div3A_4 = arith.divf %broadcast_in_dim3A, %div3A_3 : vector<1000x1xf32>
    %sub3A = vector.broadcast %div3A_4 : vector<1000x1xf32> to vector<1000x128xf32>
    %sub3A_5 = arith.subf %get3A_1, %sub3A : vector<1000x128xf32>
    %integer_pow3A = arith.mulf %sub3A_5, %sub3A_5 : vector<1000x128xf32>
    %reduce_sum3A_6 = arith.constant dense<0.000000e+00> : vector<1000xf32>
    %reduce_sum3A_7 = vector.multi_reduction <add>, %integer_pow3A, %reduce_sum3A_6 [1] : vector<1000x128xf32> to vector<1000xf32>
    %broadcast_in_dim3A_8 = vector.shape_cast %reduce_sum3A_7 : vector<1000xf32> to vector<1000x1xf32>
    %div3A_9 = arith.constant 1.280000e+02 : f32
    %div3A_10 = vector.broadcast %div3A_9 : f32 to vector<1000x1xf32>
    %div3A_11 = arith.divf %broadcast_in_dim3A_8, %div3A_10 : vector<1000x1xf32>
    %sub3A_12 = vector.broadcast %div3A_4 : vector<1000x1xf32> to vector<1000x128xf32>
    %sub3A_13 = arith.subf %get3A_1, %sub3A_12 : vector<1000x128xf32>
    %add3A = arith.constant 9.99999974E-6 : f32
    %add3A_14 = vector.broadcast %add3A : f32 to vector<1000x1xf32>
    %add3A_15 = arith.addf %div3A_11, %add3A_14 : vector<1000x1xf32>
    %rsqrt3A = math.rsqrt %add3A_15 : vector<1000x1xf32>
    %mul3A = vector.broadcast %rsqrt3A : vector<1000x1xf32> to vector<1000x128xf32>
    %mul3A_16 = arith.mulf %sub3A_13, %mul3A : vector<1000x128xf32>
    %get3A_17 = arith.constant 0 : index
    %get3A_18 = arith.constant 0 : index
    %get3A_19 = vector.load %arg2[%get3A_17, %get3A_18] : memref<128x128xf32, #tpu.memory_space<vmem>>, vector<128x128xf32>
    %dot_general3A = arith.constant dense<0.000000e+00> : vector<1000x128xf32>
    %dot_general3A_20 = tpu.matmul %mul3A_16, %get3A_19, %dot_general3A {dimension_numbers = #tpu.dot_dimension_numbers<[1], [0], [0], [1], [0, 0, 1, 1], [], []>, precision = #tpu.contract_precision<fp32>, transpose_lhs_hint = false} : vector<1000x128xf32>, vector<128x128xf32>, vector<1000x128xf32> -> vector<1000x128xf32>
    %swap3A = arith.constant 0 : index
    %swap3A_21 = arith.constant 0 : index
    %swap3A_22 = vector.load %arg4[%swap3A, %swap3A_21] : memref<1000x128xf32, #tpu.memory_space<vmem>>, vector<1000x128xf32>
    tpu.vector_store %arg4[%swap3A, %swap3A_21], %dot_general3A_20 {strides = array<i32>} : memref<1000x128xf32, #tpu.memory_space<vmem>>, vector<1000x128xf32>,
    %get3A_23 = arith.constant 0 : index
    %get3A_24 = arith.constant 0 : index
    %get3A_25 = vector.load %arg3[%get3A_23, %get3A_24] : memref<128x128xf32, #tpu.memory_space<vmem>>, vector<128x128xf32>
    %dot_general3A_26 = arith.constant dense<0.000000e+00> : vector<1000x128xf32>
    %dot_general3A_27 = tpu.matmul %mul3A_16, %get3A_25, %dot_general3A_26 {dimension_numbers = #tpu.dot_dimension_numbers<[1], [0], [0], [1], [0, 0, 1, 1], [], []>, precision = #tpu.contract_precision<fp32>, transpose_lhs_hint = false} : vector<1000x128xf32>, vector<128x128xf32>, vector<1000x128xf32> -> vector<1000x128xf32>
    %swap3A_28 = arith.constant 0 : index
    %swap3A_29 = arith.constant 0 : index
    %swap3A_30 = vector.load %arg5[%swap3A_28, %swap3A_29] : memref<1000x128xf32, #tpu.memory_space<vmem>>, vector<1000x128xf32>
    tpu.vector_store %arg5[%swap3A_28, %swap3A_29], %dot_general3A_27 {strides = array<i32>} : memref<1000x128xf32, #tpu.memory_space<vmem>>, vector<1000x128xf32>,
    return
  }
  func.func @transform_0(%arg0: i32) -> (i32, i32) {
    %c0_i32 = arith.constant 0 : i32
    %c0_i32_0 = arith.constant 0 : i32
    return %arg0, %c0_i32 : i32, i32
  }
  func.func @transform_1(%arg0: i32) -> (i32, i32) {
    %c0_i32 = arith.constant 0 : i32
    %c0_i32_0 = arith.constant 0 : i32
    %c0_i32_1 = arith.constant 0 : i32
    return %c0_i32, %c0_i32_0 : i32, i32
  }
  func.func @transform_2(%arg0: i32) -> (i32, i32) {
    %c0_i32 = arith.constant 0 : i32
    %c0_i32_0 = arith.constant 0 : i32
    %c0_i32_1 = arith.constant 0 : i32
    return %c0_i32, %c0_i32_0 : i32, i32
  }
  func.func @transform_3(%arg0: i32) -> (i32, i32) {
    %c0_i32 = arith.constant 0 : i32
    %c0_i32_0 = arith.constant 0 : i32
    return %arg0, %c0_i32 : i32, i32
  }
  func.func @transform_4(%arg0: i32) -> (i32, i32) {
    %c0_i32 = arith.constant 0 : i32
    %c0_i32_0 = arith.constant 0 : i32
    return %arg0, %c0_i32 : i32, i32
  }
}

module attributes {stable_mosaic.version = 14 : i64} {
  func.func @_combine1_body(%arg0: memref<2500x128xf32, #tpu.memory_space<vmem>>, %arg1: memref<2x2560x128xf32, #tpu.memory_space<vmem>>, %arg2: memref<128x128xf32, #tpu.memory_space<vmem>>, %arg3: memref<2500x1xf32, #tpu.memory_space<vmem>>, %arg4: memref<2500x128xf32, #tpu.memory_space<vmem>>, %arg5: memref<2500x128xf32, #tpu.memory_space<vmem>>) attributes {dimension_semantics = [], scalar_prefetch = 0 : i64, scratch_operands = 0 : i64, tpu.core_type = #tpu.core_type<tc>} {
    %get3A = arith.constant 0 : index
    %get3A_0 = arith.constant 0 : index
    %get3A_1 = vector.load %arg0[%get3A, %get3A_0] : memref<2500x128xf32, #tpu.memory_space<vmem>>, vector<2500x128xf32>
    %get3A_2 = arith.constant 0 : index
    %get3A_3 = arith.constant 0 : index
    %get3A_4 = arith.constant 0 : index
    %get3A_5 = vector.load %arg1[%get3A_2, %get3A_3, %get3A_4] : memref<2x2560x128xf32, #tpu.memory_space<vmem>>, vector<1x2500x128xf32>
    %get3A_6 = vector.shape_cast %get3A_5 : vector<1x2500x128xf32> to vector<2500x128xf32>
    %add3A = arith.addf %get3A_1, %get3A_6 : vector<2500x128xf32>
    %get3A_7 = arith.constant 1 : index
    %get3A_8 = arith.constant 0 : index
    %get3A_9 = arith.constant 0 : index
    %get3A_10 = vector.load %arg1[%get3A_7, %get3A_8, %get3A_9] : memref<2x2560x128xf32, #tpu.memory_space<vmem>>, vector<1x2500x128xf32>
    %get3A_11 = vector.shape_cast %get3A_10 : vector<1x2500x128xf32> to vector<2500x128xf32>
    %add3A_12 = arith.addf %add3A, %get3A_11 : vector<2500x128xf32>
    %swap3A = arith.constant 0 : index
    %swap3A_13 = arith.constant 0 : index
    %swap3A_14 = vector.load %arg4[%swap3A, %swap3A_13] : memref<2500x128xf32, #tpu.memory_space<vmem>>, vector<2500x128xf32>
    tpu.vector_store %arg4[%swap3A, %swap3A_13], %add3A_12 {strides = array<i32>} : memref<2500x128xf32, #tpu.memory_space<vmem>>, vector<2500x128xf32>,
    %get3A_15 = arith.constant 0 : index
    %get3A_16 = arith.constant 0 : index
    %get3A_17 = vector.load %arg3[%get3A_15, %get3A_16] : memref<2500x1xf32, #tpu.memory_space<vmem>>, vector<2500x1xf32>
    %mul3A = vector.broadcast %get3A_17 : vector<2500x1xf32> to vector<2500x128xf32>
    %mul3A_18 = arith.mulf %mul3A, %add3A_12 : vector<2500x128xf32>
    %get3A_19 = arith.constant 0 : index
    %get3A_20 = arith.constant 0 : index
    %get3A_21 = vector.load %arg2[%get3A_19, %get3A_20] : memref<128x128xf32, #tpu.memory_space<vmem>>, vector<128x128xf32>
    %dot_general3A = arith.constant dense<0.000000e+00> : vector<2500x128xf32>
    %dot_general3A_22 = tpu.matmul %mul3A_18, %get3A_21, %dot_general3A {dimension_numbers = #tpu.dot_dimension_numbers<[1], [0], [0], [1], [0, 0, 1, 1], [], []>, precision = #tpu.contract_precision<fp32>, transpose_lhs_hint = false} : vector<2500x128xf32>, vector<128x128xf32>, vector<2500x128xf32> -> vector<2500x128xf32>
    %swap3A_23 = arith.constant 0 : index
    %swap3A_24 = arith.constant 0 : index
    %swap3A_25 = vector.load %arg5[%swap3A_23, %swap3A_24] : memref<2500x128xf32, #tpu.memory_space<vmem>>, vector<2500x128xf32>
    tpu.vector_store %arg5[%swap3A_23, %swap3A_24], %dot_general3A_22 {strides = array<i32>} : memref<2500x128xf32, #tpu.memory_space<vmem>>, vector<2500x128xf32>,
    return
  }
}

module attributes {stable_mosaic.version = 14 : i64} {
  func.func @_assemble0_body(%arg0: i32, %arg1: memref<1000x128xf32, #tpu.memory_space<vmem>>, %arg2: memref<2x1000x128xf32, #tpu.memory_space<vmem>>, %arg3: memref<2x1000x128xf32, #tpu.memory_space<vmem>>, %arg4: memref<128x128xf32, #tpu.memory_space<vmem>>, %arg5: memref<1x128xf32, #tpu.memory_space<vmem>>, %arg6: memref<1000x128xf32, #tpu.memory_space<vmem>>) attributes {dimension_semantics = [#tpu.dimension_semantics<arbitrary>], iteration_bounds = array<i64: 10>, scalar_prefetch = 0 : i64, scratch_operands = 0 : i64, tpu.core_type = #tpu.core_type<tc>, window_params = [{transform_indices = @transform_0, window_bounds = array<i64: 1000, 128>}, {transform_indices = @transform_1, window_bounds = array<i64: 2, 1000, 128>}, {transform_indices = @transform_2, window_bounds = array<i64: 2, 1000, 128>}, {pipeline_mode = #tpu.pipeline_mode<synchronous>, transform_indices = @transform_3, window_bounds = array<i64: 128, 128>}, {pipeline_mode = #tpu.pipeline_mode<synchronous>, transform_indices = @transform_4, window_bounds = array<i64: 1, 128>}, {transform_indices = @transform_5, window_bounds = array<i64: 1000, 128>}]} {
    %get3A = arith.constant 0 : index
    %get3A_0 = arith.constant 0 : index
    %get3A_1 = vector.load %arg1[%get3A, %get3A_0] : memref<1000x128xf32, #tpu.memory_space<vmem>>, vector<1000x128xf32>
    %get3A_2 = arith.constant 0 : index
    %get3A_3 = arith.constant 0 : index
    %get3A_4 = arith.constant 0 : index
    %get3A_5 = vector.load %arg2[%get3A_2, %get3A_3, %get3A_4] : memref<2x1000x128xf32, #tpu.memory_space<vmem>>, vector<1x1000x128xf32>
    %get3A_6 = vector.shape_cast %get3A_5 : vector<1x1000x128xf32> to vector<1000x128xf32>
    %add3A = arith.addf %get3A_1, %get3A_6 : vector<1000x128xf32>
    %get3A_7 = arith.constant 1 : index
    %get3A_8 = arith.constant 0 : index
    %get3A_9 = arith.constant 0 : index
    %get3A_10 = vector.load %arg2[%get3A_7, %get3A_8, %get3A_9] : memref<2x1000x128xf32, #tpu.memory_space<vmem>>, vector<1x1000x128xf32>
    %get3A_11 = vector.shape_cast %get3A_10 : vector<1x1000x128xf32> to vector<1000x128xf32>
    %add3A_12 = arith.addf %add3A, %get3A_11 : vector<1000x128xf32>
    %get3A_13 = arith.constant 0 : index
    %get3A_14 = arith.constant 0 : index
    %get3A_15 = arith.constant 0 : index
    %get3A_16 = vector.load %arg3[%get3A_13, %get3A_14, %get3A_15] : memref<2x1000x128xf32, #tpu.memory_space<vmem>>, vector<1x1000x128xf32>
    %get3A_17 = vector.shape_cast %get3A_16 : vector<1x1000x128xf32> to vector<1000x128xf32>
    %add3A_18 = arith.addf %add3A_12, %get3A_17 : vector<1000x128xf32>
    %get3A_19 = arith.constant 1 : index
    %get3A_20 = arith.constant 0 : index
    %get3A_21 = arith.constant 0 : index
    %get3A_22 = vector.load %arg3[%get3A_19, %get3A_20, %get3A_21] : memref<2x1000x128xf32, #tpu.memory_space<vmem>>, vector<1x1000x128xf32>
    %get3A_23 = vector.shape_cast %get3A_22 : vector<1x1000x128xf32> to vector<1000x128xf32>
    %add3A_24 = arith.addf %add3A_18, %get3A_23 : vector<1000x128xf32>
    %get3A_25 = arith.constant 0 : index
    %get3A_26 = arith.constant 0 : index
    %get3A_27 = vector.load %arg4[%get3A_25, %get3A_26] : memref<128x128xf32, #tpu.memory_space<vmem>>, vector<128x128xf32>
    %dot_general3A = arith.constant dense<0.000000e+00> : vector<1000x128xf32>
    %dot_general3A_28 = tpu.matmul %add3A_12, %get3A_27, %dot_general3A {dimension_numbers = #tpu.dot_dimension_numbers<[1], [0], [0], [1], [0, 0, 1, 1], [], []>, precision = #tpu.contract_precision<fp32>, transpose_lhs_hint = false} : vector<1000x128xf32>, vector<128x128xf32>, vector<1000x128xf32> -> vector<1000x128xf32>
    %add3A_29 = arith.addf %add3A_24, %dot_general3A_28 : vector<1000x128xf32>
    %get3A_30 = arith.constant 0 : index
    %get3A_31 = arith.constant 0 : index
    %get3A_32 = vector.load %arg5[%get3A_30, %get3A_31] : memref<1x128xf32, #tpu.memory_space<vmem>>, vector<1x128xf32>
    %add3A_33 = vector.broadcast %get3A_32 : vector<1x128xf32> to vector<1000x128xf32>
    %add3A_34 = arith.addf %add3A_29, %add3A_33 : vector<1000x128xf32>
    %swap3A = arith.constant 0 : index
    %swap3A_35 = arith.constant 0 : index
    %swap3A_36 = vector.load %arg6[%swap3A, %swap3A_35] : memref<1000x128xf32, #tpu.memory_space<vmem>>, vector<1000x128xf32>
    tpu.vector_store %arg6[%swap3A, %swap3A_35], %add3A_34 {strides = array<i32>} : memref<1000x128xf32, #tpu.memory_space<vmem>>, vector<1000x128xf32>,
    return
  }
  func.func @transform_0(%arg0: i32) -> (i32, i32) {
    %c0_i32 = arith.constant 0 : i32
    %c0_i32_0 = arith.constant 0 : i32
    return %arg0, %c0_i32 : i32, i32
  }
  func.func @transform_1(%arg0: i32) -> (i32, i32, i32) {
    %c0_i32 = arith.constant 0 : i32
    %c0_i32_0 = arith.constant 0 : i32
    %c0_i32_1 = arith.constant 0 : i32
    return %c0_i32, %arg0, %c0_i32_0 : i32, i32, i32
  }
  func.func @transform_2(%arg0: i32) -> (i32, i32, i32) {
    %c0_i32 = arith.constant 0 : i32
    %c0_i32_0 = arith.constant 0 : i32
    %c0_i32_1 = arith.constant 0 : i32
    return %c0_i32, %arg0, %c0_i32_0 : i32, i32, i32
  }
  func.func @transform_3(%arg0: i32) -> (i32, i32) {
    %c0_i32 = arith.constant 0 : i32
    %c0_i32_0 = arith.constant 0 : i32
    %c0_i32_1 = arith.constant 0 : i32
    return %c0_i32, %c0_i32_0 : i32, i32
  }
  func.func @transform_4(%arg0: i32) -> (i32, i32) {
    %c0_i32 = arith.constant 0 : i32
    %c0_i32_0 = arith.constant 0 : i32
    %c0_i32_1 = arith.constant 0 : i32
    return %c0_i32, %c0_i32_0 : i32, i32
  }
  func.func @transform_5(%arg0: i32) -> (i32, i32) {
    %c0_i32 = arith.constant 0 : i32
    %c0_i32_0 = arith.constant 0 : i32
    return %arg0, %c0_i32 : i32, i32
  }
}

module attributes {stable_mosaic.version = 14 : i64} {
  func.func @_ln_only_body(%arg0: memref<2500x128xf32, #tpu.memory_space<vmem>>, %arg1: memref<2500x128xf32, #tpu.memory_space<vmem>>) attributes {dimension_semantics = [], scalar_prefetch = 0 : i64, scratch_operands = 0 : i64, tpu.core_type = #tpu.core_type<tc>} {
    %get3A = arith.constant 0 : index
    %get3A_0 = arith.constant 0 : index
    %get3A_1 = vector.load %arg0[%get3A, %get3A_0] : memref<2500x128xf32, #tpu.memory_space<vmem>>, vector<2500x128xf32>
    %reduce_sum3A = arith.constant dense<0.000000e+00> : vector<2500xf32>
    %reduce_sum3A_2 = vector.multi_reduction <add>, %get3A_1, %reduce_sum3A [1] : vector<2500x128xf32> to vector<2500xf32>
    %broadcast_in_dim3A = vector.shape_cast %reduce_sum3A_2 : vector<2500xf32> to vector<2500x1xf32>
    %div3A = arith.constant 1.280000e+02 : f32
    %div3A_3 = vector.broadcast %div3A : f32 to vector<2500x1xf32>
    %div3A_4 = arith.divf %broadcast_in_dim3A, %div3A_3 : vector<2500x1xf32>
    %sub3A = vector.broadcast %div3A_4 : vector<2500x1xf32> to vector<2500x128xf32>
    %sub3A_5 = arith.subf %get3A_1, %sub3A : vector<2500x128xf32>
    %integer_pow3A = arith.mulf %sub3A_5, %sub3A_5 : vector<2500x128xf32>
    %reduce_sum3A_6 = arith.constant dense<0.000000e+00> : vector<2500xf32>
    %reduce_sum3A_7 = vector.multi_reduction <add>, %integer_pow3A, %reduce_sum3A_6 [1] : vector<2500x128xf32> to vector<2500xf32>
    %broadcast_in_dim3A_8 = vector.shape_cast %reduce_sum3A_7 : vector<2500xf32> to vector<2500x1xf32>
    %div3A_9 = arith.constant 1.280000e+02 : f32
    %div3A_10 = vector.broadcast %div3A_9 : f32 to vector<2500x1xf32>
    %div3A_11 = arith.divf %broadcast_in_dim3A_8, %div3A_10 : vector<2500x1xf32>
    %sub3A_12 = vector.broadcast %div3A_4 : vector<2500x1xf32> to vector<2500x128xf32>
    %sub3A_13 = arith.subf %get3A_1, %sub3A_12 : vector<2500x128xf32>
    %add3A = arith.constant 9.99999974E-6 : f32
    %add3A_14 = vector.broadcast %add3A : f32 to vector<2500x1xf32>
    %add3A_15 = arith.addf %div3A_11, %add3A_14 : vector<2500x1xf32>
    %rsqrt3A = math.rsqrt %add3A_15 : vector<2500x1xf32>
    %mul3A = vector.broadcast %rsqrt3A : vector<2500x1xf32> to vector<2500x128xf32>
    %mul3A_16 = arith.mulf %sub3A_13, %mul3A : vector<2500x128xf32>
    %swap3A = arith.constant 0 : index
    %swap3A_17 = arith.constant 0 : index
    %swap3A_18 = vector.load %arg1[%swap3A, %swap3A_17] : memref<2500x128xf32, #tpu.memory_space<vmem>>, vector<2500x128xf32>
    tpu.vector_store %arg1[%swap3A, %swap3A_17], %mul3A_16 {strides = array<i32>} : memref<2500x128xf32, #tpu.memory_space<vmem>>, vector<2500x128xf32>,
    return
  }
}

module attributes {stable_mosaic.version = 14 : i64} {
  func.func @_assemble0_body(%arg0: i32, %arg1: memref<1000x128xf32, #tpu.memory_space<vmem>>, %arg2: memref<2x1000x128xf32, #tpu.memory_space<vmem>>, %arg3: memref<2x1000x128xf32, #tpu.memory_space<vmem>>, %arg4: memref<128x128xf32, #tpu.memory_space<vmem>>, %arg5: memref<1x128xf32, #tpu.memory_space<vmem>>, %arg6: memref<1000x128xf32, #tpu.memory_space<vmem>>) attributes {dimension_semantics = [#tpu.dimension_semantics<arbitrary>], iteration_bounds = array<i64: 10>, scalar_prefetch = 0 : i64, scratch_operands = 0 : i64, tpu.core_type = #tpu.core_type<tc>, window_params = [{transform_indices = @transform_0, window_bounds = array<i64: 1000, 128>}, {transform_indices = @transform_1, window_bounds = array<i64: 2, 1000, 128>}, {transform_indices = @transform_2, window_bounds = array<i64: 2, 1000, 128>}, {pipeline_mode = #tpu.pipeline_mode<synchronous>, transform_indices = @transform_3, window_bounds = array<i64: 128, 128>}, {pipeline_mode = #tpu.pipeline_mode<synchronous>, transform_indices = @transform_4, window_bounds = array<i64: 1, 128>}, {transform_indices = @transform_5, window_bounds = array<i64: 1000, 128>}]} {
    %get3A = arith.constant 0 : index
    %get3A_0 = arith.constant 0 : index
    %get3A_1 = vector.load %arg1[%get3A, %get3A_0] : memref<1000x128xf32, #tpu.memory_space<vmem>>, vector<1000x128xf32>
    %get3A_2 = arith.constant 0 : index
    %get3A_3 = arith.constant 0 : index
    %get3A_4 = arith.constant 0 : index
    %get3A_5 = vector.load %arg2[%get3A_2, %get3A_3, %get3A_4] : memref<2x1000x128xf32, #tpu.memory_space<vmem>>, vector<1x1000x128xf32>
    %get3A_6 = vector.shape_cast %get3A_5 : vector<1x1000x128xf32> to vector<1000x128xf32>
    %add3A = arith.addf %get3A_1, %get3A_6 : vector<1000x128xf32>
    %get3A_7 = arith.constant 1 : index
    %get3A_8 = arith.constant 0 : index
    %get3A_9 = arith.constant 0 : index
    %get3A_10 = vector.load %arg2[%get3A_7, %get3A_8, %get3A_9] : memref<2x1000x128xf32, #tpu.memory_space<vmem>>, vector<1x1000x128xf32>
    %get3A_11 = vector.shape_cast %get3A_10 : vector<1x1000x128xf32> to vector<1000x128xf32>
    %add3A_12 = arith.addf %add3A, %get3A_11 : vector<1000x128xf32>
    %get3A_13 = arith.constant 0 : index
    %get3A_14 = arith.constant 0 : index
    %get3A_15 = arith.constant 0 : index
    %get3A_16 = vector.load %arg3[%get3A_13, %get3A_14, %get3A_15] : memref<2x1000x128xf32, #tpu.memory_space<vmem>>, vector<1x1000x128xf32>
    %get3A_17 = vector.shape_cast %get3A_16 : vector<1x1000x128xf32> to vector<1000x128xf32>
    %add3A_18 = arith.addf %add3A_12, %get3A_17 : vector<1000x128xf32>
    %get3A_19 = arith.constant 1 : index
    %get3A_20 = arith.constant 0 : index
    %get3A_21 = arith.constant 0 : index
    %get3A_22 = vector.load %arg3[%get3A_19, %get3A_20, %get3A_21] : memref<2x1000x128xf32, #tpu.memory_space<vmem>>, vector<1x1000x128xf32>
    %get3A_23 = vector.shape_cast %get3A_22 : vector<1x1000x128xf32> to vector<1000x128xf32>
    %add3A_24 = arith.addf %add3A_18, %get3A_23 : vector<1000x128xf32>
    %get3A_25 = arith.constant 0 : index
    %get3A_26 = arith.constant 0 : index
    %get3A_27 = vector.load %arg4[%get3A_25, %get3A_26] : memref<128x128xf32, #tpu.memory_space<vmem>>, vector<128x128xf32>
    %dot_general3A = arith.constant dense<0.000000e+00> : vector<1000x128xf32>
    %dot_general3A_28 = tpu.matmul %add3A_12, %get3A_27, %dot_general3A {dimension_numbers = #tpu.dot_dimension_numbers<[1], [0], [0], [1], [0, 0, 1, 1], [], []>, precision = #tpu.contract_precision<fp32>, transpose_lhs_hint = false} : vector<1000x128xf32>, vector<128x128xf32>, vector<1000x128xf32> -> vector<1000x128xf32>
    %add3A_29 = arith.addf %add3A_24, %dot_general3A_28 : vector<1000x128xf32>
    %get3A_30 = arith.constant 0 : index
    %get3A_31 = arith.constant 0 : index
    %get3A_32 = vector.load %arg5[%get3A_30, %get3A_31] : memref<1x128xf32, #tpu.memory_space<vmem>>, vector<1x128xf32>
    %add3A_33 = vector.broadcast %get3A_32 : vector<1x128xf32> to vector<1000x128xf32>
    %add3A_34 = arith.addf %add3A_29, %add3A_33 : vector<1000x128xf32>
    %reduce_sum3A = arith.constant dense<0.000000e+00> : vector<1000xf32>
    %reduce_sum3A_35 = vector.multi_reduction <add>, %add3A_34, %reduce_sum3A [1] : vector<1000x128xf32> to vector<1000xf32>
    %broadcast_in_dim3A = vector.shape_cast %reduce_sum3A_35 : vector<1000xf32> to vector<1000x1xf32>
    %div3A = arith.constant 1.280000e+02 : f32
    %div3A_36 = vector.broadcast %div3A : f32 to vector<1000x1xf32>
    %div3A_37 = arith.divf %broadcast_in_dim3A, %div3A_36 : vector<1000x1xf32>
    %sub3A = vector.broadcast %div3A_37 : vector<1000x1xf32> to vector<1000x128xf32>
    %sub3A_38 = arith.subf %add3A_34, %sub3A : vector<1000x128xf32>
    %integer_pow3A = arith.mulf %sub3A_38, %sub3A_38 : vector<1000x128xf32>
    %reduce_sum3A_39 = arith.constant dense<0.000000e+00> : vector<1000xf32>
    %reduce_sum3A_40 = vector.multi_reduction <add>, %integer_pow3A, %reduce_sum3A_39 [1] : vector<1000x128xf32> to vector<1000xf32>
    %broadcast_in_dim3A_41 = vector.shape_cast %reduce_sum3A_40 : vector<1000xf32> to vector<1000x1xf32>
    %div3A_42 = arith.constant 1.280000e+02 : f32
    %div3A_43 = vector.broadcast %div3A_42 : f32 to vector<1000x1xf32>
    %div3A_44 = arith.divf %broadcast_in_dim3A_41, %div3A_43 : vector<1000x1xf32>
    %sub3A_45 = vector.broadcast %div3A_37 : vector<1000x1xf32> to vector<1000x128xf32>
    %sub3A_46 = arith.subf %add3A_34, %sub3A_45 : vector<1000x128xf32>
    %add3A_47 = arith.constant 9.99999974E-6 : f32
    %add3A_48 = vector.broadcast %add3A_47 : f32 to vector<1000x1xf32>
    %add3A_49 = arith.addf %div3A_44, %add3A_48 : vector<1000x1xf32>
    %rsqrt3A = math.rsqrt %add3A_49 : vector<1000x1xf32>
    %mul3A = vector.broadcast %rsqrt3A : vector<1000x1xf32> to vector<1000x128xf32>
    %mul3A_50 = arith.mulf %sub3A_46, %mul3A : vector<1000x128xf32>
    %swap3A = arith.constant 0 : index
    %swap3A_51 = arith.constant 0 : index
    %swap3A_52 = vector.load %arg6[%swap3A, %swap3A_51] : memref<1000x128xf32, #tpu.memory_space<vmem>>, vector<1000x128xf32>
    tpu.vector_store %arg6[%swap3A, %swap3A_51], %mul3A_50 {strides = array<i32>} : memref<1000x128xf32, #tpu.memory_space<vmem>>, vector<1000x128xf32>,
    return
  }
  func.func @transform_0(%arg0: i32) -> (i32, i32) {
    %c0_i32 = arith.constant 0 : i32
    %c0_i32_0 = arith.constant 0 : i32
    return %arg0, %c0_i32 : i32, i32
  }
  func.func @transform_1(%arg0: i32) -> (i32, i32, i32) {
    %c0_i32 = arith.constant 0 : i32
    %c0_i32_0 = arith.constant 0 : i32
    %c0_i32_1 = arith.constant 0 : i32
    return %c0_i32, %arg0, %c0_i32_0 : i32, i32, i32
  }
  func.func @transform_2(%arg0: i32) -> (i32, i32, i32) {
    %c0_i32 = arith.constant 0 : i32
    %c0_i32_0 = arith.constant 0 : i32
    %c0_i32_1 = arith.constant 0 : i32
    return %c0_i32, %arg0, %c0_i32_0 : i32, i32, i32
  }
  func.func @transform_3(%arg0: i32) -> (i32, i32) {
    %c0_i32 = arith.constant 0 : i32
    %c0_i32_0 = arith.constant 0 : i32
    %c0_i32_1 = arith.constant 0 : i32
    return %c0_i32, %c0_i32_0 : i32, i32
  }
  func.func @transform_4(%arg0: i32) -> (i32, i32) {
    %c0_i32 = arith.constant 0 : i32
    %c0_i32_0 = arith.constant 0 : i32
    %c0_i32_1 = arith.constant 0 : i32
    return %c0_i32, %c0_i32_0 : i32, i32
  }
  func.func @transform_5(%arg0: i32) -> (i32, i32) {
    %c0_i32 = arith.constant 0 : i32
    %c0_i32_0 = arith.constant 0 : i32
    return %arg0, %c0_i32 : i32, i32
  }
}

</mosaic_0001>

<sc_bundles>
// kernel: kernel.17.cloned.1.call-start
scs
__scs_entry_jumppad:
0x0: {  	(pc) =	sbr.rel $0x88, $3  }
0x1: {  	(tag) =	ssettag $0x0;
	lr =	simm.s32 $0x1  }
0x2: {  	[smem:$0x3F98] =	sst lr;
	_ =	strace $0xD0000000  }
0x3: {  	_ = 	snop  }
0x4: {  	_ = 	snop  }
0x5: {  	_ = 	snop  }
0x6: {  	_ = 	snop  }
0x7: {  	_ = 	snop  }
__scs_overlays_trampoline_lowered:
0x8: {  	[smem:$0x3FA7] =	sst s0  }
0x9: {  	[smem:$0x3FA8] =	sst s1  }
0xa: {  	[smem:$0x3FA9] =	sst s2  }
0xb: {  	[smem:$0x3FAA] =	sst s3  }
0xc: {  	[smem:$0x3FAB] =	sst s4  }
0xd: {  	[smem:$0x3FAC] =	sst s5  }
0xe: {  	[smem:$0x3FAD] =	sst s6  }
0xf: {  	[smem:$0x3FAE] =	sst s7  }
0x10: {  	[smem:$0x3FAF] =	sst s8  }
0x11: {  	[smem:$0x3FB0] =	sst s9;
	s0 =	simm.s32 @!p0 $0x0  }
0x12: {  	s1 =	sld [smem:$0x3F96];
	s0 =	simm.s32 @p0 $0x1  }
0x13: {  	[smem:$0x3FB1] =	sst s0;
	s0 =	simm.s32 @!p1 $0x0  }
0x14: {  	s2 =	sld [smem:$0x3F95];
	s0 =	simm.s32 @p1 $0x1  }
0x15: {  	[smem:$0x3FB2] =	sst s0;
	s0 =	simm.s32 @!p2 $0x0  }
0x16: {  	s3 =	sld [smem:$0x3FDB];
	s0 =	simm.s32 @p2 $0x1  }
0x17: {  	s4 =	simm.s32 $0x1BF5;
	[smem:$0x3FB4] =	sst s0  }
0x18: {  	s0 =	sld [smem:$0x3F97];
	_ =	swait.ge [sflag:s4], $0x0  }
0x19: {  	s7 =	sld [smem:$0x3F98]  }
0x1a: {  	s8 =	sadd.s32 $0xFFFFE003, lr  }
0x1b: {  	s9 =	sadd.s32 $0xFFFFFEF7, lr;
	s5 =	simm.s32 $0xFFFFFFFF;
	p2 =	slt.u32 s8, $0xFFFFF086  }
0x1c: {  	p1 =	slt.u32 s9, $0xF7A;
	s5 =	simm.s32 @!p2 $0x0  }
0x1d: {  	s5 =	simm.s32 @p1 $0x1;
	p0 =	seq.s32 s7, s2  }
0x1e: {  	s7 =	smul.u32 @!p0 $0xF7A, s2;
	p2 =	seq.s32 @!p0 s5, $0x0  }
0x1f: {  	s9 =	smul.u32 $0xF7A, s1;
	s8 =	simm.s32 @!p0 $0x1BF5;
	p2 =	por !p2, p0  }
0x20: {  	[sflag:s8] =	ssyncset.s32 @!p0 $0xFFFFF086;
	s6 =	sadd.s32 @!p0 s3, s7;
	s7 =	simm.s32 @!p0 $0x108  }
0x21: {  	s3 =	sadd.s32 s3, s9;
	s6 =	sadd.s32 @!p0 $0x88, s6;
	s7 =	simm.s32 @p2 $0x1082  }
0x22: {  	[simem:s7], [sflag:s8] =	dma.local @!p0 [hbm:s6], $0xF7A  }
0x23: {  	s9 =	sor.u32 $0xD0000000, s2;
	s6 =	simm.s32 $0x108;
	_ =	swait.ge @!p0 [sflag:s8], $0x0  }
0x24: {  	s3 =	sadd.s32 $0x88, s3;
	s6 =	simm.s32 @!p1 $0x1082;
	[sflag:s4] =	ssyncset.s32 $0xFFFFF086  }
0x25: {  	[simem:s6], [sflag:s4] =	dma.local [hbm:s3], $0xF7A  }
0x26: {  	[smem:$0x3F98] =	sst s1;
	(tag) =	ssettag s2;
	_ =	strace s9  }
0x27: {  	s1 =	sld [smem:$0x3FA8]  }
0x28: {  	s2 =	sld [smem:$0x3FA9]  }
0x29: {  	s4 =	sld [smem:$0x3FAB]  }
0x2a: {  	p0 =	seq.s32 s5, $0x0;
	s5 =	sld [smem:$0x3FAC]  }
0x2b: {  	s6 =	sld [smem:$0x3FAD]  }
0x2c: {  	s7 =	sld [smem:$0x3FAE]  }
0x2d: {  	s3 =	simm.s32 $0x108;
	s8 =	sld [smem:$0x3FAF]  }
0x2e: {  	s3 =	simm.s32 @!p0 $0x1082;
	s9 =	sld [smem:$0x3FB0]  }
0x2f: {  	lr =	sadd.s32 s0, s3;
	s0 =	sld [smem:$0x3FA7]  }
0x30: {  	s3 =	sld [smem:$0x3FAA]  }
0x31: {  	[smem:$0x3FB3] =	sst s10  }
0x32: {  	s10 =	sld [smem:$0x3FB1];
	_ =	sdelay $0x3  }
0x33: {  	p0 =	seq.s32 s10, $0x1;
	s10 =	sld [smem:$0x3FB3];
	_ =	sdelay $0x3  }
0x34: {  	[smem:$0x3FB3] =	sst s10  }
0x35: {  	s10 =	sld [smem:$0x3FB2];
	_ =	sdelay $0x3  }
0x36: {  	p1 =	seq.s32 s10, $0x1;
	s10 =	sld [smem:$0x3FB3];
	_ =	sdelay $0x3  }
0x37: {  	[smem:$0x3FB3] =	sst s10  }
0x38: {  	s10 =	sld [smem:$0x3FB4]  }
0x39: {  	_ = 	snop;
	(pc) =	sbr.ind lr, $3  }
0x3a: {  	_ = 	snop  }
0x3b: {  	_ = 	snop  }
0x3c: {  	p2 =	seq.s32 s10, $0x1;
	s10 =	sld [smem:$0x3FB3]  }
0x3d: {  	_ =	shalt  }
0x3e: {  	_ =	shalt  }
0x3f: {  	_ =	shalt  }
0x40: {  	_ =	shalt  }
0x41: {  	_ =	shalt  }
0x42: {  	_ =	shalt  }
0x43: {  	_ =	shalt  }
0x44: {  	_ =	shalt  }
0x45: {  	_ =	shalt  }
0x46: {  	_ =	shalt  }
0x47: {  	_ =	shalt  }
0x48: {  	_ =	shalt  }
0x49: {  	_ =	shalt  }
0x4a: {  	_ =	shalt  }
0x4b: {  	_ =	shalt  }
0x4c: {  	_ =	shalt  }
0x4d: {  	_ =	shalt  }
0x4e: {  	_ =	shalt  }
0x4f: {  	_ =	shalt  }
0x50: {  	_ =	shalt  }
0x51: {  	_ =	shalt  }
0x52: {  	_ =	shalt  }
0x53: {  	_ =	shalt  }
0x54: {  	_ =	shalt  }
0x55: {  	_ =	shalt  }
0x56: {  	_ =	shalt  }
0x57: {  	_ =	shalt  }
0x58: {  	_ =	shalt  }
0x59: {  	_ =	shalt  }
0x5a: {  	_ =	shalt  }
0x5b: {  	_ =	shalt  }
0x5c: {  	_ =	shalt  }
0x5d: {  	_ =	shalt  }
0x5e: {  	_ =	shalt  }
0x5f: {  	_ =	shalt  }
0x60: {  	_ =	shalt  }
0x61: {  	_ =	shalt  }
0x62: {  	_ =	shalt  }
0x63: {  	_ =	shalt  }
0x64: {  	_ =	shalt  }
0x65: {  	_ =	shalt  }
0x66: {  	_ =	shalt  }
0x67: {  	_ =	shalt  }
0x68: {  	_ =	shalt  }
0x69: {  	_ =	shalt  }
0x6a: {  	_ =	shalt  }
0x6b: {  	_ =	shalt  }
0x6c: {  	_ =	shalt  }
0x6d: {  	_ =	shalt  }
0x6e: {  	_ =	shalt  }
0x6f: {  	_ =	shalt  }
0x70: {  	_ =	shalt  }
0x71: {  	_ =	shalt  }
0x72: {  	_ =	shalt  }
0x73: {  	_ =	shalt  }
0x74: {  	_ =	shalt  }
0x75: {  	_ =	shalt  }
0x76: {  	_ =	shalt  }
0x77: {  	_ =	shalt  }
0x78: {  	_ =	shalt  }
0x79: {  	_ =	shalt  }
0x7a: {  	_ =	shalt  }
0x7b: {  	_ =	shalt  }
0x7c: {  	_ =	shalt  }
0x7d: {  	_ =	shalt  }
0x7e: {  	_ =	shalt  }
0x7f: {  	_ =	shalt  }
0x80: {  	_ =	shalt  }
0x81: {  	_ =	shalt  }
0x82: {  	_ =	shalt  }
0x83: {  	_ =	shalt  }
0x84: {  	_ =	shalt  }
0x85: {  	_ =	shalt  }
0x86: {  	_ =	shalt  }
0x87: {  	_ =	shalt  }
.Lfunc_end0:
.L_simem_size_0:
called_computation_lowered:
.L_overlay_start_0:
0x88: {  	s2 =	sld [smem:$0x3FD9]  }
0x89: {  	s3 =	sld [smem:$0x3FFE];
	_ =	sdelay $0x1  }
0x8a: {  	s1 =	srdreg.scid  }
0x8b: {  	s0 =	sand.u32 $0x1, s1  }
0x8c: {  	s15 =	sshll.u32 s0, $0xA;
	s2 =	sadd.s32 s3, s2  }
0x8d: {  	s2 =	sadd.s32 s2, s15  }
0x8e: {  	[smem:$0x3FBF] =	sst s2  }
0x8f: {  	_ = 	snop  }
0x90: {  	s2 =	sld [smem:$0x3FD0];
	_ =	sdelay $0x2  }
0x91: {  	s16 =	simm.s32 $0xC;
	s4 =	simm.s32 $0x10  }
0x92: {  	[smem:s4], [sflag:s16] =	dma.local [hbm:s2], $0x1  }
0x93: {  	_ =	swait.eq [sflag:s16], $0x1  }
0x94: {  	[sflag:s16] =	ssyncset.done $0x0  }
0x95: {  	[sflag:s16] =	ssyncadd.s32 $0xFFFFFFFF  }
0x96: {  	s17 =	sld [smem:$0x10];
	(tm) =	ssettm $0x1  }
0x97: {  	s18 =	sld [smem:$0x3FFB];
	_ =	sdelay $0x3  }
0x98: {  	_ =	strace s18  }
0x99: {  	s2 =	sld [smem:$0x3FFC];
	_ =	sdelay $0x3  }
0x9a: {  	_ =	strace s2  }
0x9b: {  	s2 =	sld [smem:$0x3FFD];
	_ =	sdelay $0x3  }
0x9c: {  	_ =	strace s2  }
0x9d: {  	_ =	strace $0x8FFFFFFF  }
0x9e: {  	s19 =	sld [smem:$0x3FDB];
	_ =	sdelay $0x1  }
0x9f: {  	s20 =	simm.s32 $_scs_section_size  }
0xa0: {  	s5 =	simm.s32 $_size__tile_overlayer_lowered;
	s6 =	simm.s32 $_tile_overlayer_lowered  }
0xa1: {  	s7 =	simm.s32 $0x1BFF;
	s21 =	sshll.u32 s6, $0x1;
	s4 =	sadd.s32 s20, s19  }
0xa2: {  	s22 =	simm.s32 $0x0;
	s5 =	sshll.u32 s5, $0x1;
	s6 =	sadd.s32 s21, s4  }
0xa3: {  	[timem:s22], [sflag:s7] =	dma.local [hbm:s6], s5  }
0xa4: {  	_ =	swait.ge [sflag:s7], s5  }
0xa5: {  	s5 =	ssub.s32 $0x0, s5;
	[sflag:s7] =	ssyncset.done $0x0  }
0xa6: {  	[sflag:s7] =	ssyncadd.s32 s5;
	_ =	sdelay $0x1  }
0xa7: {  	s23 =	simm.s32 $0x1B8B  }
0xa8: {  	_ =	swait.ge [sflag:s23], $0x1  }
0xa9: {  	[sflag:s23] =	ssyncset.done $0x0  }
0xaa: {  	[sflag:s23] =	ssyncadd.s32 $0xFFFFFFFF  }
0xab: {  	s5 =	sld [smem:$0x0]  }
0xac: {  	s6 =	sand.u32 $0xFFFFFFFE, s1  }
0xad: {  	p0 =	sne.s32 s1, s6  }
0xae: {  	s6 =	sshll.u32 @p0 s6, $0xE  }
0xaf: {  	s6 =	sadd.s32 @p0 $0x11B8D, s6;
	s7 =	sshll.u32 @p0 s5, $0x11  }
0xb0: {  	s6 =	sor.u32 @p0 s7, s6  }
0xb1: {  	[sflag:s6] =	ssyncadd.remote.s32 @p0 $0x1;
	_ =	sdelay $0x1  }
0xb2: {  	s6 =	simm.s32 @p0 $0x1B8D  }
0xb3: {  	_ =	swait.eq @p0 [sflag:s6], $0x1  }
0xb4: {  	[sflag:s6] =	ssyncadd.s32 @p0 $0xFFFFFFFF  }
0xb5: {  	s7 =	sshll.u32 @!p0 s1, $0xE  }
0xb6: {  	s7 =	sor.u32 @!p0 $0x4000, s7;
	s6 =	simm.s32 @!p0 $0x1B8D  }
0xb7: {  	s5 =	sshll.u32 @!p0 s5, $0x11;
	s7 =	sadd.s32 @!p0 $0x11B8D, s7;
	_ =	swait.eq @!p0 [sflag:s6], $0x1  }
0xb8: {  	s5 =	sor.u32 @!p0 s5, s7;
	[sflag:s6] =	ssyncadd.s32 @!p0 $0xFFFFFFFF  }
0xb9: {  	s25 =	simm.s32 $0x1B8E;
	s24 =	sld [smem:$0x3FFE];
	[sflag:s5] =	ssyncadd.remote.s32 @!p0 $0x1  }
0xba: {  	s26 =	simm.s32 $execute0_lowered;
	[smem:$0x3FD2] =	sst s25  }
0xbb: {  	s6 =	sshll.u32 s26, $0x1;
	_ =	strace $0x80000049;
	[dreg:$0x1] =	wrdreg $0xFFFFFFFF  }
0xbc: {  	s28 =	simm.s32 $_size_execute0_lowered;
	s4 =	sadd.s32 s4, s6;
	[dreg:$0x0] =	wrdreg $0x0  }
0xbd: {  	s6 =	sshll.u32 s28, $0x1;
	[dreg:$0x2] =	wrdreg s4  }
0xbe: {  	[dreg:$0x3] =	wrdreg s6  }
0xbf: {  	[dreg:$0x4] =	wrdreg $0xC0  }
0xc0: {  	_ =	task [dreg:s22], $0x5FFFF  }
0xc1: {  	[dreg:$0x1] =	wrdreg $0xFFFFFFFF  }
0xc2: {  	[dreg:$0x0] =	wrdreg $0x60  }
0xc3: {  	[dreg:$0x2] =	wrdreg s17  }
0xc4: {  	[dreg:$0x3] =	wrdreg s24  }
0xc5: {  	[dreg:$0x4] =	wrdreg $0x90000  }
0xc6: {  	[dreg:$0x5] =	wrdreg $0x9  }
0xc7: {  	_ =	task.clear_ibuf [dreg:s22], $0x6FFFF;
	_ =	strace $0x90000049  }
0xc8: {  	s29 =	simm.s32 $0x9;
	_ =	strace $0x8000004B  }
0xc9: {  	_ =	swait.ge [sflag:s29], $0x1  }
0xca: {  	[sflag:s29] =	ssyncadd.s32 $0xFFFFFFFF  }
0xcb: {  	_ =	strace $0x9000004B  }
0xcc: {  	_ =	sfence  }
0xcd: {  	s30 =	sld [smem:$0x0];
	_ =	sdelay $0x2  }
0xce: {  	s31 =	sshll.u32 s1, $0xD;
	s1 =	sshrl.u32 s1, $0x2  }
0xcf: {  	s4 =	sand.u32 $0x4000, s31;
	s1 =	sadd.s32 s1, s30  }
0xd0: {  	s0 =	sor.u32 s4, s0;
	s1 =	sshll.u32 s1, $0x11  }
0xd1: {  	s0 =	sor.u32 s1, s0  }
0xd2: {  	s0 =	sadd.s32 $0x8F2B, s0  }
0xd3: {  	[sflag:s0] =	ssyncadd.remote.s32 $0x1  }
0xd4: {  	_ =	sfence.sel $0xFFFF  }
0xd5: {  	[dreg:$0x0] =	wrdreg $0xFFFFFFFF;
	(pc) =	sbr.abs _section_cstart, $3  }
0xd6: {  	[dreg:$0x1] =	wrdreg $0xFFFFFFFF  }
0xd7: {  	_ =	task.clear_ibuf [dreg:s22], $0x2FFFF;
	_ =	strace $0x9FFFFFFF  }
0xd8: {  	(tm) =	ssettm $0x7FFFFFFF  }
0xd9: {  	_ =	shalt  }
tec
execute0_lowered:
.L_overlay_start_1:
0x0: {  	(tag) =	ssettag $0x1  }
0x1: {  	s1 =	rddreg [dreg:$0x0]  }
0x2: {  	s0 =	srdreg.scid;
	s7 =	rddreg [dreg:$0x1]  }
0x3: {  	s3 =	rddreg [dreg:$0x2];
	s4 =	simm.s32 $0x0;
	s14 =	simm.s32 $0x80  }
0x4: {  	s15 =	simm.s32 $0x5000;
	s16 =	simm.s32 $0x1;
	s6 =	sand.u32 $0x1, s0  }
0x5: {  	s17 =	simm.s32 $0x0;
	s0 =	stileid.u32;
	s8 =	smul.u32 $0x13C000, s6  }
0x6: {  	[smem:$0x7FF] =	sst s4;
	s2 =	sshll.u32 s6, $0x4;
	s9 =	smul.u32 $0x13C00, s0  }
0x7: {  	s28 =	smul.u32 $0x4F000, s0;
	s6 =	ssub.s32 $0x2, s6;
	s2 =	sor.u32 s0, s2  }
0x8: {  	s31 =	sshll.u32 s0, $0x6;
	s29 =	sshrl.u32 s6, $0x1;
	s5 =	smul.u32 $0x500, s2  }
0x9: {  	s2 =	rddreg [dreg:$0x3];
	_ =	strace $0x8000004A;
	s8 =	sadd.s32 s9, s8  }
0xa: {  	s30 =	sshrl.u32 s28, $0x2;
	s12 =	ssub.s32 s6, s29;
	s6 =	sor.u32 $0x1C02, s31  }
0xb: {  	s8 =	sshrl.u32 s8, $0x3;
	s13 =	sadd.s32 s30, s3;
	s10 =	sadd.s32 s5, s7  }
0xc: {  	s5 =	sadd.s32 $0x31E00, s7;
	s11 =	sadd.s32 s8, s7;
	s7 =	sadd.s32 $0x1DE00, s10  }
0xd: {  	s8 =	sadd.s32 $0x27E00, s10;
	s9 =	sadd.s32 $0x34600, s11;
	s10 =	smax.u32 s12, $0x1  }
0xe: {  	s11 =	sshrl.u32 s13, $0x3;
	s12 =	simm.s32 $0x2;
	s13 =	simm.s32 $0x2800  }
.LBB2_1:
0xf: {  	[spmem:s11], [sflag:s6] =	dma.local [hbm:s5], $0x2780  }
0x10: {  	_ =	swait.ge [sflag:s12], $0x2780  }
0x11: {  	[sflag:s12] =	ssyncset.done $0x0  }
0x12: {  	[sflag:s12] =	ssyncadd.s32 $0xFFFFD880  }
0x13: {  	[tilespmem:s4], [sflag:$0x2] =	stream.linear.gather [hbm4b:s7+s4], $0x2780, $0x38;
	[tilespmem:$0x1CC00] =	vst v63  }
0x14: {  	_ =	swait.ge [sflag:s12], $0x2780  }
0x15: {  	[sflag:s12] =	ssyncset.done $0x0  }
0x16: {  	[sflag:s12] =	ssyncadd.s32 $0xFFFFD880  }
0x17: {  	[tilespmem:s13], [sflag:$0x2] =	stream.linear.gather [hbm4b:s8+s4], $0x2780, $0x38;
	[tilespmem:$0x1CC00] =	vst v63  }
0x18: {  	_ =	swait.ge [sflag:s12], $0x2780  }
0x19: {  	[sflag:s12] =	ssyncset.done $0x0  }
0x1a: {  	[sflag:s12] =	ssyncadd.s32 $0xFFFFD880  }
0x1b: {  	s18 =	simm.s32 $0x0;
	[bflag:$0x0] =	sbarrier.arrive $0xFFFF  }
0x1c: {  	[tilespmem:s15], [sflag:$0x1] =	stream.indirect.gather [hbm4b:s1+s14], $0x80, s18, s14, $0xb8;
	[tilespmem:$0x1CC00] =	vst v63  }
0x1d: {  	_ =	swait.ge [sflag:s16], $0x4000  }
0x1e: {  	[sflag:s16] =	ssyncset.done $0x0  }
0x1f: {  	s31 =	simm.s32 $0x2800;
	[sflag:s16] =	ssyncadd.s32 $0xFFFFC000  }
0x20: {  	[spmem:s3] =	stream.indirect.scatter.add.f32 [tilespmem:s15], [sflag:$0x2], $0x80, s31, s14, $0xb8;
	[tilespmem:$0x1CC00] =	vst v63  }
0x21: {  	_ =	swait.ge [sflag:s12], $0x4000  }
0x22: {  	s19 =	simm.s32 $0x400;
	s18 =	simm.s32 $0x200;
	[sflag:s12] =	ssyncset.done $0x0  }
.LBB2_2:
0x23: {  	s20 =	sshra.s32 s18, $0x2  }
0x24: {  	[sflag:s12] =	ssyncadd.s32 $0xFFFFC000;
	s18 =	smov.u32 s19;
	s21 =	sadd.s32 $0x200, s19  }
0x25: {  	[tilespmem:s15], [sflag:$0x1] =	stream.indirect.gather [hbm4b:s1+s14], $0x80, s20, s14, $0xb8;
	[tilespmem:$0x1CC00] =	vst v63  }
0x26: {  	p0 =	sne.s32 s19, $0x9C00;
	_ =	swait.ge [sflag:s16], $0x4000  }
.Ltmp0:
0x27: {  	[sflag:s16] =	ssyncset.done $0x0;
	(pc) =	sbr.rel @p0 .LBB2_2-.Ltmp0, $4  }
0x28: {  	s19 =	sadd.s32 $0x2800, s20;
	[sflag:s16] =	ssyncadd.s32 $0xFFFFC000  }
0x29: {  	[spmem:s3] =	stream.indirect.scatter.add.f32 [tilespmem:s15], [sflag:$0x2], $0x80, s19, s14, $0xb8;
	[tilespmem:$0x1CC00] =	vst v63  }
0x2a: {  	_ =	swait.ge [sflag:s12], $0x4000  }
0x2b: {  	s19 =	smov.u32 s21;
	[sflag:s12] =	ssyncset.done $0x0  }
0x2c: {  	s18 =	sshra.s32 s18, $0x2;
	[sflag:s12] =	ssyncadd.s32 $0xFFFFC000  }
0x2d: {  	[tilespmem:s15], [sflag:$0x1] =	stream.indirect.gather [hbm4b:s1+s14], $0x80, s18, s14, $0xb8;
	[tilespmem:$0x1CC00] =	vst v63  }
0x2e: {  	_ =	swait.ge [sflag:s16], $0x4000  }
0x2f: {  	[sflag:s16] =	ssyncset.done $0x0  }
0x30: {  	s18 =	sadd.s32 $0x2800, s18;
	[sflag:s16] =	ssyncadd.s32 $0xFFFFC000  }
0x31: {  	[spmem:s3] =	stream.indirect.scatter.add.f32 [tilespmem:s15], [sflag:$0x2], $0x80, s18, s14, $0xb8;
	[tilespmem:$0x1CC00] =	vst v63  }
0x32: {  	_ =	swait.ge [sflag:s12], $0x4000  }
0x33: {  	s17 =	sadd.s32 $0x1, s17;
	[sflag:s12] =	ssyncset.done $0x0  }
0x34: {  	p0 =	sne.s32 s17, s10;
	[sflag:s12] =	ssyncadd.s32 $0xFFFFC000  }
.Ltmp1:
0x35: {  	[bflag:$0x0] =	sbarrier.arrive $0xFFFF;
	(pc) =	sbr.rel @p0 .LBB2_1-.Ltmp1, $4  }
0x36: {  	[hbm:s9], [sflag:s6] =	dma.local [spmem:s11], $0x2780  }
0x37: {  	_ =	swait.ge [sflag:s12], $0x2780  }
0x38: {  	[sflag:s12] =	ssyncset.done $0x0  }
0x39: {  	[sflag:s12] =	ssyncadd.s32 $0xFFFFD880  }
0x3a: {  	_ =	sfence.sel $0x180000  }
0x3b: {  	[bflag:$0x0] =	sbarrier.arrive $0xFFFF  }
0x3c: {  	p0 =	sne.s32 s0, $0x0;
	_ =	strace $0x9000004A  }
0x3d: {  	s0 =	sadd.s32 @!p0 $0x100000, s2;
	[bflag:$0x2] =	sbarrier.arrive $0xFFFF  }
0x3e: {  	[sflag:s0] =	ssyncadd.tile.s32 @!p0 $0x1;
	_ =	shalt  }
.Lfunc_end2:
_tile_overlayer_lowered:
.L_overlay_start_2:
0x3f: {  	(tag) =	ssettag $0x2  }
0x40: {  	s0 =	rddreg [dreg:$0x0];
	s2 =	stileid.u32  }
0x41: {  	s1 =	rddreg [dreg:$0x1];
	p0 =	sne.s32 s2, $0x0  }
0x42: {  	s3 =	rddreg [dreg:$0x2];
	[bflag:$0x3] =	sbarrier.arrive $0xFFFF;
	s2 =	simm.s32 @!p0 $0x1C02  }
0x43: {  	[timem:s3], [sflag:s2] =	dma.local @!p0 [hbm:s0], s1  }
0x44: {  	s0 =	simm.s32 @!p0 $0x2  }
0x45: {  	_ =	swait.ge @!p0 [sflag:s0], s1  }
0x46: {  	s1 =	ssub.s32 @!p0 $0x0, s1;
	[sflag:s0] =	ssyncset.done @!p0 $0x0  }
0x47: {  	[sflag:s0] =	ssyncadd.s32 @!p0 s1  }
0x48: {  	[bflag:$0x3] =	sbarrier.arrive $0xFFFF  }
0x49: {  	_ =	shalt  }

// kernel: kernel.20.cloned.1.call-start
scs
__scs_entry_jumppad:
0x0: {  	(pc) =	sbr.rel $0x88, $3  }
0x1: {  	(tag) =	ssettag $0x0;
	lr =	simm.s32 $0x1  }
0x2: {  	[smem:$0x3F98] =	sst lr;
	_ =	strace $0xD0000000  }
0x3: {  	_ = 	snop  }
0x4: {  	_ = 	snop  }
0x5: {  	_ = 	snop  }
0x6: {  	_ = 	snop  }
0x7: {  	_ = 	snop  }
__scs_overlays_trampoline_lowered:
0x8: {  	[smem:$0x3FA7] =	sst s0  }
0x9: {  	[smem:$0x3FA8] =	sst s1  }
0xa: {  	[smem:$0x3FA9] =	sst s2  }
0xb: {  	[smem:$0x3FAA] =	sst s3  }
0xc: {  	[smem:$0x3FAB] =	sst s4  }
0xd: {  	[smem:$0x3FAC] =	sst s5  }
0xe: {  	[smem:$0x3FAD] =	sst s6  }
0xf: {  	[smem:$0x3FAE] =	sst s7  }
0x10: {  	[smem:$0x3FAF] =	sst s8  }
0x11: {  	[smem:$0x3FB0] =	sst s9;
	s0 =	simm.s32 @!p0 $0x0  }
0x12: {  	s1 =	sld [smem:$0x3F96];
	s0 =	simm.s32 @p0 $0x1  }
0x13: {  	[smem:$0x3FB1] =	sst s0;
	s0 =	simm.s32 @!p1 $0x0  }
0x14: {  	s2 =	sld [smem:$0x3F95];
	s0 =	simm.s32 @p1 $0x1  }
0x15: {  	[smem:$0x3FB2] =	sst s0;
	s0 =	simm.s32 @!p2 $0x0  }
0x16: {  	s3 =	sld [smem:$0x3FDB];
	s0 =	simm.s32 @p2 $0x1  }
0x17: {  	s4 =	simm.s32 $0x1BF5;
	[smem:$0x3FB4] =	sst s0  }
0x18: {  	s0 =	sld [smem:$0x3F97];
	_ =	swait.ge [sflag:s4], $0x0  }
0x19: {  	s7 =	sld [smem:$0x3F98]  }
0x1a: {  	s8 =	sadd.s32 $0xFFFFE003, lr  }
0x1b: {  	s9 =	sadd.s32 $0xFFFFFEF7, lr;
	s5 =	simm.s32 $0xFFFFFFFF;
	p2 =	slt.u32 s8, $0xFFFFF086  }
0x1c: {  	p1 =	slt.u32 s9, $0xF7A;
	s5 =	simm.s32 @!p2 $0x0  }
0x1d: {  	s5 =	simm.s32 @p1 $0x1;
	p0 =	seq.s32 s7, s2  }
0x1e: {  	s7 =	smul.u32 @!p0 $0xF7A, s2;
	p2 =	seq.s32 @!p0 s5, $0x0  }
0x1f: {  	s9 =	smul.u32 $0xF7A, s1;
	s8 =	simm.s32 @!p0 $0x1BF5;
	p2 =	por !p2, p0  }
0x20: {  	[sflag:s8] =	ssyncset.s32 @!p0 $0xFFFFF086;
	s6 =	sadd.s32 @!p0 s3, s7;
	s7 =	simm.s32 @!p0 $0x108  }
0x21: {  	s3 =	sadd.s32 s3, s9;
	s6 =	sadd.s32 @!p0 $0x88, s6;
	s7 =	simm.s32 @p2 $0x1082  }
0x22: {  	[simem:s7], [sflag:s8] =	dma.local @!p0 [hbm:s6], $0xF7A  }
0x23: {  	s9 =	sor.u32 $0xD0000000, s2;
	s6 =	simm.s32 $0x108;
	_ =	swait.ge @!p0 [sflag:s8], $0x0  }
0x24: {  	s3 =	sadd.s32 $0x88, s3;
	s6 =	simm.s32 @!p1 $0x1082;
	[sflag:s4] =	ssyncset.s32 $0xFFFFF086  }
0x25: {  	[simem:s6], [sflag:s4] =	dma.local [hbm:s3], $0xF7A  }
0x26: {  	[smem:$0x3F98] =	sst s1;
	(tag) =	ssettag s2;
	_ =	strace s9  }
0x27: {  	s1 =	sld [smem:$0x3FA8]  }
0x28: {  	s2 =	sld [smem:$0x3FA9]  }
0x29: {  	s4 =	sld [smem:$0x3FAB]  }
0x2a: {  	p0 =	seq.s32 s5, $0x0;
	s5 =	sld [smem:$0x3FAC]  }
0x2b: {  	s6 =	sld [smem:$0x3FAD]  }
0x2c: {  	s7 =	sld [smem:$0x3FAE]  }
0x2d: {  	s3 =	simm.s32 $0x108;
	s8 =	sld [smem:$0x3FAF]  }
0x2e: {  	s3 =	simm.s32 @!p0 $0x1082;
	s9 =	sld [smem:$0x3FB0]  }
0x2f: {  	lr =	sadd.s32 s0, s3;
	s0 =	sld [smem:$0x3FA7]  }
0x30: {  	s3 =	sld [smem:$0x3FAA]  }
0x31: {  	[smem:$0x3FB3] =	sst s10  }
0x32: {  	s10 =	sld [smem:$0x3FB1];
	_ =	sdelay $0x3  }
0x33: {  	p0 =	seq.s32 s10, $0x1;
	s10 =	sld [smem:$0x3FB3];
	_ =	sdelay $0x3  }
0x34: {  	[smem:$0x3FB3] =	sst s10  }
0x35: {  	s10 =	sld [smem:$0x3FB2];
	_ =	sdelay $0x3  }
0x36: {  	p1 =	seq.s32 s10, $0x1;
	s10 =	sld [smem:$0x3FB3];
	_ =	sdelay $0x3  }
0x37: {  	[smem:$0x3FB3] =	sst s10  }
0x38: {  	s10 =	sld [smem:$0x3FB4]  }
0x39: {  	_ = 	snop;
	(pc) =	sbr.ind lr, $3  }
0x3a: {  	_ = 	snop  }
0x3b: {  	_ = 	snop  }
0x3c: {  	p2 =	seq.s32 s10, $0x1;
	s10 =	sld [smem:$0x3FB3]  }
0x3d: {  	_ =	shalt  }
0x3e: {  	_ =	shalt  }
0x3f: {  	_ =	shalt  }
0x40: {  	_ =	shalt  }
0x41: {  	_ =	shalt  }
0x42: {  	_ =	shalt  }
0x43: {  	_ =	shalt  }
0x44: {  	_ =	shalt  }
0x45: {  	_ =	shalt  }
0x46: {  	_ =	shalt  }
0x47: {  	_ =	shalt  }
0x48: {  	_ =	shalt  }
0x49: {  	_ =	shalt  }
0x4a: {  	_ =	shalt  }
0x4b: {  	_ =	shalt  }
0x4c: {  	_ =	shalt  }
0x4d: {  	_ =	shalt  }
0x4e: {  	_ =	shalt  }
0x4f: {  	_ =	shalt  }
0x50: {  	_ =	shalt  }
0x51: {  	_ =	shalt  }
0x52: {  	_ =	shalt  }
0x53: {  	_ =	shalt  }
0x54: {  	_ =	shalt  }
0x55: {  	_ =	shalt  }
0x56: {  	_ =	shalt  }
0x57: {  	_ =	shalt  }
0x58: {  	_ =	shalt  }
0x59: {  	_ =	shalt  }
0x5a: {  	_ =	shalt  }
0x5b: {  	_ =	shalt  }
0x5c: {  	_ =	shalt  }
0x5d: {  	_ =	shalt  }
0x5e: {  	_ =	shalt  }
0x5f: {  	_ =	shalt  }
0x60: {  	_ =	shalt  }
0x61: {  	_ =	shalt  }
0x62: {  	_ =	shalt  }
0x63: {  	_ =	shalt  }
0x64: {  	_ =	shalt  }
0x65: {  	_ =	shalt  }
0x66: {  	_ =	shalt  }
0x67: {  	_ =	shalt  }
0x68: {  	_ =	shalt  }
0x69: {  	_ =	shalt  }
0x6a: {  	_ =	shalt  }
0x6b: {  	_ =	shalt  }
0x6c: {  	_ =	shalt  }
0x6d: {  	_ =	shalt  }
0x6e: {  	_ =	shalt  }
0x6f: {  	_ =	shalt  }
0x70: {  	_ =	shalt  }
0x71: {  	_ =	shalt  }
0x72: {  	_ =	shalt  }
0x73: {  	_ =	shalt  }
0x74: {  	_ =	shalt  }
0x75: {  	_ =	shalt  }
0x76: {  	_ =	shalt  }
0x77: {  	_ =	shalt  }
0x78: {  	_ =	shalt  }
0x79: {  	_ =	shalt  }
0x7a: {  	_ =	shalt  }
0x7b: {  	_ =	shalt  }
0x7c: {  	_ =	shalt  }
0x7d: {  	_ =	shalt  }
0x7e: {  	_ =	shalt  }
0x7f: {  	_ =	shalt  }
0x80: {  	_ =	shalt  }
0x81: {  	_ =	shalt  }
0x82: {  	_ =	shalt  }
0x83: {  	_ =	shalt  }
0x84: {  	_ =	shalt  }
0x85: {  	_ =	shalt  }
0x86: {  	_ =	shalt  }
0x87: {  	_ =	shalt  }
.Lfunc_end0:
.L_simem_size_0:
called_computation.1_lowered:
.L_overlay_start_0:
0x88: {  	s2 =	sld [smem:$0x3FD9]  }
0x89: {  	s3 =	sld [smem:$0x3FFE];
	_ =	sdelay $0x1  }
0x8a: {  	s1 =	srdreg.scid  }
0x8b: {  	s0 =	sand.u32 $0x1, s1  }
0x8c: {  	s14 =	sshll.u32 s0, $0xA;
	s2 =	sadd.s32 s3, s2  }
0x8d: {  	s2 =	sadd.s32 s2, s14  }
0x8e: {  	[smem:$0x3FBF] =	sst s2  }
0x8f: {  	_ = 	snop  }
0x90: {  	s2 =	sld [smem:$0x3FD0];
	_ =	sdelay $0x2  }
0x91: {  	s15 =	simm.s32 $0xC;
	s4 =	simm.s32 $0x10  }
0x92: {  	[smem:s4], [sflag:s15] =	dma.local [hbm:s2], $0x1  }
0x93: {  	_ =	swait.eq [sflag:s15], $0x1  }
0x94: {  	[sflag:s15] =	ssyncset.done $0x0  }
0x95: {  	[sflag:s15] =	ssyncadd.s32 $0xFFFFFFFF  }
0x96: {  	s16 =	sld [smem:$0x11];
	(tm) =	ssettm $0x1  }
0x97: {  	s17 =	sld [smem:$0x3FFB];
	_ =	sdelay $0x3  }
0x98: {  	_ =	strace s17  }
0x99: {  	s3 =	sld [smem:$0x3FFC];
	_ =	sdelay $0x3  }
0x9a: {  	_ =	strace s3  }
0x9b: {  	s3 =	sld [smem:$0x3FFD];
	_ =	sdelay $0x3  }
0x9c: {  	_ =	strace s3  }
0x9d: {  	_ =	strace $0x8FFFFFFF  }
0x9e: {  	s18 =	sld [smem:$0x3FDB];
	_ =	sdelay $0x1  }
0x9f: {  	s19 =	simm.s32 $_scs_section_size  }
0xa0: {  	s5 =	simm.s32 $_size__tile_overlayer_lowered;
	s6 =	simm.s32 $_tile_overlayer_lowered  }
0xa1: {  	s22 =	simm.s32 $0x1BFF;
	s21 =	sshll.u32 s6, $0x1;
	s3 =	sadd.s32 s19, s18  }
0xa2: {  	s7 =	simm.s32 $0x0;
	s20 =	sshll.u32 s5, $0x1;
	s5 =	sadd.s32 s21, s3  }
0xa3: {  	[timem:s7], [sflag:s22] =	dma.local [hbm:s5], s20  }
0xa4: {  	_ =	swait.ge [sflag:s22], s20  }
0xa5: {  	s4 =	ssub.s32 $0x0, s20;
	[sflag:s22] =	ssyncset.done $0x0  }
0xa6: {  	[sflag:s22] =	ssyncadd.s32 s4;
	_ =	sdelay $0x1  }
0xa7: {  	s23 =	simm.s32 $0x1B8B  }
0xa8: {  	_ =	swait.ge [sflag:s23], $0x1  }
0xa9: {  	[sflag:s23] =	ssyncset.done $0x0  }
0xaa: {  	s25 =	simm.s32 $0x1B8E;
	s24 =	sld [smem:$0x3FFE];
	[sflag:s23] =	ssyncadd.s32 $0xFFFFFFFF  }
0xab: {  	s26 =	simm.s32 $execute0_lowered;
	[smem:$0x3FD2] =	sst s25  }
0xac: {  	s5 =	sshll.u32 s26, $0x1;
	_ =	strace $0x80000046;
	[dreg:$0x1] =	wrdreg $0xFFFFFFFF  }
0xad: {  	s28 =	simm.s32 $_size_execute0_lowered;
	s3 =	sadd.s32 s3, s5;
	[dreg:$0x0] =	wrdreg $0x0  }
0xae: {  	s5 =	sshll.u32 s28, $0x1;
	[dreg:$0x2] =	wrdreg s3  }
0xaf: {  	[dreg:$0x3] =	wrdreg s5  }
0xb0: {  	[dreg:$0x4] =	wrdreg $0xC0  }
0xb1: {  	_ =	task [dreg:s7], $0x5FFFF  }
0xb2: {  	[dreg:$0x1] =	wrdreg $0xFFFFFFFF  }
0xb3: {  	[dreg:$0x0] =	wrdreg $0x60  }
0xb4: {  	[dreg:$0x2] =	wrdreg s16  }
0xb5: {  	[dreg:$0x3] =	wrdreg s24  }
0xb6: {  	[dreg:$0x4] =	wrdreg $0x58000  }
0xb7: {  	[dreg:$0x5] =	wrdreg $0xA  }
0xb8: {  	_ =	task.clear_ibuf [dreg:s7], $0x6FFFF;
	_ =	strace $0x90000046  }
0xb9: {  	s29 =	simm.s32 $0xA;
	_ =	strace $0x80000048  }
0xba: {  	_ =	swait.ge [sflag:s29], $0x1  }
0xbb: {  	[sflag:s29] =	ssyncadd.s32 $0xFFFFFFFF  }
0xbc: {  	_ =	strace $0x90000048  }
0xbd: {  	_ =	sfence  }
0xbe: {  	s30 =	sld [smem:$0x0];
	_ =	sdelay $0x2  }
0xbf: {  	s31 =	sshll.u32 s1, $0xD;
	s1 =	sshrl.u32 s1, $0x2  }
0xc0: {  	s3 =	sand.u32 $0x4000, s31;
	s1 =	sadd.s32 s1, s30  }
0xc1: {  	s0 =	sor.u32 s3, s0;
	s1 =	sshll.u32 s1, $0x11  }
0xc2: {  	s0 =	sor.u32 s1, s0  }
0xc3: {  	s0 =	sadd.s32 $0x8F2B, s0  }
0xc4: {  	[sflag:s0] =	ssyncadd.remote.s32 $0x1  }
0xc5: {  	_ =	sfence.sel $0xFFFF  }
0xc6: {  	[dreg:$0x0] =	wrdreg $0xFFFFFFFF;
	(pc) =	sbr.abs _section_cstart, $3  }
0xc7: {  	[dreg:$0x1] =	wrdreg $0xFFFFFFFF  }
0xc8: {  	_ =	task.clear_ibuf [dreg:s7], $0x2FFFF;
	_ =	strace $0x9FFFFFFF  }
0xc9: {  	(tm) =	ssettm $0x7FFFFFFF  }
tec
execute0_lowered:
.L_overlay_start_1:
0x0: {  	(tag) =	ssettag $0x1  }
0x1: {  	s1 =	rddreg [dreg:$0x0]  }
0x2: {  	s0 =	srdreg.scid;
	s7 =	rddreg [dreg:$0x1]  }
0x3: {  	s3 =	rddreg [dreg:$0x2];
	s4 =	simm.s32 $0x0;
	s14 =	simm.s32 $0x80  }
0x4: {  	s15 =	simm.s32 $0x1800;
	s16 =	simm.s32 $0x1;
	s6 =	sand.u32 $0x1, s0  }
0x5: {  	s17 =	simm.s32 $0x0;
	s0 =	stileid.u32;
	s8 =	smul.u32 $0x50000, s6  }
0x6: {  	[smem:$0x7FF] =	sst s4;
	s2 =	sshll.u32 s6, $0x4;
	s9 =	smul.u32 $0x5000, s0  }
0x7: {  	s28 =	smul.u32 $0x14000, s0;
	s6 =	ssub.s32 $0x2, s6;
	s2 =	sor.u32 s0, s2  }
0x8: {  	s31 =	sshll.u32 s0, $0x6;
	s29 =	sshrl.u32 s6, $0x1;
	s5 =	smul.u32 $0x180, s2  }
0x9: {  	s2 =	rddreg [dreg:$0x3];
	_ =	strace $0x80000047;
	s8 =	sadd.s32 s9, s8  }
0xa: {  	s30 =	sshrl.u32 s28, $0x2;
	s12 =	ssub.s32 s6, s29;
	s6 =	sor.u32 $0x1C02, s31  }
0xb: {  	s8 =	sshrl.u32 s8, $0x3;
	s13 =	sadd.s32 s30, s3;
	s10 =	sadd.s32 s5, s7  }
0xc: {  	s5 =	sadd.s32 $0x9400, s7;
	s11 =	sadd.s32 s8, s7;
	s7 =	sadd.s32 $0x3400, s10  }
0xd: {  	s8 =	sadd.s32 $0x6400, s10;
	s9 =	sadd.s32 $0x9E00, s11;
	s10 =	smax.u32 s12, $0x1  }
0xe: {  	s11 =	sshrl.u32 s13, $0x3;
	s12 =	simm.s32 $0x2;
	s13 =	simm.s32 $0xC00  }
.LBB2_1:
0xf: {  	[spmem:s11], [sflag:s6] =	dma.local [hbm:s5], $0xA00  }
0x10: {  	_ =	swait.ge [sflag:s12], $0xA00  }
0x11: {  	[sflag:s12] =	ssyncset.done $0x0  }
0x12: {  	[sflag:s12] =	ssyncadd.s32 $0xFFFFF600  }
0x13: {  	[tilespmem:s4], [sflag:$0x2] =	stream.linear.gather [hbm4b:s7+s4], $0xA00, $0x38;
	[tilespmem:$0xA800] =	vst v63  }
0x14: {  	_ =	swait.ge [sflag:s12], $0xA00  }
0x15: {  	[sflag:s12] =	ssyncset.done $0x0  }
0x16: {  	[sflag:s12] =	ssyncadd.s32 $0xFFFFF600  }
0x17: {  	[tilespmem:s13], [sflag:$0x2] =	stream.linear.gather [hbm4b:s8+s4], $0xA00, $0x38;
	[tilespmem:$0xA800] =	vst v63  }
0x18: {  	_ =	swait.ge [sflag:s12], $0xA00  }
0x19: {  	[sflag:s12] =	ssyncset.done $0x0  }
0x1a: {  	[sflag:s12] =	ssyncadd.s32 $0xFFFFF600  }
0x1b: {  	s18 =	simm.s32 $0x0;
	[bflag:$0x0] =	sbarrier.arrive $0xFFFF  }
0x1c: {  	[tilespmem:s15], [sflag:$0x1] =	stream.indirect.gather [hbm4b:s1+s14], $0x80, s18, s14, $0xb8;
	[tilespmem:$0xA800] =	vst v63  }
0x1d: {  	_ =	swait.ge [sflag:s16], $0x4000  }
0x1e: {  	[sflag:s16] =	ssyncset.done $0x0  }
0x1f: {  	s31 =	simm.s32 $0xC00;
	[sflag:s16] =	ssyncadd.s32 $0xFFFFC000  }
0x20: {  	[spmem:s3] =	stream.indirect.scatter.add.f32 [tilespmem:s15], [sflag:$0x2], $0x80, s31, s14, $0xb8;
	[tilespmem:$0xA800] =	vst v63  }
0x21: {  	_ =	swait.ge [sflag:s12], $0x4000  }
0x22: {  	s19 =	simm.s32 $0x400;
	s18 =	simm.s32 $0x200;
	[sflag:s12] =	ssyncset.done $0x0  }
.LBB2_2:
0x23: {  	s20 =	sshra.s32 s18, $0x2  }
0x24: {  	[sflag:s12] =	ssyncadd.s32 $0xFFFFC000;
	s18 =	smov.u32 s19;
	s21 =	sadd.s32 $0x200, s19  }
0x25: {  	[tilespmem:s15], [sflag:$0x1] =	stream.indirect.gather [hbm4b:s1+s14], $0x80, s20, s14, $0xb8;
	[tilespmem:$0xA800] =	vst v63  }
0x26: {  	p0 =	sne.s32 s19, $0x2600;
	_ =	swait.ge [sflag:s16], $0x4000  }
.Ltmp0:
0x27: {  	[sflag:s16] =	ssyncset.done $0x0;
	(pc) =	sbr.rel @p0 .LBB2_2-.Ltmp0, $4  }
0x28: {  	s19 =	sadd.s32 $0xC00, s20;
	[sflag:s16] =	ssyncadd.s32 $0xFFFFC000  }
0x29: {  	[spmem:s3] =	stream.indirect.scatter.add.f32 [tilespmem:s15], [sflag:$0x2], $0x80, s19, s14, $0xb8;
	[tilespmem:$0xA800] =	vst v63  }
0x2a: {  	_ =	swait.ge [sflag:s12], $0x4000  }
0x2b: {  	s19 =	smov.u32 s21;
	[sflag:s12] =	ssyncset.done $0x0  }
0x2c: {  	s18 =	sshra.s32 s18, $0x2;
	[sflag:s12] =	ssyncadd.s32 $0xFFFFC000  }
0x2d: {  	[tilespmem:s15], [sflag:$0x1] =	stream.indirect.gather [hbm4b:s1+s14], $0x80, s18, s14, $0xb8;
	[tilespmem:$0xA800] =	vst v63  }
0x2e: {  	_ =	swait.ge [sflag:s16], $0x4000  }
0x2f: {  	[sflag:s16] =	ssyncset.done $0x0  }
0x30: {  	s18 =	sadd.s32 $0xC00, s18;
	[sflag:s16] =	ssyncadd.s32 $0xFFFFC000  }
0x31: {  	[spmem:s3] =	stream.indirect.scatter.add.f32 [tilespmem:s15], [sflag:$0x2], $0x80, s18, s14, $0xb8;
	[tilespmem:$0xA800] =	vst v63  }
0x32: {  	_ =	swait.ge [sflag:s12], $0x4000  }
0x33: {  	s17 =	sadd.s32 $0x1, s17;
	[sflag:s12] =	ssyncset.done $0x0  }
0x34: {  	p0 =	sne.s32 s17, s10;
	[sflag:s12] =	ssyncadd.s32 $0xFFFFC000  }
.Ltmp1:
0x35: {  	[bflag:$0x0] =	sbarrier.arrive $0xFFFF;
	(pc) =	sbr.rel @p0 .LBB2_1-.Ltmp1, $4  }
0x36: {  	[hbm:s9], [sflag:s6] =	dma.local [spmem:s11], $0xA00  }
0x37: {  	_ =	swait.ge [sflag:s12], $0xA00  }
0x38: {  	[sflag:s12] =	ssyncset.done $0x0  }
0x39: {  	[sflag:s12] =	ssyncadd.s32 $0xFFFFF600  }
0x3a: {  	_ =	sfence.sel $0x180000  }
0x3b: {  	[bflag:$0x0] =	sbarrier.arrive $0xFFFF  }
0x3c: {  	p0 =	sne.s32 s0, $0x0;
	_ =	strace $0x90000047  }
0x3d: {  	s0 =	sadd.s32 @!p0 $0x100000, s2;
	[bflag:$0x2] =	sbarrier.arrive $0xFFFF  }
0x3e: {  	[sflag:s0] =	ssyncadd.tile.s32 @!p0 $0x1;
	_ =	shalt  }
.Lfunc_end2:
_tile_overlayer_lowered:
.L_overlay_start_2:
0x3f: {  	(tag) =	ssettag $0x2  }
0x40: {  	s0 =	rddreg [dreg:$0x0];
	s2 =	stileid.u32  }
0x41: {  	s1 =	rddreg [dreg:$0x1];
	p0 =	sne.s32 s2, $0x0  }
0x42: {  	s3 =	rddreg [dreg:$0x2];
	[bflag:$0x3] =	sbarrier.arrive $0xFFFF;
	s2 =	simm.s32 @!p0 $0x1C02  }
0x43: {  	[timem:s3], [sflag:s2] =	dma.local @!p0 [hbm:s0], s1  }
0x44: {  	s0 =	simm.s32 @!p0 $0x2  }
0x45: {  	_ =	swait.ge @!p0 [sflag:s0], s1  }
0x46: {  	s1 =	ssub.s32 @!p0 $0x0, s1;
	[sflag:s0] =	ssyncset.done @!p0 $0x0  }
0x47: {  	[sflag:s0] =	ssyncadd.s32 @!p0 s1  }
0x48: {  	[bflag:$0x3] =	sbarrier.arrive $0xFFFF  }
0x49: {  	_ =	shalt  }

// kernel: kernel.23.cloned.1.call-start
scs
__scs_entry_jumppad:
0x0: {  	(pc) =	sbr.rel $0x88, $3  }
0x1: {  	(tag) =	ssettag $0x0;
	lr =	simm.s32 $0x1  }
0x2: {  	[smem:$0x3F98] =	sst lr;
	_ =	strace $0xD0000000  }
0x3: {  	_ = 	snop  }
0x4: {  	_ = 	snop  }
0x5: {  	_ = 	snop  }
0x6: {  	_ = 	snop  }
0x7: {  	_ = 	snop  }
__scs_overlays_trampoline_lowered:
0x8: {  	[smem:$0x3FA7] =	sst s0  }
0x9: {  	[smem:$0x3FA8] =	sst s1  }
0xa: {  	[smem:$0x3FA9] =	sst s2  }
0xb: {  	[smem:$0x3FAA] =	sst s3  }
0xc: {  	[smem:$0x3FAB] =	sst s4  }
0xd: {  	[smem:$0x3FAC] =	sst s5  }
0xe: {  	[smem:$0x3FAD] =	sst s6  }
0xf: {  	[smem:$0x3FAE] =	sst s7  }
0x10: {  	[smem:$0x3FAF] =	sst s8  }
0x11: {  	[smem:$0x3FB0] =	sst s9;
	s0 =	simm.s32 @!p0 $0x0  }
0x12: {  	s1 =	sld [smem:$0x3F96];
	s0 =	simm.s32 @p0 $0x1  }
0x13: {  	[smem:$0x3FB1] =	sst s0;
	s0 =	simm.s32 @!p1 $0x0  }
0x14: {  	s2 =	sld [smem:$0x3F95];
	s0 =	simm.s32 @p1 $0x1  }
0x15: {  	[smem:$0x3FB2] =	sst s0;
	s0 =	simm.s32 @!p2 $0x0  }
0x16: {  	s3 =	sld [smem:$0x3FDB];
	s0 =	simm.s32 @p2 $0x1  }
0x17: {  	s4 =	simm.s32 $0x1BF5;
	[smem:$0x3FB4] =	sst s0  }
0x18: {  	s0 =	sld [smem:$0x3F97];
	_ =	swait.ge [sflag:s4], $0x0  }
0x19: {  	s7 =	sld [smem:$0x3F98]  }
0x1a: {  	s8 =	sadd.s32 $0xFFFFE003, lr  }
0x1b: {  	s9 =	sadd.s32 $0xFFFFFEF7, lr;
	s5 =	simm.s32 $0xFFFFFFFF;
	p2 =	slt.u32 s8, $0xFFFFF086  }
0x1c: {  	p1 =	slt.u32 s9, $0xF7A;
	s5 =	simm.s32 @!p2 $0x0  }
0x1d: {  	s5 =	simm.s32 @p1 $0x1;
	p0 =	seq.s32 s7, s2  }
0x1e: {  	s7 =	smul.u32 @!p0 $0xF7A, s2;
	p2 =	seq.s32 @!p0 s5, $0x0  }
0x1f: {  	s9 =	smul.u32 $0xF7A, s1;
	s8 =	simm.s32 @!p0 $0x1BF5;
	p2 =	por !p2, p0  }
0x20: {  	[sflag:s8] =	ssyncset.s32 @!p0 $0xFFFFF086;
	s6 =	sadd.s32 @!p0 s3, s7;
	s7 =	simm.s32 @!p0 $0x108  }
0x21: {  	s3 =	sadd.s32 s3, s9;
	s6 =	sadd.s32 @!p0 $0x88, s6;
	s7 =	simm.s32 @p2 $0x1082  }
0x22: {  	[simem:s7], [sflag:s8] =	dma.local @!p0 [hbm:s6], $0xF7A  }
0x23: {  	s9 =	sor.u32 $0xD0000000, s2;
	s6 =	simm.s32 $0x108;
	_ =	swait.ge @!p0 [sflag:s8], $0x0  }
0x24: {  	s3 =	sadd.s32 $0x88, s3;
	s6 =	simm.s32 @!p1 $0x1082;
	[sflag:s4] =	ssyncset.s32 $0xFFFFF086  }
0x25: {  	[simem:s6], [sflag:s4] =	dma.local [hbm:s3], $0xF7A  }
0x26: {  	[smem:$0x3F98] =	sst s1;
	(tag) =	ssettag s2;
	_ =	strace s9  }
0x27: {  	s1 =	sld [smem:$0x3FA8]  }
0x28: {  	s2 =	sld [smem:$0x3FA9]  }
0x29: {  	s4 =	sld [smem:$0x3FAB]  }
0x2a: {  	p0 =	seq.s32 s5, $0x0;
	s5 =	sld [smem:$0x3FAC]  }
0x2b: {  	s6 =	sld [smem:$0x3FAD]  }
0x2c: {  	s7 =	sld [smem:$0x3FAE]  }
0x2d: {  	s3 =	simm.s32 $0x108;
	s8 =	sld [smem:$0x3FAF]  }
0x2e: {  	s3 =	simm.s32 @!p0 $0x1082;
	s9 =	sld [smem:$0x3FB0]  }
0x2f: {  	lr =	sadd.s32 s0, s3;
	s0 =	sld [smem:$0x3FA7]  }
0x30: {  	s3 =	sld [smem:$0x3FAA]  }
0x31: {  	[smem:$0x3FB3] =	sst s10  }
0x32: {  	s10 =	sld [smem:$0x3FB1];
	_ =	sdelay $0x3  }
0x33: {  	p0 =	seq.s32 s10, $0x1;
	s10 =	sld [smem:$0x3FB3];
	_ =	sdelay $0x3  }
0x34: {  	[smem:$0x3FB3] =	sst s10  }
0x35: {  	s10 =	sld [smem:$0x3FB2];
	_ =	sdelay $0x3  }
0x36: {  	p1 =	seq.s32 s10, $0x1;
	s10 =	sld [smem:$0x3FB3];
	_ =	sdelay $0x3  }
0x37: {  	[smem:$0x3FB3] =	sst s10  }
0x38: {  	s10 =	sld [smem:$0x3FB4]  }
0x39: {  	_ = 	snop;
	(pc) =	sbr.ind lr, $3  }
0x3a: {  	_ = 	snop  }
0x3b: {  	_ = 	snop  }
0x3c: {  	p2 =	seq.s32 s10, $0x1;
	s10 =	sld [smem:$0x3FB3]  }
0x3d: {  	_ =	shalt  }
0x3e: {  	_ =	shalt  }
0x3f: {  	_ =	shalt  }
0x40: {  	_ =	shalt  }
0x41: {  	_ =	shalt  }
0x42: {  	_ =	shalt  }
0x43: {  	_ =	shalt  }
0x44: {  	_ =	shalt  }
0x45: {  	_ =	shalt  }
0x46: {  	_ =	shalt  }
0x47: {  	_ =	shalt  }
0x48: {  	_ =	shalt  }
0x49: {  	_ =	shalt  }
0x4a: {  	_ =	shalt  }
0x4b: {  	_ =	shalt  }
0x4c: {  	_ =	shalt  }
0x4d: {  	_ =	shalt  }
0x4e: {  	_ =	shalt  }
0x4f: {  	_ =	shalt  }
0x50: {  	_ =	shalt  }
0x51: {  	_ =	shalt  }
0x52: {  	_ =	shalt  }
0x53: {  	_ =	shalt  }
0x54: {  	_ =	shalt  }
0x55: {  	_ =	shalt  }
0x56: {  	_ =	shalt  }
0x57: {  	_ =	shalt  }
0x58: {  	_ =	shalt  }
0x59: {  	_ =	shalt  }
0x5a: {  	_ =	shalt  }
0x5b: {  	_ =	shalt  }
0x5c: {  	_ =	shalt  }
0x5d: {  	_ =	shalt  }
0x5e: {  	_ =	shalt  }
0x5f: {  	_ =	shalt  }
0x60: {  	_ =	shalt  }
0x61: {  	_ =	shalt  }
0x62: {  	_ =	shalt  }
0x63: {  	_ =	shalt  }
0x64: {  	_ =	shalt  }
0x65: {  	_ =	shalt  }
0x66: {  	_ =	shalt  }
0x67: {  	_ =	shalt  }
0x68: {  	_ =	shalt  }
0x69: {  	_ =	shalt  }
0x6a: {  	_ =	shalt  }
0x6b: {  	_ =	shalt  }
0x6c: {  	_ =	shalt  }
0x6d: {  	_ =	shalt  }
0x6e: {  	_ =	shalt  }
0x6f: {  	_ =	shalt  }
0x70: {  	_ =	shalt  }
0x71: {  	_ =	shalt  }
0x72: {  	_ =	shalt  }
0x73: {  	_ =	shalt  }
0x74: {  	_ =	shalt  }
0x75: {  	_ =	shalt  }
0x76: {  	_ =	shalt  }
0x77: {  	_ =	shalt  }
0x78: {  	_ =	shalt  }
0x79: {  	_ =	shalt  }
0x7a: {  	_ =	shalt  }
0x7b: {  	_ =	shalt  }
0x7c: {  	_ =	shalt  }
0x7d: {  	_ =	shalt  }
0x7e: {  	_ =	shalt  }
0x7f: {  	_ =	shalt  }
0x80: {  	_ =	shalt  }
0x81: {  	_ =	shalt  }
0x82: {  	_ =	shalt  }
0x83: {  	_ =	shalt  }
0x84: {  	_ =	shalt  }
0x85: {  	_ =	shalt  }
0x86: {  	_ =	shalt  }
0x87: {  	_ =	shalt  }
.Lfunc_end0:
.L_simem_size_0:
called_computation.2_lowered:
.L_overlay_start_0:
0x88: {  	s2 =	sld [smem:$0x3FD9]  }
0x89: {  	s3 =	sld [smem:$0x3FFE];
	_ =	sdelay $0x1  }
0x8a: {  	s1 =	srdreg.scid  }
0x8b: {  	s0 =	sand.u32 $0x1, s1  }
0x8c: {  	s15 =	sshll.u32 s0, $0xA;
	s2 =	sadd.s32 s3, s2  }
0x8d: {  	s2 =	sadd.s32 s2, s15  }
0x8e: {  	[smem:$0x3FBF] =	sst s2  }
0x8f: {  	_ = 	snop  }
0x90: {  	s2 =	sld [smem:$0x3FD0];
	_ =	sdelay $0x2  }
0x91: {  	s16 =	simm.s32 $0xC;
	s4 =	simm.s32 $0x10  }
0x92: {  	[smem:s4], [sflag:s16] =	dma.local [hbm:s2], $0x1  }
0x93: {  	_ =	swait.eq [sflag:s16], $0x1  }
0x94: {  	[sflag:s16] =	ssyncset.done $0x0  }
0x95: {  	[sflag:s16] =	ssyncadd.s32 $0xFFFFFFFF  }
0x96: {  	s17 =	sld [smem:$0x11];
	(tm) =	ssettm $0x1  }
0x97: {  	s18 =	sld [smem:$0x3FFB];
	_ =	sdelay $0x3  }
0x98: {  	_ =	strace s18  }
0x99: {  	s2 =	sld [smem:$0x3FFC];
	_ =	sdelay $0x3  }
0x9a: {  	_ =	strace s2  }
0x9b: {  	s2 =	sld [smem:$0x3FFD];
	_ =	sdelay $0x3  }
0x9c: {  	_ =	strace s2  }
0x9d: {  	_ =	strace $0x8FFFFFFF  }
0x9e: {  	s19 =	sld [smem:$0x3FDB];
	_ =	sdelay $0x1  }
0x9f: {  	s20 =	simm.s32 $_scs_section_size  }
0xa0: {  	s5 =	simm.s32 $_size__tile_overlayer_lowered;
	s6 =	simm.s32 $_tile_overlayer_lowered  }
0xa1: {  	s7 =	simm.s32 $0x1BFF;
	s21 =	sshll.u32 s6, $0x1;
	s4 =	sadd.s32 s20, s19  }
0xa2: {  	s22 =	simm.s32 $0x0;
	s5 =	sshll.u32 s5, $0x1;
	s6 =	sadd.s32 s21, s4  }
0xa3: {  	[timem:s22], [sflag:s7] =	dma.local [hbm:s6], s5  }
0xa4: {  	_ =	swait.ge [sflag:s7], s5  }
0xa5: {  	s5 =	ssub.s32 $0x0, s5;
	[sflag:s7] =	ssyncset.done $0x0  }
0xa6: {  	[sflag:s7] =	ssyncadd.s32 s5;
	_ =	sdelay $0x1  }
0xa7: {  	s23 =	simm.s32 $0x1B8B  }
0xa8: {  	_ =	swait.ge [sflag:s23], $0x1  }
0xa9: {  	[sflag:s23] =	ssyncset.done $0x0  }
0xaa: {  	[sflag:s23] =	ssyncadd.s32 $0xFFFFFFFF  }
0xab: {  	s5 =	sld [smem:$0x0]  }
0xac: {  	s6 =	sand.u32 $0xFFFFFFFE, s1  }
0xad: {  	p0 =	sne.s32 s1, s6  }
0xae: {  	s6 =	sshll.u32 @p0 s6, $0xE  }
0xaf: {  	s6 =	sadd.s32 @p0 $0x11B8D, s6;
	s7 =	sshll.u32 @p0 s5, $0x11  }
0xb0: {  	s6 =	sor.u32 @p0 s7, s6  }
0xb1: {  	[sflag:s6] =	ssyncadd.remote.s32 @p0 $0x1;
	_ =	sdelay $0x1  }
0xb2: {  	s6 =	simm.s32 @p0 $0x1B8D  }
0xb3: {  	_ =	swait.eq @p0 [sflag:s6], $0x1  }
0xb4: {  	[sflag:s6] =	ssyncadd.s32 @p0 $0xFFFFFFFF  }
0xb5: {  	s7 =	sshll.u32 @!p0 s1, $0xE  }
0xb6: {  	s7 =	sor.u32 @!p0 $0x4000, s7;
	s6 =	simm.s32 @!p0 $0x1B8D  }
0xb7: {  	s5 =	sshll.u32 @!p0 s5, $0x11;
	s7 =	sadd.s32 @!p0 $0x11B8D, s7;
	_ =	swait.eq @!p0 [sflag:s6], $0x1  }
0xb8: {  	s5 =	sor.u32 @!p0 s5, s7;
	[sflag:s6] =	ssyncadd.s32 @!p0 $0xFFFFFFFF  }
0xb9: {  	s25 =	simm.s32 $0x1B8E;
	s24 =	sld [smem:$0x3FFE];
	[sflag:s5] =	ssyncadd.remote.s32 @!p0 $0x1  }
0xba: {  	s26 =	simm.s32 $execute0_lowered;
	[smem:$0x3FD2] =	sst s25  }
0xbb: {  	s6 =	sshll.u32 s26, $0x1;
	_ =	strace $0x8000004C;
	[dreg:$0x1] =	wrdreg $0xFFFFFFFF  }
0xbc: {  	s28 =	simm.s32 $_size_execute0_lowered;
	s4 =	sadd.s32 s4, s6;
	[dreg:$0x0] =	wrdreg $0x0  }
0xbd: {  	s6 =	sshll.u32 s28, $0x1;
	[dreg:$0x2] =	wrdreg s4  }
0xbe: {  	[dreg:$0x3] =	wrdreg s6  }
0xbf: {  	[dreg:$0x4] =	wrdreg $0xC0  }
0xc0: {  	_ =	task [dreg:s22], $0x5FFFF  }
0xc1: {  	[dreg:$0x1] =	wrdreg $0xFFFFFFFF  }
0xc2: {  	[dreg:$0x0] =	wrdreg $0x60  }
0xc3: {  	[dreg:$0x2] =	wrdreg s17  }
0xc4: {  	[dreg:$0x3] =	wrdreg s24  }
0xc5: {  	[dreg:$0x4] =	wrdreg $0x41000  }
0xc6: {  	[dreg:$0x5] =	wrdreg $0xB  }
0xc7: {  	_ =	task.clear_ibuf [dreg:s22], $0x6FFFF;
	_ =	strace $0x9000004C  }
0xc8: {  	s29 =	simm.s32 $0xB;
	_ =	strace $0x8000004E  }
0xc9: {  	_ =	swait.ge [sflag:s29], $0x1  }
0xca: {  	[sflag:s29] =	ssyncadd.s32 $0xFFFFFFFF  }
0xcb: {  	_ =	strace $0x9000004E  }
0xcc: {  	_ =	sfence  }
0xcd: {  	s30 =	sld [smem:$0x0];
	_ =	sdelay $0x2  }
0xce: {  	s31 =	sshll.u32 s1, $0xD;
	s1 =	sshrl.u32 s1, $0x2  }
0xcf: {  	s4 =	sand.u32 $0x4000, s31;
	s1 =	sadd.s32 s1, s30  }
0xd0: {  	s0 =	sor.u32 s4, s0;
	s1 =	sshll.u32 s1, $0x11  }
0xd1: {  	s0 =	sor.u32 s1, s0  }
0xd2: {  	s0 =	sadd.s32 $0x8F2B, s0  }
0xd3: {  	[sflag:s0] =	ssyncadd.remote.s32 $0x1  }
0xd4: {  	_ =	sfence.sel $0xFFFF  }
0xd5: {  	[dreg:$0x0] =	wrdreg $0xFFFFFFFF;
	(pc) =	sbr.abs _section_cstart, $3  }
0xd6: {  	[dreg:$0x1] =	wrdreg $0xFFFFFFFF  }
0xd7: {  	_ =	task.clear_ibuf [dreg:s22], $0x2FFFF;
	_ =	strace $0x9FFFFFFF  }
0xd8: {  	(tm) =	ssettm $0x7FFFFFFF  }
0xd9: {  	_ =	shalt  }
tec
execute0_lowered:
.L_overlay_start_1:
0x0: {  	(tag) =	ssettag $0x1  }
0x1: {  	s1 =	rddreg [dreg:$0x0]  }
0x2: {  	s14 =	rddreg [dreg:$0x1]  }
0x3: {  	s3 =	rddreg [dreg:$0x2]  }
0x4: {  	s0 =	rddreg [dreg:$0x3];
	s2 =	stileid.u32  }
0x5: {  	s4 =	simm.s32 $0x0;
	s5 =	srdreg.scid;
	s6 =	smul.u32 $0x4F000, s2  }
0x6: {  	[smem:$0x7FF] =	sst s4;
	s15 =	sand.u32 $0x1, s5;
	s10 =	sshll.u32 s2, $0x4  }
0x7: {  	s5 =	sadd.s32 $0x31E00, s14;
	s30 =	sshll.u32 s2, $0x6;
	s6 =	sshrl.u32 s6, $0x2  }
0x8: {  	_ =	strace $0x8000004D;
	s9 =	sshll.u32 s15, $0x8;
	s7 =	sadd.s32 s6, s3  }
0x9: {  	s6 =	sor.u32 $0x1C02, s30;
	s8 =	sshrl.u32 s7, $0x3;
	s7 =	simm.s32 $0x2  }
0xa: {  	[spmem:s8], [sflag:s6] =	dma.local [hbm:s5], $0x2780  }
0xb: {  	s9 =	sor.u32 s10, s9;
	_ =	swait.ge [sflag:s7], $0x2780  }
0xc: {  	s10 =	sadd.s32 s9, s14;
	[sflag:s7] =	ssyncset.done $0x0  }
0xd: {  	s9 =	sadd.s32 $0x9E00, s10;
	[sflag:s7] =	ssyncadd.s32 $0xFFFFD880  }
0xe: {  	[tilespmem:s4], [sflag:$0x2] =	stream.linear.gather [hbm4b:s9+s4], $0x80, $0x38;
	[tilespmem:$0x17D00] =	vst v63  }
0xf: {  	_ =	swait.ge [sflag:s7], $0x80  }
0x10: {  	[sflag:s7] =	ssyncset.done $0x0  }
0x11: {  	s11 =	simm.s32 $0x80;
	s10 =	sadd.s32 $0x83600, s10;
	[sflag:s7] =	ssyncadd.s32 $0xFFFFFF80  }
0x12: {  	[tilespmem:s11], [sflag:$0x2] =	stream.linear.gather [hbm4b:s10+s4], $0x80, $0x38;
	[tilespmem:$0x17D00] =	vst v63  }
0x13: {  	_ =	swait.ge [sflag:s7], $0x80  }
0x14: {  	[sflag:s7] =	ssyncset.done $0x0  }
0x15: {  	[sflag:s7] =	ssyncadd.s32 $0xFFFFFF80  }
0x16: {  	s12 =	simm.s32 $0x100;
	s13 =	simm.s32 $0x1;
	[bflag:$0x0] =	sbarrier.arrive $0xFFFF  }
0x17: {  	[tilespmem:s12], [sflag:$0x1] =	stream.indirect.gather [hbm4b:s1+s11], $0x80, s4, s11, $0xb8;
	[tilespmem:$0x17D00] =	vst v63  }
0x18: {  	s16 =	smul.u32 $0x13C000, s15;
	s15 =	ssub.s32 $0x2, s15;
	_ =	swait.ge [sflag:s13], $0x4000  }
0x19: {  	s31 =	sshrl.u32 s15, $0x1;
	[sflag:s13] =	ssyncset.done $0x0  }
0x1a: {  	s17 =	smul.u32 $0x13C00, s2;
	s15 =	ssub.s32 s15, s31;
	[sflag:s13] =	ssyncadd.s32 $0xFFFFC000  }
0x1b: {  	[spmem:s3] =	stream.indirect.scatter.add.f32 [tilespmem:s12], [sflag:$0x2], $0x80, s11, s11, $0xb8;
	[tilespmem:$0x17D00] =	vst v63  }
0x1c: {  	s16 =	sadd.s32 s17, s16;
	s15 =	smax.u32 s15, $0x1;
	_ =	swait.ge [sflag:s7], $0x4000  }
0x1d: {  	s16 =	sshrl.u32 s16, $0x3;
	p0 =	sne.s32 s15, $0x1;
	[sflag:s7] =	ssyncset.done $0x0  }
.Ltmp0:
0x1e: {  	s14 =	sadd.s32 s16, s14;
	[sflag:s7] =	ssyncadd.s32 $0xFFFFC000;
	(pc) =	sbr.rel @!p0 .LBB2_2-.Ltmp0, $4  }
0x1f: {  	s14 =	sadd.s32 $0x83800, s14;
	[bflag:$0x0] =	sbarrier.arrive $0xFFFF  }
0x20: {  	[hbm:s14], [sflag:s6] =	dma.local [spmem:s8], $0x2780  }
0x21: {  	_ =	swait.ge [sflag:s7], $0x2780  }
0x22: {  	s15 =	sadd.s32 $0xFFFFFFFF, s15;
	[sflag:s7] =	ssyncset.done $0x0  }
.LBB2_1:
0x23: {  	p0 =	sne.s32 s15, $0x1;
	s15 =	sadd.s32 $0xFFFFFFFF, s15;
	[sflag:s7] =	ssyncadd.s32 $0xFFFFD880  }
0x24: {  	[spmem:s8], [sflag:s6] =	dma.local [hbm:s5], $0x2780  }
0x25: {  	_ =	swait.ge [sflag:s7], $0x2780  }
0x26: {  	[sflag:s7] =	ssyncset.done $0x0  }
0x27: {  	[sflag:s7] =	ssyncadd.s32 $0xFFFFD880  }
0x28: {  	[tilespmem:s4], [sflag:$0x2] =	stream.linear.gather [hbm4b:s9+s4], $0x80, $0x38;
	[tilespmem:$0x17D00] =	vst v63  }
0x29: {  	_ =	swait.ge [sflag:s7], $0x80  }
0x2a: {  	[sflag:s7] =	ssyncset.done $0x0  }
0x2b: {  	[sflag:s7] =	ssyncadd.s32 $0xFFFFFF80  }
0x2c: {  	[tilespmem:s11], [sflag:$0x2] =	stream.linear.gather [hbm4b:s10+s4], $0x80, $0x38;
	[tilespmem:$0x17D00] =	vst v63  }
0x2d: {  	_ =	swait.ge [sflag:s7], $0x80  }
0x2e: {  	[sflag:s7] =	ssyncset.done $0x0  }
0x2f: {  	[sflag:s7] =	ssyncadd.s32 $0xFFFFFF80  }
0x30: {  	[bflag:$0x0] =	sbarrier.arrive $0xFFFF  }
0x31: {  	[tilespmem:s12], [sflag:$0x1] =	stream.indirect.gather [hbm4b:s1+s11], $0x80, s4, s11, $0xb8;
	[tilespmem:$0x17D00] =	vst v63  }
0x32: {  	_ =	swait.ge [sflag:s13], $0x4000  }
0x33: {  	[sflag:s13] =	ssyncset.done $0x0  }
0x34: {  	[sflag:s13] =	ssyncadd.s32 $0xFFFFC000  }
0x35: {  	[spmem:s3] =	stream.indirect.scatter.add.f32 [tilespmem:s12], [sflag:$0x2], $0x80, s11, s11, $0xb8;
	[tilespmem:$0x17D00] =	vst v63  }
0x36: {  	_ =	swait.ge [sflag:s7], $0x4000  }
0x37: {  	[sflag:s7] =	ssyncset.done $0x0  }
.Ltmp1:
0x38: {  	[sflag:s7] =	ssyncadd.s32 $0xFFFFC000;
	(pc) =	sbr.rel @p0 .LBB2_1-.Ltmp1, $4  }
0x39: {  	[bflag:$0x0] =	sbarrier.arrive $0xFFFF  }
0x3a: {  	[hbm:s14], [sflag:s6] =	dma.local [spmem:s8], $0x2780  }
0x3b: {  	_ =	swait.ge [sflag:s7], $0x2780  }
0x3c: {  	[sflag:s7] =	ssyncset.done $0x0  }
.LBB2_2:
0x3d: {  	[sflag:s7] =	ssyncadd.s32 $0xFFFFD880  }
0x3e: {  	_ =	sfence.sel $0x180000  }
0x3f: {  	[bflag:$0x0] =	sbarrier.arrive $0xFFFF  }
0x40: {  	p0 =	sne.s32 s2, $0x0;
	_ =	strace $0x9000004D  }
0x41: {  	s0 =	sadd.s32 @!p0 $0x100000, s0;
	[bflag:$0x2] =	sbarrier.arrive $0xFFFF  }
0x42: {  	[sflag:s0] =	ssyncadd.tile.s32 @!p0 $0x1;
	_ =	shalt  }
.Lfunc_end2:
_tile_overlayer_lowered:
.L_overlay_start_2:
0x43: {  	(tag) =	ssettag $0x2  }
0x44: {  	s0 =	rddreg [dreg:$0x0];
	s2 =	stileid.u32  }
0x45: {  	s1 =	rddreg [dreg:$0x1];
	p0 =	sne.s32 s2, $0x0  }
0x46: {  	s3 =	rddreg [dreg:$0x2];
	[bflag:$0x3] =	sbarrier.arrive $0xFFFF;
	s2 =	simm.s32 @!p0 $0x1C02  }
0x47: {  	[timem:s3], [sflag:s2] =	dma.local @!p0 [hbm:s0], s1  }
0x48: {  	s0 =	simm.s32 @!p0 $0x2  }
0x49: {  	_ =	swait.ge @!p0 [sflag:s0], s1  }
0x4a: {  	s1 =	ssub.s32 @!p0 $0x0, s1;
	[sflag:s0] =	ssyncset.done @!p0 $0x0  }
0x4b: {  	[sflag:s0] =	ssyncadd.s32 @!p0 s1  }
0x4c: {  	[bflag:$0x3] =	sbarrier.arrive $0xFFFF  }
0x4d: {  	_ =	shalt  }

// kernel: kernel.26.cloned.1.call-start
scs
__scs_entry_jumppad:
0x0: {  	(pc) =	sbr.rel $0x88, $3  }
0x1: {  	(tag) =	ssettag $0x0;
	lr =	simm.s32 $0x1  }
0x2: {  	[smem:$0x3F98] =	sst lr;
	_ =	strace $0xD0000000  }
0x3: {  	_ = 	snop  }
0x4: {  	_ = 	snop  }
0x5: {  	_ = 	snop  }
0x6: {  	_ = 	snop  }
0x7: {  	_ = 	snop  }
__scs_overlays_trampoline_lowered:
0x8: {  	[smem:$0x3FA7] =	sst s0  }
0x9: {  	[smem:$0x3FA8] =	sst s1  }
0xa: {  	[smem:$0x3FA9] =	sst s2  }
0xb: {  	[smem:$0x3FAA] =	sst s3  }
0xc: {  	[smem:$0x3FAB] =	sst s4  }
0xd: {  	[smem:$0x3FAC] =	sst s5  }
0xe: {  	[smem:$0x3FAD] =	sst s6  }
0xf: {  	[smem:$0x3FAE] =	sst s7  }
0x10: {  	[smem:$0x3FAF] =	sst s8  }
0x11: {  	[smem:$0x3FB0] =	sst s9;
	s0 =	simm.s32 @!p0 $0x0  }
0x12: {  	s1 =	sld [smem:$0x3F96];
	s0 =	simm.s32 @p0 $0x1  }
0x13: {  	[smem:$0x3FB1] =	sst s0;
	s0 =	simm.s32 @!p1 $0x0  }
0x14: {  	s2 =	sld [smem:$0x3F95];
	s0 =	simm.s32 @p1 $0x1  }
0x15: {  	[smem:$0x3FB2] =	sst s0;
	s0 =	simm.s32 @!p2 $0x0  }
0x16: {  	s3 =	sld [smem:$0x3FDB];
	s0 =	simm.s32 @p2 $0x1  }
0x17: {  	s4 =	simm.s32 $0x1BF5;
	[smem:$0x3FB4] =	sst s0  }
0x18: {  	s0 =	sld [smem:$0x3F97];
	_ =	swait.ge [sflag:s4], $0x0  }
0x19: {  	s7 =	sld [smem:$0x3F98]  }
0x1a: {  	s8 =	sadd.s32 $0xFFFFE003, lr  }
0x1b: {  	s9 =	sadd.s32 $0xFFFFFEF7, lr;
	s5 =	simm.s32 $0xFFFFFFFF;
	p2 =	slt.u32 s8, $0xFFFFF086  }
0x1c: {  	p1 =	slt.u32 s9, $0xF7A;
	s5 =	simm.s32 @!p2 $0x0  }
0x1d: {  	s5 =	simm.s32 @p1 $0x1;
	p0 =	seq.s32 s7, s2  }
0x1e: {  	s7 =	smul.u32 @!p0 $0xF7A, s2;
	p2 =	seq.s32 @!p0 s5, $0x0  }
0x1f: {  	s9 =	smul.u32 $0xF7A, s1;
	s8 =	simm.s32 @!p0 $0x1BF5;
	p2 =	por !p2, p0  }
0x20: {  	[sflag:s8] =	ssyncset.s32 @!p0 $0xFFFFF086;
	s6 =	sadd.s32 @!p0 s3, s7;
	s7 =	simm.s32 @!p0 $0x108  }
0x21: {  	s3 =	sadd.s32 s3, s9;
	s6 =	sadd.s32 @!p0 $0x88, s6;
	s7 =	simm.s32 @p2 $0x1082  }
0x22: {  	[simem:s7], [sflag:s8] =	dma.local @!p0 [hbm:s6], $0xF7A  }
0x23: {  	s9 =	sor.u32 $0xD0000000, s2;
	s6 =	simm.s32 $0x108;
	_ =	swait.ge @!p0 [sflag:s8], $0x0  }
0x24: {  	s3 =	sadd.s32 $0x88, s3;
	s6 =	simm.s32 @!p1 $0x1082;
	[sflag:s4] =	ssyncset.s32 $0xFFFFF086  }
0x25: {  	[simem:s6], [sflag:s4] =	dma.local [hbm:s3], $0xF7A  }
0x26: {  	[smem:$0x3F98] =	sst s1;
	(tag) =	ssettag s2;
	_ =	strace s9  }
0x27: {  	s1 =	sld [smem:$0x3FA8]  }
0x28: {  	s2 =	sld [smem:$0x3FA9]  }
0x29: {  	s4 =	sld [smem:$0x3FAB]  }
0x2a: {  	p0 =	seq.s32 s5, $0x0;
	s5 =	sld [smem:$0x3FAC]  }
0x2b: {  	s6 =	sld [smem:$0x3FAD]  }
0x2c: {  	s7 =	sld [smem:$0x3FAE]  }
0x2d: {  	s3 =	simm.s32 $0x108;
	s8 =	sld [smem:$0x3FAF]  }
0x2e: {  	s3 =	simm.s32 @!p0 $0x1082;
	s9 =	sld [smem:$0x3FB0]  }
0x2f: {  	lr =	sadd.s32 s0, s3;
	s0 =	sld [smem:$0x3FA7]  }
0x30: {  	s3 =	sld [smem:$0x3FAA]  }
0x31: {  	[smem:$0x3FB3] =	sst s10  }
0x32: {  	s10 =	sld [smem:$0x3FB1];
	_ =	sdelay $0x3  }
0x33: {  	p0 =	seq.s32 s10, $0x1;
	s10 =	sld [smem:$0x3FB3];
	_ =	sdelay $0x3  }
0x34: {  	[smem:$0x3FB3] =	sst s10  }
0x35: {  	s10 =	sld [smem:$0x3FB2];
	_ =	sdelay $0x3  }
0x36: {  	p1 =	seq.s32 s10, $0x1;
	s10 =	sld [smem:$0x3FB3];
	_ =	sdelay $0x3  }
0x37: {  	[smem:$0x3FB3] =	sst s10  }
0x38: {  	s10 =	sld [smem:$0x3FB4]  }
0x39: {  	_ = 	snop;
	(pc) =	sbr.ind lr, $3  }
0x3a: {  	_ = 	snop  }
0x3b: {  	_ = 	snop  }
0x3c: {  	p2 =	seq.s32 s10, $0x1;
	s10 =	sld [smem:$0x3FB3]  }
0x3d: {  	_ =	shalt  }
0x3e: {  	_ =	shalt  }
0x3f: {  	_ =	shalt  }
0x40: {  	_ =	shalt  }
0x41: {  	_ =	shalt  }
0x42: {  	_ =	shalt  }
0x43: {  	_ =	shalt  }
0x44: {  	_ =	shalt  }
0x45: {  	_ =	shalt  }
0x46: {  	_ =	shalt  }
0x47: {  	_ =	shalt  }
0x48: {  	_ =	shalt  }
0x49: {  	_ =	shalt  }
0x4a: {  	_ =	shalt  }
0x4b: {  	_ =	shalt  }
0x4c: {  	_ =	shalt  }
0x4d: {  	_ =	shalt  }
0x4e: {  	_ =	shalt  }
0x4f: {  	_ =	shalt  }
0x50: {  	_ =	shalt  }
0x51: {  	_ =	shalt  }
0x52: {  	_ =	shalt  }
0x53: {  	_ =	shalt  }
0x54: {  	_ =	shalt  }
0x55: {  	_ =	shalt  }
0x56: {  	_ =	shalt  }
0x57: {  	_ =	shalt  }
0x58: {  	_ =	shalt  }
0x59: {  	_ =	shalt  }
0x5a: {  	_ =	shalt  }
0x5b: {  	_ =	shalt  }
0x5c: {  	_ =	shalt  }
0x5d: {  	_ =	shalt  }
0x5e: {  	_ =	shalt  }
0x5f: {  	_ =	shalt  }
0x60: {  	_ =	shalt  }
0x61: {  	_ =	shalt  }
0x62: {  	_ =	shalt  }
0x63: {  	_ =	shalt  }
0x64: {  	_ =	shalt  }
0x65: {  	_ =	shalt  }
0x66: {  	_ =	shalt  }
0x67: {  	_ =	shalt  }
0x68: {  	_ =	shalt  }
0x69: {  	_ =	shalt  }
0x6a: {  	_ =	shalt  }
0x6b: {  	_ =	shalt  }
0x6c: {  	_ =	shalt  }
0x6d: {  	_ =	shalt  }
0x6e: {  	_ =	shalt  }
0x6f: {  	_ =	shalt  }
0x70: {  	_ =	shalt  }
0x71: {  	_ =	shalt  }
0x72: {  	_ =	shalt  }
0x73: {  	_ =	shalt  }
0x74: {  	_ =	shalt  }
0x75: {  	_ =	shalt  }
0x76: {  	_ =	shalt  }
0x77: {  	_ =	shalt  }
0x78: {  	_ =	shalt  }
0x79: {  	_ =	shalt  }
0x7a: {  	_ =	shalt  }
0x7b: {  	_ =	shalt  }
0x7c: {  	_ =	shalt  }
0x7d: {  	_ =	shalt  }
0x7e: {  	_ =	shalt  }
0x7f: {  	_ =	shalt  }
0x80: {  	_ =	shalt  }
0x81: {  	_ =	shalt  }
0x82: {  	_ =	shalt  }
0x83: {  	_ =	shalt  }
0x84: {  	_ =	shalt  }
0x85: {  	_ =	shalt  }
0x86: {  	_ =	shalt  }
0x87: {  	_ =	shalt  }
.Lfunc_end0:
.L_simem_size_0:
called_computation.3_lowered:
.L_overlay_start_0:
0x88: {  	s2 =	sld [smem:$0x3FD9]  }
0x89: {  	s3 =	sld [smem:$0x3FFE];
	_ =	sdelay $0x1  }
0x8a: {  	s1 =	srdreg.scid  }
0x8b: {  	s0 =	sand.u32 $0x1, s1  }
0x8c: {  	s15 =	sshll.u32 s0, $0xA;
	s2 =	sadd.s32 s3, s2  }
0x8d: {  	s2 =	sadd.s32 s2, s15  }
0x8e: {  	[smem:$0x3FBF] =	sst s2  }
0x8f: {  	_ = 	snop  }
0x90: {  	s2 =	sld [smem:$0x3FD0];
	_ =	sdelay $0x2  }
0x91: {  	s16 =	simm.s32 $0xC;
	s4 =	simm.s32 $0x10  }
0x92: {  	[smem:s4], [sflag:s16] =	dma.local [hbm:s2], $0x1  }
0x93: {  	_ =	swait.eq [sflag:s16], $0x1  }
0x94: {  	[sflag:s16] =	ssyncset.done $0x0  }
0x95: {  	[sflag:s16] =	ssyncadd.s32 $0xFFFFFFFF  }
0x96: {  	s17 =	sld [smem:$0x10];
	(tm) =	ssettm $0x1  }
0x97: {  	s18 =	sld [smem:$0x3FFB];
	_ =	sdelay $0x3  }
0x98: {  	_ =	strace s18  }
0x99: {  	s2 =	sld [smem:$0x3FFC];
	_ =	sdelay $0x3  }
0x9a: {  	_ =	strace s2  }
0x9b: {  	s2 =	sld [smem:$0x3FFD];
	_ =	sdelay $0x3  }
0x9c: {  	_ =	strace s2  }
0x9d: {  	_ =	strace $0x8FFFFFFF  }
0x9e: {  	s19 =	sld [smem:$0x3FDB];
	_ =	sdelay $0x1  }
0x9f: {  	s20 =	simm.s32 $_scs_section_size  }
0xa0: {  	s5 =	simm.s32 $_size__tile_overlayer_lowered;
	s6 =	simm.s32 $_tile_overlayer_lowered  }
0xa1: {  	s7 =	simm.s32 $0x1BFF;
	s21 =	sshll.u32 s6, $0x1;
	s4 =	sadd.s32 s20, s19  }
0xa2: {  	s22 =	simm.s32 $0x0;
	s5 =	sshll.u32 s5, $0x1;
	s6 =	sadd.s32 s21, s4  }
0xa3: {  	[timem:s22], [sflag:s7] =	dma.local [hbm:s6], s5  }
0xa4: {  	_ =	swait.ge [sflag:s7], s5  }
0xa5: {  	s5 =	ssub.s32 $0x0, s5;
	[sflag:s7] =	ssyncset.done $0x0  }
0xa6: {  	[sflag:s7] =	ssyncadd.s32 s5;
	_ =	sdelay $0x1  }
0xa7: {  	s23 =	simm.s32 $0x1B8B  }
0xa8: {  	_ =	swait.ge [sflag:s23], $0x1  }
0xa9: {  	[sflag:s23] =	ssyncset.done $0x0  }
0xaa: {  	[sflag:s23] =	ssyncadd.s32 $0xFFFFFFFF  }
0xab: {  	s5 =	sld [smem:$0x0]  }
0xac: {  	s6 =	sand.u32 $0xFFFFFFFE, s1  }
0xad: {  	p0 =	sne.s32 s1, s6  }
0xae: {  	s6 =	sshll.u32 @p0 s6, $0xE  }
0xaf: {  	s6 =	sadd.s32 @p0 $0x11B8D, s6;
	s7 =	sshll.u32 @p0 s5, $0x11  }
0xb0: {  	s6 =	sor.u32 @p0 s7, s6  }
0xb1: {  	[sflag:s6] =	ssyncadd.remote.s32 @p0 $0x1;
	_ =	sdelay $0x1  }
0xb2: {  	s6 =	simm.s32 @p0 $0x1B8D  }
0xb3: {  	_ =	swait.eq @p0 [sflag:s6], $0x1  }
0xb4: {  	[sflag:s6] =	ssyncadd.s32 @p0 $0xFFFFFFFF  }
0xb5: {  	s7 =	sshll.u32 @!p0 s1, $0xE  }
0xb6: {  	s7 =	sor.u32 @!p0 $0x4000, s7;
	s6 =	simm.s32 @!p0 $0x1B8D  }
0xb7: {  	s5 =	sshll.u32 @!p0 s5, $0x11;
	s7 =	sadd.s32 @!p0 $0x11B8D, s7;
	_ =	swait.eq @!p0 [sflag:s6], $0x1  }
0xb8: {  	s5 =	sor.u32 @!p0 s5, s7;
	[sflag:s6] =	ssyncadd.s32 @!p0 $0xFFFFFFFF  }
0xb9: {  	s25 =	simm.s32 $0x1B8E;
	s24 =	sld [smem:$0x3FFE];
	[sflag:s5] =	ssyncadd.remote.s32 @!p0 $0x1  }
0xba: {  	s26 =	simm.s32 $execute0_lowered;
	[smem:$0x3FD2] =	sst s25  }
0xbb: {  	s6 =	sshll.u32 s26, $0x1;
	_ =	strace $0x80000052;
	[dreg:$0x1] =	wrdreg $0xFFFFFFFF  }
0xbc: {  	s28 =	simm.s32 $_size_execute0_lowered;
	s4 =	sadd.s32 s4, s6;
	[dreg:$0x0] =	wrdreg $0x0  }
0xbd: {  	s6 =	sshll.u32 s28, $0x1;
	[dreg:$0x2] =	wrdreg s4  }
0xbe: {  	[dreg:$0x3] =	wrdreg s6  }
0xbf: {  	[dreg:$0x4] =	wrdreg $0xC0  }
0xc0: {  	_ =	task [dreg:s22], $0x5FFFF  }
0xc1: {  	[dreg:$0x1] =	wrdreg $0xFFFFFFFF  }
0xc2: {  	[dreg:$0x0] =	wrdreg $0x60  }
0xc3: {  	[dreg:$0x2] =	wrdreg s17  }
0xc4: {  	[dreg:$0x3] =	wrdreg s24  }
0xc5: {  	[dreg:$0x4] =	wrdreg $0x90000  }
0xc6: {  	[dreg:$0x5] =	wrdreg $0x9  }
0xc7: {  	_ =	task.clear_ibuf [dreg:s22], $0x6FFFF;
	_ =	strace $0x90000052  }
0xc8: {  	s29 =	simm.s32 $0x9;
	_ =	strace $0x80000054  }
0xc9: {  	_ =	swait.ge [sflag:s29], $0x1  }
0xca: {  	[sflag:s29] =	ssyncadd.s32 $0xFFFFFFFF  }
0xcb: {  	_ =	strace $0x90000054  }
0xcc: {  	_ =	sfence  }
0xcd: {  	s30 =	sld [smem:$0x0];
	_ =	sdelay $0x2  }
0xce: {  	s31 =	sshll.u32 s1, $0xD;
	s1 =	sshrl.u32 s1, $0x2  }
0xcf: {  	s4 =	sand.u32 $0x4000, s31;
	s1 =	sadd.s32 s1, s30  }
0xd0: {  	s0 =	sor.u32 s4, s0;
	s1 =	sshll.u32 s1, $0x11  }
0xd1: {  	s0 =	sor.u32 s1, s0  }
0xd2: {  	s0 =	sadd.s32 $0x8F2B, s0  }
0xd3: {  	[sflag:s0] =	ssyncadd.remote.s32 $0x1  }
0xd4: {  	_ =	sfence.sel $0xFFFF  }
0xd5: {  	[dreg:$0x0] =	wrdreg $0xFFFFFFFF;
	(pc) =	sbr.abs _section_cstart, $3  }
0xd6: {  	[dreg:$0x1] =	wrdreg $0xFFFFFFFF  }
0xd7: {  	_ =	task.clear_ibuf [dreg:s22], $0x2FFFF;
	_ =	strace $0x9FFFFFFF  }
0xd8: {  	(tm) =	ssettm $0x7FFFFFFF  }
0xd9: {  	_ =	shalt  }
tec
execute0_lowered:
.L_overlay_start_1:
0x0: {  	(tag) =	ssettag $0x1  }
0x1: {  	s1 =	rddreg [dreg:$0x0]  }
0x2: {  	s0 =	srdreg.scid;
	s7 =	rddreg [dreg:$0x1]  }
0x3: {  	s3 =	rddreg [dreg:$0x2];
	s4 =	simm.s32 $0x0;
	s14 =	simm.s32 $0x80  }
0x4: {  	s15 =	simm.s32 $0x5000;
	s16 =	simm.s32 $0x1;
	s6 =	sand.u32 $0x1, s0  }
0x5: {  	s17 =	simm.s32 $0x0;
	s0 =	stileid.u32;
	s8 =	smul.u32 $0x13C000, s6  }
0x6: {  	[smem:$0x7FF] =	sst s4;
	s2 =	sshll.u32 s6, $0x4;
	s9 =	smul.u32 $0x13C00, s0  }
0x7: {  	s28 =	smul.u32 $0x4F000, s0;
	s6 =	ssub.s32 $0x2, s6;
	s2 =	sor.u32 s0, s2  }
0x8: {  	s31 =	sshll.u32 s0, $0x6;
	s29 =	sshrl.u32 s6, $0x1;
	s5 =	smul.u32 $0x500, s2  }
0x9: {  	s2 =	rddreg [dreg:$0x3];
	_ =	strace $0x80000053;
	s8 =	sadd.s32 s9, s8  }
0xa: {  	s30 =	sshrl.u32 s28, $0x2;
	s12 =	ssub.s32 s6, s29;
	s6 =	sor.u32 $0x1C02, s31  }
0xb: {  	s8 =	sshrl.u32 s8, $0x3;
	s13 =	sadd.s32 s30, s3;
	s10 =	sadd.s32 s5, s7  }
0xc: {  	s5 =	sadd.s32 $0x31E00, s7;
	s11 =	sadd.s32 s8, s7;
	s7 =	sadd.s32 $0x1DE00, s10  }
0xd: {  	s8 =	sadd.s32 $0x27E00, s10;
	s9 =	sadd.s32 $0x34600, s11;
	s10 =	smax.u32 s12, $0x1  }
0xe: {  	s11 =	sshrl.u32 s13, $0x3;
	s12 =	simm.s32 $0x2;
	s13 =	simm.s32 $0x2800  }
.LBB2_1:
0xf: {  	[spmem:s11], [sflag:s6] =	dma.local [hbm:s5], $0x2780  }
0x10: {  	_ =	swait.ge [sflag:s12], $0x2780  }
0x11: {  	[sflag:s12] =	ssyncset.done $0x0  }
0x12: {  	[sflag:s12] =	ssyncadd.s32 $0xFFFFD880  }
0x13: {  	[tilespmem:s4], [sflag:$0x2] =	stream.linear.gather [hbm4b:s7+s4], $0x2780, $0x38;
	[tilespmem:$0x1CC00] =	vst v63  }
0x14: {  	_ =	swait.ge [sflag:s12], $0x2780  }
0x15: {  	[sflag:s12] =	ssyncset.done $0x0  }
0x16: {  	[sflag:s12] =	ssyncadd.s32 $0xFFFFD880  }
0x17: {  	[tilespmem:s13], [sflag:$0x2] =	stream.linear.gather [hbm4b:s8+s4], $0x2780, $0x38;
	[tilespmem:$0x1CC00] =	vst v63  }
0x18: {  	_ =	swait.ge [sflag:s12], $0x2780  }
0x19: {  	[sflag:s12] =	ssyncset.done $0x0  }
0x1a: {  	[sflag:s12] =	ssyncadd.s32 $0xFFFFD880  }
0x1b: {  	s18 =	simm.s32 $0x0;
	[bflag:$0x0] =	sbarrier.arrive $0xFFFF  }
0x1c: {  	[tilespmem:s15], [sflag:$0x1] =	stream.indirect.gather [hbm4b:s1+s14], $0x80, s18, s14, $0xb8;
	[tilespmem:$0x1CC00] =	vst v63  }
0x1d: {  	_ =	swait.ge [sflag:s16], $0x4000  }
0x1e: {  	[sflag:s16] =	ssyncset.done $0x0  }
0x1f: {  	s31 =	simm.s32 $0x2800;
	[sflag:s16] =	ssyncadd.s32 $0xFFFFC000  }
0x20: {  	[spmem:s3] =	stream.indirect.scatter.add.f32 [tilespmem:s15], [sflag:$0x2], $0x80, s31, s14, $0xb8;
	[tilespmem:$0x1CC00] =	vst v63  }
0x21: {  	_ =	swait.ge [sflag:s12], $0x4000  }
0x22: {  	s19 =	simm.s32 $0x400;
	s18 =	simm.s32 $0x200;
	[sflag:s12] =	ssyncset.done $0x0  }
.LBB2_2:
0x23: {  	s20 =	sshra.s32 s18, $0x2  }
0x24: {  	[sflag:s12] =	ssyncadd.s32 $0xFFFFC000;
	s18 =	smov.u32 s19;
	s21 =	sadd.s32 $0x200, s19  }
0x25: {  	[tilespmem:s15], [sflag:$0x1] =	stream.indirect.gather [hbm4b:s1+s14], $0x80, s20, s14, $0xb8;
	[tilespmem:$0x1CC00] =	vst v63  }
0x26: {  	p0 =	sne.s32 s19, $0x9C00;
	_ =	swait.ge [sflag:s16], $0x4000  }
.Ltmp0:
0x27: {  	[sflag:s16] =	ssyncset.done $0x0;
	(pc) =	sbr.rel @p0 .LBB2_2-.Ltmp0, $4  }
0x28: {  	s19 =	sadd.s32 $0x2800, s20;
	[sflag:s16] =	ssyncadd.s32 $0xFFFFC000  }
0x29: {  	[spmem:s3] =	stream.indirect.scatter.add.f32 [tilespmem:s15], [sflag:$0x2], $0x80, s19, s14, $0xb8;
	[tilespmem:$0x1CC00] =	vst v63  }
0x2a: {  	_ =	swait.ge [sflag:s12], $0x4000  }
0x2b: {  	s19 =	smov.u32 s21;
	[sflag:s12] =	ssyncset.done $0x0  }
0x2c: {  	s18 =	sshra.s32 s18, $0x2;
	[sflag:s12] =	ssyncadd.s32 $0xFFFFC000  }
0x2d: {  	[tilespmem:s15], [sflag:$0x1] =	stream.indirect.gather [hbm4b:s1+s14], $0x80, s18, s14, $0xb8;
	[tilespmem:$0x1CC00] =	vst v63  }
0x2e: {  	_ =	swait.ge [sflag:s16], $0x4000  }
0x2f: {  	[sflag:s16] =	ssyncset.done $0x0  }
0x30: {  	s18 =	sadd.s32 $0x2800, s18;
	[sflag:s16] =	ssyncadd.s32 $0xFFFFC000  }
0x31: {  	[spmem:s3] =	stream.indirect.scatter.add.f32 [tilespmem:s15], [sflag:$0x2], $0x80, s18, s14, $0xb8;
	[tilespmem:$0x1CC00] =	vst v63  }
0x32: {  	_ =	swait.ge [sflag:s12], $0x4000  }
0x33: {  	s17 =	sadd.s32 $0x1, s17;
	[sflag:s12] =	ssyncset.done $0x0  }
0x34: {  	p0 =	sne.s32 s17, s10;
	[sflag:s12] =	ssyncadd.s32 $0xFFFFC000  }
.Ltmp1:
0x35: {  	[bflag:$0x0] =	sbarrier.arrive $0xFFFF;
	(pc) =	sbr.rel @p0 .LBB2_1-.Ltmp1, $4  }
0x36: {  	[hbm:s9], [sflag:s6] =	dma.local [spmem:s11], $0x2780  }
0x37: {  	_ =	swait.ge [sflag:s12], $0x2780  }
0x38: {  	[sflag:s12] =	ssyncset.done $0x0  }
0x39: {  	[sflag:s12] =	ssyncadd.s32 $0xFFFFD880  }
0x3a: {  	_ =	sfence.sel $0x180000  }
0x3b: {  	[bflag:$0x0] =	sbarrier.arrive $0xFFFF  }
0x3c: {  	p0 =	sne.s32 s0, $0x0;
	_ =	strace $0x90000053  }
0x3d: {  	s0 =	sadd.s32 @!p0 $0x100000, s2;
	[bflag:$0x2] =	sbarrier.arrive $0xFFFF  }
0x3e: {  	[sflag:s0] =	ssyncadd.tile.s32 @!p0 $0x1;
	_ =	shalt  }
.Lfunc_end2:
_tile_overlayer_lowered:
.L_overlay_start_2:
0x3f: {  	(tag) =	ssettag $0x2  }
0x40: {  	s0 =	rddreg [dreg:$0x0];
	s2 =	stileid.u32  }
0x41: {  	s1 =	rddreg [dreg:$0x1];
	p0 =	sne.s32 s2, $0x0  }
0x42: {  	s3 =	rddreg [dreg:$0x2];
	[bflag:$0x3] =	sbarrier.arrive $0xFFFF;
	s2 =	simm.s32 @!p0 $0x1C02  }
0x43: {  	[timem:s3], [sflag:s2] =	dma.local @!p0 [hbm:s0], s1  }
0x44: {  	s0 =	simm.s32 @!p0 $0x2  }
0x45: {  	_ =	swait.ge @!p0 [sflag:s0], s1  }
0x46: {  	s1 =	ssub.s32 @!p0 $0x0, s1;
	[sflag:s0] =	ssyncset.done @!p0 $0x0  }
0x47: {  	[sflag:s0] =	ssyncadd.s32 @!p0 s1  }
0x48: {  	[bflag:$0x3] =	sbarrier.arrive $0xFFFF  }
0x49: {  	_ =	shalt  }

// kernel: kernel.29.cloned.1.call-start
scs
__scs_entry_jumppad:
0x0: {  	(pc) =	sbr.rel $0x88, $3  }
0x1: {  	(tag) =	ssettag $0x0;
	lr =	simm.s32 $0x1  }
0x2: {  	[smem:$0x3F98] =	sst lr;
	_ =	strace $0xD0000000  }
0x3: {  	_ = 	snop  }
0x4: {  	_ = 	snop  }
0x5: {  	_ = 	snop  }
0x6: {  	_ = 	snop  }
0x7: {  	_ = 	snop  }
__scs_overlays_trampoline_lowered:
0x8: {  	[smem:$0x3FA7] =	sst s0  }
0x9: {  	[smem:$0x3FA8] =	sst s1  }
0xa: {  	[smem:$0x3FA9] =	sst s2  }
0xb: {  	[smem:$0x3FAA] =	sst s3  }
0xc: {  	[smem:$0x3FAB] =	sst s4  }
0xd: {  	[smem:$0x3FAC] =	sst s5  }
0xe: {  	[smem:$0x3FAD] =	sst s6  }
0xf: {  	[smem:$0x3FAE] =	sst s7  }
0x10: {  	[smem:$0x3FAF] =	sst s8  }
0x11: {  	[smem:$0x3FB0] =	sst s9;
	s0 =	simm.s32 @!p0 $0x0  }
0x12: {  	s1 =	sld [smem:$0x3F96];
	s0 =	simm.s32 @p0 $0x1  }
0x13: {  	[smem:$0x3FB1] =	sst s0;
	s0 =	simm.s32 @!p1 $0x0  }
0x14: {  	s2 =	sld [smem:$0x3F95];
	s0 =	simm.s32 @p1 $0x1  }
0x15: {  	[smem:$0x3FB2] =	sst s0;
	s0 =	simm.s32 @!p2 $0x0  }
0x16: {  	s3 =	sld [smem:$0x3FDB];
	s0 =	simm.s32 @p2 $0x1  }
0x17: {  	s4 =	simm.s32 $0x1BF5;
	[smem:$0x3FB4] =	sst s0  }
0x18: {  	s0 =	sld [smem:$0x3F97];
	_ =	swait.ge [sflag:s4], $0x0  }
0x19: {  	s7 =	sld [smem:$0x3F98]  }
0x1a: {  	s8 =	sadd.s32 $0xFFFFE003, lr  }
0x1b: {  	s9 =	sadd.s32 $0xFFFFFEF7, lr;
	s5 =	simm.s32 $0xFFFFFFFF;
	p2 =	slt.u32 s8, $0xFFFFF086  }
0x1c: {  	p1 =	slt.u32 s9, $0xF7A;
	s5 =	simm.s32 @!p2 $0x0  }
0x1d: {  	s5 =	simm.s32 @p1 $0x1;
	p0 =	seq.s32 s7, s2  }
0x1e: {  	s7 =	smul.u32 @!p0 $0xF7A, s2;
	p2 =	seq.s32 @!p0 s5, $0x0  }
0x1f: {  	s9 =	smul.u32 $0xF7A, s1;
	s8 =	simm.s32 @!p0 $0x1BF5;
	p2 =	por !p2, p0  }
0x20: {  	[sflag:s8] =	ssyncset.s32 @!p0 $0xFFFFF086;
	s6 =	sadd.s32 @!p0 s3, s7;
	s7 =	simm.s32 @!p0 $0x108  }
0x21: {  	s3 =	sadd.s32 s3, s9;
	s6 =	sadd.s32 @!p0 $0x88, s6;
	s7 =	simm.s32 @p2 $0x1082  }
0x22: {  	[simem:s7], [sflag:s8] =	dma.local @!p0 [hbm:s6], $0xF7A  }
0x23: {  	s9 =	sor.u32 $0xD0000000, s2;
	s6 =	simm.s32 $0x108;
	_ =	swait.ge @!p0 [sflag:s8], $0x0  }
0x24: {  	s3 =	sadd.s32 $0x88, s3;
	s6 =	simm.s32 @!p1 $0x1082;
	[sflag:s4] =	ssyncset.s32 $0xFFFFF086  }
0x25: {  	[simem:s6], [sflag:s4] =	dma.local [hbm:s3], $0xF7A  }
0x26: {  	[smem:$0x3F98] =	sst s1;
	(tag) =	ssettag s2;
	_ =	strace s9  }
0x27: {  	s1 =	sld [smem:$0x3FA8]  }
0x28: {  	s2 =	sld [smem:$0x3FA9]  }
0x29: {  	s4 =	sld [smem:$0x3FAB]  }
0x2a: {  	p0 =	seq.s32 s5, $0x0;
	s5 =	sld [smem:$0x3FAC]  }
0x2b: {  	s6 =	sld [smem:$0x3FAD]  }
0x2c: {  	s7 =	sld [smem:$0x3FAE]  }
0x2d: {  	s3 =	simm.s32 $0x108;
	s8 =	sld [smem:$0x3FAF]  }
0x2e: {  	s3 =	simm.s32 @!p0 $0x1082;
	s9 =	sld [smem:$0x3FB0]  }
0x2f: {  	lr =	sadd.s32 s0, s3;
	s0 =	sld [smem:$0x3FA7]  }
0x30: {  	s3 =	sld [smem:$0x3FAA]  }
0x31: {  	[smem:$0x3FB3] =	sst s10  }
0x32: {  	s10 =	sld [smem:$0x3FB1];
	_ =	sdelay $0x3  }
0x33: {  	p0 =	seq.s32 s10, $0x1;
	s10 =	sld [smem:$0x3FB3];
	_ =	sdelay $0x3  }
0x34: {  	[smem:$0x3FB3] =	sst s10  }
0x35: {  	s10 =	sld [smem:$0x3FB2];
	_ =	sdelay $0x3  }
0x36: {  	p1 =	seq.s32 s10, $0x1;
	s10 =	sld [smem:$0x3FB3];
	_ =	sdelay $0x3  }
0x37: {  	[smem:$0x3FB3] =	sst s10  }
0x38: {  	s10 =	sld [smem:$0x3FB4]  }
0x39: {  	_ = 	snop;
	(pc) =	sbr.ind lr, $3  }
0x3a: {  	_ = 	snop  }
0x3b: {  	_ = 	snop  }
0x3c: {  	p2 =	seq.s32 s10, $0x1;
	s10 =	sld [smem:$0x3FB3]  }
0x3d: {  	_ =	shalt  }
0x3e: {  	_ =	shalt  }
0x3f: {  	_ =	shalt  }
0x40: {  	_ =	shalt  }
0x41: {  	_ =	shalt  }
0x42: {  	_ =	shalt  }
0x43: {  	_ =	shalt  }
0x44: {  	_ =	shalt  }
0x45: {  	_ =	shalt  }
0x46: {  	_ =	shalt  }
0x47: {  	_ =	shalt  }
0x48: {  	_ =	shalt  }
0x49: {  	_ =	shalt  }
0x4a: {  	_ =	shalt  }
0x4b: {  	_ =	shalt  }
0x4c: {  	_ =	shalt  }
0x4d: {  	_ =	shalt  }
0x4e: {  	_ =	shalt  }
0x4f: {  	_ =	shalt  }
0x50: {  	_ =	shalt  }
0x51: {  	_ =	shalt  }
0x52: {  	_ =	shalt  }
0x53: {  	_ =	shalt  }
0x54: {  	_ =	shalt  }
0x55: {  	_ =	shalt  }
0x56: {  	_ =	shalt  }
0x57: {  	_ =	shalt  }
0x58: {  	_ =	shalt  }
0x59: {  	_ =	shalt  }
0x5a: {  	_ =	shalt  }
0x5b: {  	_ =	shalt  }
0x5c: {  	_ =	shalt  }
0x5d: {  	_ =	shalt  }
0x5e: {  	_ =	shalt  }
0x5f: {  	_ =	shalt  }
0x60: {  	_ =	shalt  }
0x61: {  	_ =	shalt  }
0x62: {  	_ =	shalt  }
0x63: {  	_ =	shalt  }
0x64: {  	_ =	shalt  }
0x65: {  	_ =	shalt  }
0x66: {  	_ =	shalt  }
0x67: {  	_ =	shalt  }
0x68: {  	_ =	shalt  }
0x69: {  	_ =	shalt  }
0x6a: {  	_ =	shalt  }
0x6b: {  	_ =	shalt  }
0x6c: {  	_ =	shalt  }
0x6d: {  	_ =	shalt  }
0x6e: {  	_ =	shalt  }
0x6f: {  	_ =	shalt  }
0x70: {  	_ =	shalt  }
0x71: {  	_ =	shalt  }
0x72: {  	_ =	shalt  }
0x73: {  	_ =	shalt  }
0x74: {  	_ =	shalt  }
0x75: {  	_ =	shalt  }
0x76: {  	_ =	shalt  }
0x77: {  	_ =	shalt  }
0x78: {  	_ =	shalt  }
0x79: {  	_ =	shalt  }
0x7a: {  	_ =	shalt  }
0x7b: {  	_ =	shalt  }
0x7c: {  	_ =	shalt  }
0x7d: {  	_ =	shalt  }
0x7e: {  	_ =	shalt  }
0x7f: {  	_ =	shalt  }
0x80: {  	_ =	shalt  }
0x81: {  	_ =	shalt  }
0x82: {  	_ =	shalt  }
0x83: {  	_ =	shalt  }
0x84: {  	_ =	shalt  }
0x85: {  	_ =	shalt  }
0x86: {  	_ =	shalt  }
0x87: {  	_ =	shalt  }
.Lfunc_end0:
.L_simem_size_0:
called_computation.4_lowered:
.L_overlay_start_0:
0x88: {  	s2 =	sld [smem:$0x3FD9]  }
0x89: {  	s3 =	sld [smem:$0x3FFE];
	_ =	sdelay $0x1  }
0x8a: {  	s1 =	srdreg.scid  }
0x8b: {  	s0 =	sand.u32 $0x1, s1  }
0x8c: {  	s17 =	sshll.u32 s0, $0xA;
	s2 =	sadd.s32 s3, s2  }
0x8d: {  	s2 =	sadd.s32 s2, s17  }
0x8e: {  	[smem:$0x3FBF] =	sst s2  }
0x8f: {  	_ = 	snop  }
0x90: {  	(tm) =	ssettm $0x1  }
0x91: {  	s18 =	sld [smem:$0x3FFB];
	_ =	sdelay $0x3  }
0x92: {  	_ =	strace s18  }
0x93: {  	s2 =	sld [smem:$0x3FFC];
	_ =	sdelay $0x3  }
0x94: {  	_ =	strace s2  }
0x95: {  	s2 =	sld [smem:$0x3FFD];
	_ =	sdelay $0x3  }
0x96: {  	_ =	strace s2  }
0x97: {  	_ =	strace $0x8FFFFFFF  }
0x98: {  	s19 =	sld [smem:$0x3FDB];
	_ =	sdelay $0x1  }
0x99: {  	s20 =	simm.s32 $_scs_section_size  }
0x9a: {  	s4 =	simm.s32 $_size__tile_overlayer_lowered;
	s5 =	simm.s32 $_tile_overlayer_lowered  }
0x9b: {  	s6 =	simm.s32 $0x1BFF;
	s21 =	sshll.u32 s5, $0x1;
	s3 =	sadd.s32 s20, s19  }
0x9c: {  	s22 =	simm.s32 $0x0;
	s4 =	sshll.u32 s4, $0x1;
	s5 =	sadd.s32 s21, s3  }
0x9d: {  	[timem:s22], [sflag:s6] =	dma.local [hbm:s5], s4  }
0x9e: {  	_ =	swait.ge [sflag:s6], s4  }
0x9f: {  	s4 =	ssub.s32 $0x0, s4;
	[sflag:s6] =	ssyncset.done $0x0  }
0xa0: {  	[sflag:s6] =	ssyncadd.s32 s4;
	_ =	sdelay $0x1  }
0xa1: {  	s23 =	simm.s32 $0x1B8B  }
0xa2: {  	_ =	swait.ge [sflag:s23], $0x1  }
0xa3: {  	[sflag:s23] =	ssyncset.done $0x0  }
0xa4: {  	[sflag:s23] =	ssyncadd.s32 $0xFFFFFFFF  }
0xa5: {  	s4 =	sld [smem:$0x0]  }
0xa6: {  	s5 =	sand.u32 $0xFFFFFFFE, s1  }
0xa7: {  	p0 =	sne.s32 s1, s5  }
0xa8: {  	s5 =	sshll.u32 @p0 s5, $0xE  }
0xa9: {  	s5 =	sadd.s32 @p0 $0x11B8D, s5;
	s6 =	sshll.u32 @p0 s4, $0x11  }
0xaa: {  	s5 =	sor.u32 @p0 s6, s5  }
0xab: {  	[sflag:s5] =	ssyncadd.remote.s32 @p0 $0x1;
	_ =	sdelay $0x1  }
0xac: {  	s5 =	simm.s32 @p0 $0x1B8D  }
0xad: {  	_ =	swait.eq @p0 [sflag:s5], $0x1  }
0xae: {  	[sflag:s5] =	ssyncadd.s32 @p0 $0xFFFFFFFF  }
0xaf: {  	s6 =	sshll.u32 @!p0 s1, $0xE  }
0xb0: {  	s6 =	sor.u32 @!p0 $0x4000, s6;
	s5 =	simm.s32 @!p0 $0x1B8D  }
0xb1: {  	s4 =	sshll.u32 @!p0 s4, $0x11;
	s6 =	sadd.s32 @!p0 $0x11B8D, s6;
	_ =	swait.eq @!p0 [sflag:s5], $0x1  }
0xb2: {  	s4 =	sor.u32 @!p0 s4, s6;
	[sflag:s5] =	ssyncadd.s32 @!p0 $0xFFFFFFFF  }
0xb3: {  	s25 =	simm.s32 $0x1B8E;
	s24 =	sld [smem:$0x3FFE];
	[sflag:s4] =	ssyncadd.remote.s32 @!p0 $0x1  }
0xb4: {  	s26 =	simm.s32 $execute0_lowered;
	[smem:$0x3FD2] =	sst s25  }
0xb5: {  	s5 =	sshll.u32 s26, $0x1;
	_ =	strace $0x8000004F;
	[dreg:$0x1] =	wrdreg $0xFFFFFFFF  }
0xb6: {  	s28 =	simm.s32 $_size_execute0_lowered;
	s3 =	sadd.s32 s3, s5;
	[dreg:$0x0] =	wrdreg $0x0  }
0xb7: {  	s5 =	sshll.u32 s28, $0x1;
	[dreg:$0x2] =	wrdreg s3  }
0xb8: {  	[dreg:$0x3] =	wrdreg s5  }
0xb9: {  	[dreg:$0x4] =	wrdreg $0xC0  }
0xba: {  	_ =	task [dreg:s22], $0x5FFFF  }
0xbb: {  	[dreg:$0x1] =	wrdreg $0xFFFFFFFF  }
0xbc: {  	[dreg:$0x0] =	wrdreg $0x60  }
0xbd: {  	[dreg:$0x2] =	wrdreg s24  }
0xbe: {  	[dreg:$0x3] =	wrdreg $0x58000  }
0xbf: {  	[dreg:$0x4] =	wrdreg $0xA  }
0xc0: {  	_ =	task.clear_ibuf [dreg:s22], $0x5FFFF;
	_ =	strace $0x9000004F  }
0xc1: {  	s29 =	simm.s32 $0xA;
	_ =	strace $0x80000051  }
0xc2: {  	_ =	swait.ge [sflag:s29], $0x1  }
0xc3: {  	[sflag:s29] =	ssyncadd.s32 $0xFFFFFFFF  }
0xc4: {  	_ =	strace $0x90000051  }
0xc5: {  	_ =	sfence  }
0xc6: {  	s30 =	sld [smem:$0x0];
	_ =	sdelay $0x2  }
0xc7: {  	s31 =	sshll.u32 s1, $0xD;
	s1 =	sshrl.u32 s1, $0x2  }
0xc8: {  	s4 =	sand.u32 $0x4000, s31;
	s1 =	sadd.s32 s1, s30  }
0xc9: {  	s0 =	sor.u32 s4, s0;
	s1 =	sshll.u32 s1, $0x11  }
0xca: {  	s0 =	sor.u32 s1, s0  }
0xcb: {  	s0 =	sadd.s32 $0x8F2B, s0  }
0xcc: {  	[sflag:s0] =	ssyncadd.remote.s32 $0x1  }
0xcd: {  	_ =	sfence.sel $0xFFFF  }
0xce: {  	[dreg:$0x0] =	wrdreg $0xFFFFFFFF;
	(pc) =	sbr.abs _section_cstart, $3  }
0xcf: {  	[dreg:$0x1] =	wrdreg $0xFFFFFFFF  }
0xd0: {  	_ =	task.clear_ibuf [dreg:s22], $0x2FFFF;
	_ =	strace $0x9FFFFFFF  }
0xd1: {  	(tm) =	ssettm $0x7FFFFFFF  }
tec
execute0_lowered:
.L_overlay_start_1:
0x0: {  	(tag) =	ssettag $0x1  }
0x1: {  	s7 =	rddreg [dreg:$0x0]  }
0x2: {  	s0 =	srdreg.scid;
	s2 =	rddreg [dreg:$0x1]  }
0x3: {  	s3 =	simm.s32 $0x0;
	s14 =	simm.s32 $0x80;
	s15 =	simm.s32 $0x1800  }
0x4: {  	s16 =	simm.s32 $0x1;
	s6 =	sand.u32 $0x1, s0;
	s0 =	stileid.u32  }
0x5: {  	s17 =	simm.s32 $0x0;
	[smem:$0x7FF] =	sst s3;
	s8 =	smul.u32 $0x50000, s6  }
0x6: {  	s4 =	sadd.s32 $0xA200, s7;
	s1 =	sshll.u32 s6, $0x4;
	s9 =	smul.u32 $0x5000, s0  }
0x7: {  	s28 =	smul.u32 $0x14000, s0;
	s6 =	ssub.s32 $0x2, s6;
	s1 =	sor.u32 s0, s1  }
0x8: {  	s31 =	sshll.u32 s0, $0x6;
	s29 =	sshrl.u32 s6, $0x1;
	s5 =	smul.u32 $0x180, s1  }
0x9: {  	s1 =	rddreg [dreg:$0x2];
	_ =	strace $0x80000050;
	s8 =	sadd.s32 s9, s8  }
0xa: {  	s30 =	sshrl.u32 s28, $0x2;
	s12 =	ssub.s32 s6, s29;
	s6 =	sor.u32 $0x1C02, s31  }
0xb: {  	s8 =	sshrl.u32 s8, $0x3;
	s13 =	sadd.s32 s30, s2;
	s10 =	sadd.s32 s5, s7  }
0xc: {  	s5 =	sadd.s32 $0x9400, s7;
	s11 =	sadd.s32 s8, s7;
	s7 =	sadd.s32 $0x3400, s10  }
0xd: {  	s8 =	sadd.s32 $0x6400, s10;
	s9 =	sadd.s32 $0xD2800, s11;
	s10 =	smax.u32 s12, $0x1  }
0xe: {  	s11 =	sshrl.u32 s13, $0x3;
	s12 =	simm.s32 $0x2;
	s13 =	simm.s32 $0xC00  }
.LBB2_1:
0xf: {  	[spmem:s11], [sflag:s6] =	dma.local [hbm:s5], $0xA00  }
0x10: {  	_ =	swait.ge [sflag:s12], $0xA00  }
0x11: {  	[sflag:s12] =	ssyncset.done $0x0  }
0x12: {  	[sflag:s12] =	ssyncadd.s32 $0xFFFFF600  }
0x13: {  	[tilespmem:s3], [sflag:$0x2] =	stream.linear.gather [hbm4b:s7+s3], $0xA00, $0x38;
	[tilespmem:$0xA800] =	vst v63  }
0x14: {  	_ =	swait.ge [sflag:s12], $0xA00  }
0x15: {  	[sflag:s12] =	ssyncset.done $0x0  }
0x16: {  	[sflag:s12] =	ssyncadd.s32 $0xFFFFF600  }
0x17: {  	[tilespmem:s13], [sflag:$0x2] =	stream.linear.gather [hbm4b:s8+s3], $0xA00, $0x38;
	[tilespmem:$0xA800] =	vst v63  }
0x18: {  	_ =	swait.ge [sflag:s12], $0xA00  }
0x19: {  	[sflag:s12] =	ssyncset.done $0x0  }
0x1a: {  	[sflag:s12] =	ssyncadd.s32 $0xFFFFF600  }
0x1b: {  	s18 =	simm.s32 $0x0;
	[bflag:$0x0] =	sbarrier.arrive $0xFFFF  }
0x1c: {  	[tilespmem:s15], [sflag:$0x1] =	stream.indirect.gather [hbm4b:s4+s14], $0x80, s18, s14, $0xb8;
	[tilespmem:$0xA800] =	vst v63  }
0x1d: {  	_ =	swait.ge [sflag:s16], $0x4000  }
0x1e: {  	[sflag:s16] =	ssyncset.done $0x0  }
0x1f: {  	s31 =	simm.s32 $0xC00;
	[sflag:s16] =	ssyncadd.s32 $0xFFFFC000  }
0x20: {  	[spmem:s2] =	stream.indirect.scatter.add.f32 [tilespmem:s15], [sflag:$0x2], $0x80, s31, s14, $0xb8;
	[tilespmem:$0xA800] =	vst v63  }
0x21: {  	_ =	swait.ge [sflag:s12], $0x4000  }
0x22: {  	s19 =	simm.s32 $0x400;
	s18 =	simm.s32 $0x200;
	[sflag:s12] =	ssyncset.done $0x0  }
.LBB2_2:
0x23: {  	s20 =	sshra.s32 s18, $0x2  }
0x24: {  	[sflag:s12] =	ssyncadd.s32 $0xFFFFC000;
	s18 =	smov.u32 s19;
	s21 =	sadd.s32 $0x200, s19  }
0x25: {  	[tilespmem:s15], [sflag:$0x1] =	stream.indirect.gather [hbm4b:s4+s14], $0x80, s20, s14, $0xb8;
	[tilespmem:$0xA800] =	vst v63  }
0x26: {  	p0 =	sne.s32 s19, $0x2600;
	_ =	swait.ge [sflag:s16], $0x4000  }
.Ltmp0:
0x27: {  	[sflag:s16] =	ssyncset.done $0x0;
	(pc) =	sbr.rel @p0 .LBB2_2-.Ltmp0, $4  }
0x28: {  	s19 =	sadd.s32 $0xC00, s20;
	[sflag:s16] =	ssyncadd.s32 $0xFFFFC000  }
0x29: {  	[spmem:s2] =	stream.indirect.scatter.add.f32 [tilespmem:s15], [sflag:$0x2], $0x80, s19, s14, $0xb8;
	[tilespmem:$0xA800] =	vst v63  }
0x2a: {  	_ =	swait.ge [sflag:s12], $0x4000  }
0x2b: {  	s19 =	smov.u32 s21;
	[sflag:s12] =	ssyncset.done $0x0  }
0x2c: {  	s18 =	sshra.s32 s18, $0x2;
	[sflag:s12] =	ssyncadd.s32 $0xFFFFC000  }
0x2d: {  	[tilespmem:s15], [sflag:$0x1] =	stream.indirect.gather [hbm4b:s4+s14], $0x80, s18, s14, $0xb8;
	[tilespmem:$0xA800] =	vst v63  }
0x2e: {  	_ =	swait.ge [sflag:s16], $0x4000  }
0x2f: {  	[sflag:s16] =	ssyncset.done $0x0  }
0x30: {  	s18 =	sadd.s32 $0xC00, s18;
	[sflag:s16] =	ssyncadd.s32 $0xFFFFC000  }
0x31: {  	[spmem:s2] =	stream.indirect.scatter.add.f32 [tilespmem:s15], [sflag:$0x2], $0x80, s18, s14, $0xb8;
	[tilespmem:$0xA800] =	vst v63  }
0x32: {  	_ =	swait.ge [sflag:s12], $0x4000  }
0x33: {  	s17 =	sadd.s32 $0x1, s17;
	[sflag:s12] =	ssyncset.done $0x0  }
0x34: {  	p0 =	sne.s32 s17, s10;
	[sflag:s12] =	ssyncadd.s32 $0xFFFFC000  }
.Ltmp1:
0x35: {  	[bflag:$0x0] =	sbarrier.arrive $0xFFFF;
	(pc) =	sbr.rel @p0 .LBB2_1-.Ltmp1, $4  }
0x36: {  	[hbm:s9], [sflag:s6] =	dma.local [spmem:s11], $0xA00  }
0x37: {  	_ =	swait.ge [sflag:s12], $0xA00  }
0x38: {  	[sflag:s12] =	ssyncset.done $0x0  }
0x39: {  	[sflag:s12] =	ssyncadd.s32 $0xFFFFF600  }
0x3a: {  	_ =	sfence.sel $0x180000  }
0x3b: {  	[bflag:$0x0] =	sbarrier.arrive $0xFFFF  }
0x3c: {  	p0 =	sne.s32 s0, $0x0;
	_ =	strace $0x90000050  }
0x3d: {  	s0 =	sadd.s32 @!p0 $0x100000, s1;
	[bflag:$0x2] =	sbarrier.arrive $0xFFFF  }
0x3e: {  	[sflag:s0] =	ssyncadd.tile.s32 @!p0 $0x1;
	_ =	shalt  }
.Lfunc_end2:
_tile_overlayer_lowered:
.L_overlay_start_2:
0x3f: {  	(tag) =	ssettag $0x2  }
0x40: {  	s0 =	rddreg [dreg:$0x0];
	s2 =	stileid.u32  }
0x41: {  	s1 =	rddreg [dreg:$0x1];
	p0 =	sne.s32 s2, $0x0  }
0x42: {  	s3 =	rddreg [dreg:$0x2];
	[bflag:$0x3] =	sbarrier.arrive $0xFFFF;
	s2 =	simm.s32 @!p0 $0x1C02  }
0x43: {  	[timem:s3], [sflag:s2] =	dma.local @!p0 [hbm:s0], s1  }
0x44: {  	s0 =	simm.s32 @!p0 $0x2  }
0x45: {  	_ =	swait.ge @!p0 [sflag:s0], s1  }
0x46: {  	s1 =	ssub.s32 @!p0 $0x0, s1;
	[sflag:s0] =	ssyncset.done @!p0 $0x0  }
0x47: {  	[sflag:s0] =	ssyncadd.s32 @!p0 s1  }
0x48: {  	[bflag:$0x3] =	sbarrier.arrive $0xFFFF  }
0x49: {  	_ =	shalt  }

// kernel: kernel.32.cloned.1.call-start
scs
__scs_entry_jumppad:
0x0: {  	(pc) =	sbr.rel $0x88, $3  }
0x1: {  	(tag) =	ssettag $0x0;
	lr =	simm.s32 $0x1  }
0x2: {  	[smem:$0x3F98] =	sst lr;
	_ =	strace $0xD0000000  }
0x3: {  	_ = 	snop  }
0x4: {  	_ = 	snop  }
0x5: {  	_ = 	snop  }
0x6: {  	_ = 	snop  }
0x7: {  	_ = 	snop  }
__scs_overlays_trampoline_lowered:
0x8: {  	[smem:$0x3FA7] =	sst s0  }
0x9: {  	[smem:$0x3FA8] =	sst s1  }
0xa: {  	[smem:$0x3FA9] =	sst s2  }
0xb: {  	[smem:$0x3FAA] =	sst s3  }
0xc: {  	[smem:$0x3FAB] =	sst s4  }
0xd: {  	[smem:$0x3FAC] =	sst s5  }
0xe: {  	[smem:$0x3FAD] =	sst s6  }
0xf: {  	[smem:$0x3FAE] =	sst s7  }
0x10: {  	[smem:$0x3FAF] =	sst s8  }
0x11: {  	[smem:$0x3FB0] =	sst s9;
	s0 =	simm.s32 @!p0 $0x0  }
0x12: {  	s1 =	sld [smem:$0x3F96];
	s0 =	simm.s32 @p0 $0x1  }
0x13: {  	[smem:$0x3FB1] =	sst s0;
	s0 =	simm.s32 @!p1 $0x0  }
0x14: {  	s2 =	sld [smem:$0x3F95];
	s0 =	simm.s32 @p1 $0x1  }
0x15: {  	[smem:$0x3FB2] =	sst s0;
	s0 =	simm.s32 @!p2 $0x0  }
0x16: {  	s3 =	sld [smem:$0x3FDB];
	s0 =	simm.s32 @p2 $0x1  }
0x17: {  	s4 =	simm.s32 $0x1BF5;
	[smem:$0x3FB4] =	sst s0  }
0x18: {  	s0 =	sld [smem:$0x3F97];
	_ =	swait.ge [sflag:s4], $0x0  }
0x19: {  	s7 =	sld [smem:$0x3F98]  }
0x1a: {  	s8 =	sadd.s32 $0xFFFFE003, lr  }
0x1b: {  	s9 =	sadd.s32 $0xFFFFFEF7, lr;
	s5 =	simm.s32 $0xFFFFFFFF;
	p2 =	slt.u32 s8, $0xFFFFF086  }
0x1c: {  	p1 =	slt.u32 s9, $0xF7A;
	s5 =	simm.s32 @!p2 $0x0  }
0x1d: {  	s5 =	simm.s32 @p1 $0x1;
	p0 =	seq.s32 s7, s2  }
0x1e: {  	s7 =	smul.u32 @!p0 $0xF7A, s2;
	p2 =	seq.s32 @!p0 s5, $0x0  }
0x1f: {  	s9 =	smul.u32 $0xF7A, s1;
	s8 =	simm.s32 @!p0 $0x1BF5;
	p2 =	por !p2, p0  }
0x20: {  	[sflag:s8] =	ssyncset.s32 @!p0 $0xFFFFF086;
	s6 =	sadd.s32 @!p0 s3, s7;
	s7 =	simm.s32 @!p0 $0x108  }
0x21: {  	s3 =	sadd.s32 s3, s9;
	s6 =	sadd.s32 @!p0 $0x88, s6;
	s7 =	simm.s32 @p2 $0x1082  }
0x22: {  	[simem:s7], [sflag:s8] =	dma.local @!p0 [hbm:s6], $0xF7A  }
0x23: {  	s9 =	sor.u32 $0xD0000000, s2;
	s6 =	simm.s32 $0x108;
	_ =	swait.ge @!p0 [sflag:s8], $0x0  }
0x24: {  	s3 =	sadd.s32 $0x88, s3;
	s6 =	simm.s32 @!p1 $0x1082;
	[sflag:s4] =	ssyncset.s32 $0xFFFFF086  }
0x25: {  	[simem:s6], [sflag:s4] =	dma.local [hbm:s3], $0xF7A  }
0x26: {  	[smem:$0x3F98] =	sst s1;
	(tag) =	ssettag s2;
	_ =	strace s9  }
0x27: {  	s1 =	sld [smem:$0x3FA8]  }
0x28: {  	s2 =	sld [smem:$0x3FA9]  }
0x29: {  	s4 =	sld [smem:$0x3FAB]  }
0x2a: {  	p0 =	seq.s32 s5, $0x0;
	s5 =	sld [smem:$0x3FAC]  }
0x2b: {  	s6 =	sld [smem:$0x3FAD]  }
0x2c: {  	s7 =	sld [smem:$0x3FAE]  }
0x2d: {  	s3 =	simm.s32 $0x108;
	s8 =	sld [smem:$0x3FAF]  }
0x2e: {  	s3 =	simm.s32 @!p0 $0x1082;
	s9 =	sld [smem:$0x3FB0]  }
0x2f: {  	lr =	sadd.s32 s0, s3;
	s0 =	sld [smem:$0x3FA7]  }
0x30: {  	s3 =	sld [smem:$0x3FAA]  }
0x31: {  	[smem:$0x3FB3] =	sst s10  }
0x32: {  	s10 =	sld [smem:$0x3FB1];
	_ =	sdelay $0x3  }
0x33: {  	p0 =	seq.s32 s10, $0x1;
	s10 =	sld [smem:$0x3FB3];
	_ =	sdelay $0x3  }
0x34: {  	[smem:$0x3FB3] =	sst s10  }
0x35: {  	s10 =	sld [smem:$0x3FB2];
	_ =	sdelay $0x3  }
0x36: {  	p1 =	seq.s32 s10, $0x1;
	s10 =	sld [smem:$0x3FB3];
	_ =	sdelay $0x3  }
0x37: {  	[smem:$0x3FB3] =	sst s10  }
0x38: {  	s10 =	sld [smem:$0x3FB4]  }
0x39: {  	_ = 	snop;
	(pc) =	sbr.ind lr, $3  }
0x3a: {  	_ = 	snop  }
0x3b: {  	_ = 	snop  }
0x3c: {  	p2 =	seq.s32 s10, $0x1;
	s10 =	sld [smem:$0x3FB3]  }
0x3d: {  	_ =	shalt  }
0x3e: {  	_ =	shalt  }
0x3f: {  	_ =	shalt  }
0x40: {  	_ =	shalt  }
0x41: {  	_ =	shalt  }
0x42: {  	_ =	shalt  }
0x43: {  	_ =	shalt  }
0x44: {  	_ =	shalt  }
0x45: {  	_ =	shalt  }
0x46: {  	_ =	shalt  }
0x47: {  	_ =	shalt  }
0x48: {  	_ =	shalt  }
0x49: {  	_ =	shalt  }
0x4a: {  	_ =	shalt  }
0x4b: {  	_ =	shalt  }
0x4c: {  	_ =	shalt  }
0x4d: {  	_ =	shalt  }
0x4e: {  	_ =	shalt  }
0x4f: {  	_ =	shalt  }
0x50: {  	_ =	shalt  }
0x51: {  	_ =	shalt  }
0x52: {  	_ =	shalt  }
0x53: {  	_ =	shalt  }
0x54: {  	_ =	shalt  }
0x55: {  	_ =	shalt  }
0x56: {  	_ =	shalt  }
0x57: {  	_ =	shalt  }
0x58: {  	_ =	shalt  }
0x59: {  	_ =	shalt  }
0x5a: {  	_ =	shalt  }
0x5b: {  	_ =	shalt  }
0x5c: {  	_ =	shalt  }
0x5d: {  	_ =	shalt  }
0x5e: {  	_ =	shalt  }
0x5f: {  	_ =	shalt  }
0x60: {  	_ =	shalt  }
0x61: {  	_ =	shalt  }
0x62: {  	_ =	shalt  }
0x63: {  	_ =	shalt  }
0x64: {  	_ =	shalt  }
0x65: {  	_ =	shalt  }
0x66: {  	_ =	shalt  }
0x67: {  	_ =	shalt  }
0x68: {  	_ =	shalt  }
0x69: {  	_ =	shalt  }
0x6a: {  	_ =	shalt  }
0x6b: {  	_ =	shalt  }
0x6c: {  	_ =	shalt  }
0x6d: {  	_ =	shalt  }
0x6e: {  	_ =	shalt  }
0x6f: {  	_ =	shalt  }
0x70: {  	_ =	shalt  }
0x71: {  	_ =	shalt  }
0x72: {  	_ =	shalt  }
0x73: {  	_ =	shalt  }
0x74: {  	_ =	shalt  }
0x75: {  	_ =	shalt  }
0x76: {  	_ =	shalt  }
0x77: {  	_ =	shalt  }
0x78: {  	_ =	shalt  }
0x79: {  	_ =	shalt  }
0x7a: {  	_ =	shalt  }
0x7b: {  	_ =	shalt  }
0x7c: {  	_ =	shalt  }
0x7d: {  	_ =	shalt  }
0x7e: {  	_ =	shalt  }
0x7f: {  	_ =	shalt  }
0x80: {  	_ =	shalt  }
0x81: {  	_ =	shalt  }
0x82: {  	_ =	shalt  }
0x83: {  	_ =	shalt  }
0x84: {  	_ =	shalt  }
0x85: {  	_ =	shalt  }
0x86: {  	_ =	shalt  }
0x87: {  	_ =	shalt  }
.Lfunc_end0:
.L_simem_size_0:
called_computation.5_lowered:
.L_overlay_start_0:
0x88: {  	s2 =	sld [smem:$0x3FD9]  }
0x89: {  	s3 =	sld [smem:$0x3FFE];
	_ =	sdelay $0x1  }
0x8a: {  	s1 =	srdreg.scid  }
0x8b: {  	s0 =	sand.u32 $0x1, s1  }
0x8c: {  	s17 =	sshll.u32 s0, $0xA;
	s2 =	sadd.s32 s3, s2  }
0x8d: {  	s2 =	sadd.s32 s2, s17  }
0x8e: {  	[smem:$0x3FBF] =	sst s2  }
0x8f: {  	_ = 	snop  }
0x90: {  	(tm) =	ssettm $0x1  }
0x91: {  	s18 =	sld [smem:$0x3FFB];
	_ =	sdelay $0x3  }
0x92: {  	_ =	strace s18  }
0x93: {  	s2 =	sld [smem:$0x3FFC];
	_ =	sdelay $0x3  }
0x94: {  	_ =	strace s2  }
0x95: {  	s2 =	sld [smem:$0x3FFD];
	_ =	sdelay $0x3  }
0x96: {  	_ =	strace s2  }
0x97: {  	_ =	strace $0x8FFFFFFF  }
0x98: {  	s19 =	sld [smem:$0x3FDB];
	_ =	sdelay $0x1  }
0x99: {  	s20 =	simm.s32 $_scs_section_size  }
0x9a: {  	s4 =	simm.s32 $_size__tile_overlayer_lowered;
	s5 =	simm.s32 $_tile_overlayer_lowered  }
0x9b: {  	s6 =	simm.s32 $0x1BFF;
	s21 =	sshll.u32 s5, $0x1;
	s3 =	sadd.s32 s20, s19  }
0x9c: {  	s22 =	simm.s32 $0x0;
	s4 =	sshll.u32 s4, $0x1;
	s5 =	sadd.s32 s21, s3  }
0x9d: {  	[timem:s22], [sflag:s6] =	dma.local [hbm:s5], s4  }
0x9e: {  	_ =	swait.ge [sflag:s6], s4  }
0x9f: {  	s4 =	ssub.s32 $0x0, s4;
	[sflag:s6] =	ssyncset.done $0x0  }
0xa0: {  	[sflag:s6] =	ssyncadd.s32 s4;
	_ =	sdelay $0x1  }
0xa1: {  	s23 =	simm.s32 $0x1B8B  }
0xa2: {  	_ =	swait.ge [sflag:s23], $0x1  }
0xa3: {  	[sflag:s23] =	ssyncset.done $0x0  }
0xa4: {  	[sflag:s23] =	ssyncadd.s32 $0xFFFFFFFF  }
0xa5: {  	s4 =	sld [smem:$0x0]  }
0xa6: {  	s5 =	sand.u32 $0xFFFFFFFE, s1  }
0xa7: {  	p0 =	sne.s32 s1, s5  }
0xa8: {  	s5 =	sshll.u32 @p0 s5, $0xE  }
0xa9: {  	s5 =	sadd.s32 @p0 $0x11B8D, s5;
	s6 =	sshll.u32 @p0 s4, $0x11  }
0xaa: {  	s5 =	sor.u32 @p0 s6, s5  }
0xab: {  	[sflag:s5] =	ssyncadd.remote.s32 @p0 $0x1;
	_ =	sdelay $0x1  }
0xac: {  	s5 =	simm.s32 @p0 $0x1B8D  }
0xad: {  	_ =	swait.eq @p0 [sflag:s5], $0x1  }
0xae: {  	[sflag:s5] =	ssyncadd.s32 @p0 $0xFFFFFFFF  }
0xaf: {  	s6 =	sshll.u32 @!p0 s1, $0xE  }
0xb0: {  	s6 =	sor.u32 @!p0 $0x4000, s6;
	s5 =	simm.s32 @!p0 $0x1B8D  }
0xb1: {  	s4 =	sshll.u32 @!p0 s4, $0x11;
	s6 =	sadd.s32 @!p0 $0x11B8D, s6;
	_ =	swait.eq @!p0 [sflag:s5], $0x1  }
0xb2: {  	s4 =	sor.u32 @!p0 s4, s6;
	[sflag:s5] =	ssyncadd.s32 @!p0 $0xFFFFFFFF  }
0xb3: {  	s25 =	simm.s32 $0x1B8E;
	s24 =	sld [smem:$0x3FFE];
	[sflag:s4] =	ssyncadd.remote.s32 @!p0 $0x1  }
0xb4: {  	s26 =	simm.s32 $execute0_lowered;
	[smem:$0x3FD2] =	sst s25  }
0xb5: {  	s5 =	sshll.u32 s26, $0x1;
	_ =	strace $0x80000055;
	[dreg:$0x1] =	wrdreg $0xFFFFFFFF  }
0xb6: {  	s28 =	simm.s32 $_size_execute0_lowered;
	s3 =	sadd.s32 s3, s5;
	[dreg:$0x0] =	wrdreg $0x0  }
0xb7: {  	s5 =	sshll.u32 s28, $0x1;
	[dreg:$0x2] =	wrdreg s3  }
0xb8: {  	[dreg:$0x3] =	wrdreg s5  }
0xb9: {  	[dreg:$0x4] =	wrdreg $0xC0  }
0xba: {  	_ =	task [dreg:s22], $0x5FFFF  }
0xbb: {  	[dreg:$0x1] =	wrdreg $0xFFFFFFFF  }
0xbc: {  	[dreg:$0x0] =	wrdreg $0x60  }
0xbd: {  	[dreg:$0x2] =	wrdreg s24  }
0xbe: {  	[dreg:$0x3] =	wrdreg $0x41000  }
0xbf: {  	[dreg:$0x4] =	wrdreg $0xA  }
0xc0: {  	_ =	task.clear_ibuf [dreg:s22], $0x5FFFF;
	_ =	strace $0x90000055  }
0xc1: {  	s29 =	simm.s32 $0xA;
	_ =	strace $0x80000057  }
0xc2: {  	_ =	swait.ge [sflag:s29], $0x1  }
0xc3: {  	[sflag:s29] =	ssyncadd.s32 $0xFFFFFFFF  }
0xc4: {  	_ =	strace $0x90000057  }
0xc5: {  	_ =	sfence  }
0xc6: {  	s30 =	sld [smem:$0x0];
	_ =	sdelay $0x2  }
0xc7: {  	s31 =	sshll.u32 s1, $0xD;
	s1 =	sshrl.u32 s1, $0x2  }
0xc8: {  	s4 =	sand.u32 $0x4000, s31;
	s1 =	sadd.s32 s1, s30  }
0xc9: {  	s0 =	sor.u32 s4, s0;
	s1 =	sshll.u32 s1, $0x11  }
0xca: {  	s0 =	sor.u32 s1, s0  }
0xcb: {  	s0 =	sadd.s32 $0x8F2B, s0  }
0xcc: {  	[sflag:s0] =	ssyncadd.remote.s32 $0x1  }
0xcd: {  	_ =	sfence.sel $0xFFFF  }
0xce: {  	[dreg:$0x0] =	wrdreg $0xFFFFFFFF;
	(pc) =	sbr.abs _section_cstart, $3  }
0xcf: {  	[dreg:$0x1] =	wrdreg $0xFFFFFFFF  }
0xd0: {  	_ =	task.clear_ibuf [dreg:s22], $0x2FFFF;
	_ =	strace $0x9FFFFFFF  }
0xd1: {  	(tm) =	ssettm $0x7FFFFFFF  }
tec
execute0_lowered:
.L_overlay_start_1:
0x0: {  	(tag) =	ssettag $0x1  }
0x1: {  	s14 =	rddreg [dreg:$0x0]  }
0x2: {  	s2 =	rddreg [dreg:$0x1]  }
0x3: {  	s0 =	rddreg [dreg:$0x2];
	s1 =	stileid.u32  }
0x4: {  	s3 =	simm.s32 $0x0;
	s4 =	srdreg.scid;
	s5 =	smul.u32 $0x4F000, s1  }
0x5: {  	[smem:$0x7FF] =	sst s3;
	s15 =	sand.u32 $0x1, s4;
	s9 =	sshll.u32 s1, $0x4  }
0x6: {  	s4 =	sadd.s32 $0x31E00, s14;
	s30 =	sshll.u32 s1, $0x6;
	s5 =	sshrl.u32 s5, $0x2  }
0x7: {  	_ =	strace $0x80000056;
	s8 =	sshll.u32 s15, $0x8;
	s6 =	sadd.s32 s5, s2  }
0x8: {  	s5 =	sor.u32 $0x1C02, s30;
	s7 =	sshrl.u32 s6, $0x3;
	s6 =	simm.s32 $0x2  }
0x9: {  	[spmem:s7], [sflag:s5] =	dma.local [hbm:s4], $0x2780  }
0xa: {  	s8 =	sor.u32 s9, s8;
	_ =	swait.ge [sflag:s6], $0x2780  }
0xb: {  	s9 =	sadd.s32 s8, s14;
	[sflag:s6] =	ssyncset.done $0x0  }
0xc: {  	s8 =	sadd.s32 $0xA000, s9;
	[sflag:s6] =	ssyncadd.s32 $0xFFFFD880  }
0xd: {  	[tilespmem:s3], [sflag:$0x2] =	stream.linear.gather [hbm4b:s8+s3], $0x80, $0x38;
	[tilespmem:$0x17D00] =	vst v63  }
0xe: {  	_ =	swait.ge [sflag:s6], $0x80  }
0xf: {  	[sflag:s6] =	ssyncset.done $0x0  }
0x10: {  	s10 =	simm.s32 $0x80;
	s9 =	sadd.s32 $0x83600, s9;
	[sflag:s6] =	ssyncadd.s32 $0xFFFFFF80  }
0x11: {  	[tilespmem:s10], [sflag:$0x2] =	stream.linear.gather [hbm4b:s9+s3], $0x80, $0x38;
	[tilespmem:$0x17D00] =	vst v63  }
0x12: {  	_ =	swait.ge [sflag:s6], $0x80  }
0x13: {  	[sflag:s6] =	ssyncset.done $0x0  }
0x14: {  	s12 =	simm.s32 $0x100;
	[sflag:s6] =	ssyncadd.s32 $0xFFFFFF80  }
0x15: {  	s13 =	simm.s32 $0x1;
	s11 =	sadd.s32 $0xA200, s14;
	[bflag:$0x0] =	sbarrier.arrive $0xFFFF  }
0x16: {  	[tilespmem:s12], [sflag:$0x1] =	stream.indirect.gather [hbm4b:s11+s10], $0x80, s3, s10, $0xb8;
	[tilespmem:$0x17D00] =	vst v63  }
0x17: {  	s16 =	smul.u32 $0x13C000, s15;
	s15 =	ssub.s32 $0x2, s15;
	_ =	swait.ge [sflag:s13], $0x4000  }
0x18: {  	s31 =	sshrl.u32 s15, $0x1;
	[sflag:s13] =	ssyncset.done $0x0  }
0x19: {  	s17 =	smul.u32 $0x13C00, s1;
	s15 =	ssub.s32 s15, s31;
	[sflag:s13] =	ssyncadd.s32 $0xFFFFC000  }
0x1a: {  	[spmem:s2] =	stream.indirect.scatter.add.f32 [tilespmem:s12], [sflag:$0x2], $0x80, s10, s10, $0xb8;
	[tilespmem:$0x17D00] =	vst v63  }
0x1b: {  	s16 =	sadd.s32 s17, s16;
	s15 =	smax.u32 s15, $0x1;
	_ =	swait.ge [sflag:s6], $0x4000  }
0x1c: {  	s16 =	sshrl.u32 s16, $0x3;
	p0 =	sne.s32 s15, $0x1;
	[sflag:s6] =	ssyncset.done $0x0  }
.Ltmp0:
0x1d: {  	s14 =	sadd.s32 s16, s14;
	[sflag:s6] =	ssyncadd.s32 $0xFFFFC000;
	(pc) =	sbr.rel @!p0 .LBB2_2-.Ltmp0, $4  }
0x1e: {  	s14 =	sadd.s32 $0x83800, s14;
	[bflag:$0x0] =	sbarrier.arrive $0xFFFF  }
0x1f: {  	[hbm:s14], [sflag:s5] =	dma.local [spmem:s7], $0x2780  }
0x20: {  	_ =	swait.ge [sflag:s6], $0x2780  }
0x21: {  	s15 =	sadd.s32 $0xFFFFFFFF, s15;
	[sflag:s6] =	ssyncset.done $0x0  }
.LBB2_1:
0x22: {  	p0 =	sne.s32 s15, $0x1;
	s15 =	sadd.s32 $0xFFFFFFFF, s15;
	[sflag:s6] =	ssyncadd.s32 $0xFFFFD880  }
0x23: {  	[spmem:s7], [sflag:s5] =	dma.local [hbm:s4], $0x2780  }
0x24: {  	_ =	swait.ge [sflag:s6], $0x2780  }
0x25: {  	[sflag:s6] =	ssyncset.done $0x0  }
0x26: {  	[sflag:s6] =	ssyncadd.s32 $0xFFFFD880  }
0x27: {  	[tilespmem:s3], [sflag:$0x2] =	stream.linear.gather [hbm4b:s8+s3], $0x80, $0x38;
	[tilespmem:$0x17D00] =	vst v63  }
0x28: {  	_ =	swait.ge [sflag:s6], $0x80  }
0x29: {  	[sflag:s6] =	ssyncset.done $0x0  }
0x2a: {  	[sflag:s6] =	ssyncadd.s32 $0xFFFFFF80  }
0x2b: {  	[tilespmem:s10], [sflag:$0x2] =	stream.linear.gather [hbm4b:s9+s3], $0x80, $0x38;
	[tilespmem:$0x17D00] =	vst v63  }
0x2c: {  	_ =	swait.ge [sflag:s6], $0x80  }
0x2d: {  	[sflag:s6] =	ssyncset.done $0x0  }
0x2e: {  	[sflag:s6] =	ssyncadd.s32 $0xFFFFFF80  }
0x2f: {  	[bflag:$0x0] =	sbarrier.arrive $0xFFFF  }
0x30: {  	[tilespmem:s12], [sflag:$0x1] =	stream.indirect.gather [hbm4b:s11+s10], $0x80, s3, s10, $0xb8;
	[tilespmem:$0x17D00] =	vst v63  }
0x31: {  	_ =	swait.ge [sflag:s13], $0x4000  }
0x32: {  	[sflag:s13] =	ssyncset.done $0x0  }
0x33: {  	[sflag:s13] =	ssyncadd.s32 $0xFFFFC000  }
0x34: {  	[spmem:s2] =	stream.indirect.scatter.add.f32 [tilespmem:s12], [sflag:$0x2], $0x80, s10, s10, $0xb8;
	[tilespmem:$0x17D00] =	vst v63  }
0x35: {  	_ =	swait.ge [sflag:s6], $0x4000  }
0x36: {  	[sflag:s6] =	ssyncset.done $0x0  }
.Ltmp1:
0x37: {  	[sflag:s6] =	ssyncadd.s32 $0xFFFFC000;
	(pc) =	sbr.rel @p0 .LBB2_1-.Ltmp1, $4  }
0x38: {  	[bflag:$0x0] =	sbarrier.arrive $0xFFFF  }
0x39: {  	[hbm:s14], [sflag:s5] =	dma.local [spmem:s7], $0x2780  }
0x3a: {  	_ =	swait.ge [sflag:s6], $0x2780  }
0x3b: {  	[sflag:s6] =	ssyncset.done $0x0  }
.LBB2_2:
0x3c: {  	[sflag:s6] =	ssyncadd.s32 $0xFFFFD880  }
0x3d: {  	_ =	sfence.sel $0x180000  }
0x3e: {  	[bflag:$0x0] =	sbarrier.arrive $0xFFFF  }
0x3f: {  	p0 =	sne.s32 s1, $0x0;
	_ =	strace $0x90000056  }
0x40: {  	s0 =	sadd.s32 @!p0 $0x100000, s0;
	[bflag:$0x2] =	sbarrier.arrive $0xFFFF  }
0x41: {  	[sflag:s0] =	ssyncadd.tile.s32 @!p0 $0x1;
	_ =	shalt  }
.Lfunc_end2:
_tile_overlayer_lowered:
.L_overlay_start_2:
0x42: {  	(tag) =	ssettag $0x2  }
0x43: {  	s0 =	rddreg [dreg:$0x0];
	s2 =	stileid.u32  }
0x44: {  	s1 =	rddreg [dreg:$0x1];
	p0 =	sne.s32 s2, $0x0  }
0x45: {  	s3 =	rddreg [dreg:$0x2];
	[bflag:$0x3] =	sbarrier.arrive $0xFFFF;
	s2 =	simm.s32 @!p0 $0x1C02  }
0x46: {  	[timem:s3], [sflag:s2] =	dma.local @!p0 [hbm:s0], s1  }
0x47: {  	s0 =	simm.s32 @!p0 $0x2  }
0x48: {  	_ =	swait.ge @!p0 [sflag:s0], s1  }
0x49: {  	s1 =	ssub.s32 @!p0 $0x0, s1;
	[sflag:s0] =	ssyncset.done @!p0 $0x0  }
0x4a: {  	[sflag:s0] =	ssyncadd.s32 @!p0 s1  }
0x4b: {  	[bflag:$0x3] =	sbarrier.arrive $0xFFFF  }
0x4c: {  	_ =	shalt  }

</sc_bundles>
